<compile_context>
chip_gen: v7x
topology: tpu7x:2x2x1
jax: 0.10.2.dev20260603
libtpu: 0.0.44.dev20260713+nightly
codegen_flags: <defaults>
</compile_context>

<pallas_src>
import functools

import jax
import jax.numpy as jnp
from jax import lax
from jax.experimental import pallas as pl
from jax.experimental.pallas import tpu as pltpu
from jax.experimental.pallas import tpu_sc as plsc

N = 10000
E = 2000
NNZ = 100000
D = 512

N_PAD = 10240
NUM_TILES = 16
PPT = 6272
NNZ_PAD = NUM_TILES * PPT
IDX_ROWS = PPT // 128

CHUNK_E = 125
NCHUNK = E // CHUNK_E
CHUNK_EL = CHUNK_E * N_PAD
DUMMY = CHUNK_EL
SPMEM_EL = CHUNK_EL + 64
TILE_EL = CHUNK_EL // NUM_TILES
ZW = TILE_EL // 8
SW = TILE_EL // 4


def _build_b_body(v_hbm, e_hbm, b_hbm, v_v, e_v, idx_v, ones_v, zeros_v,
                  stage_v, acc_sh, zsem, ssem, osem):
    cid = lax.axis_index("c")
    sid = lax.axis_index("s")

    ones16 = jnp.ones((16,), jnp.int32)
    zeros16 = jnp.zeros((16,), jnp.int32)
    for g in range(8):
        ones_v[pl.ds(g * 16, 16)] = ones16

    def _zinit(i, carry):
        zeros_v[pl.ds(i * 16, 16)] = zeros16
        return carry
    lax.fori_loop(0, ZW // 16, _zinit, 0)

    base = sid * PPT
    pltpu.sync_copy(v_hbm.at[pl.ds(base, PPT)], v_v)
    pltpu.sync_copy(e_hbm.at[pl.ds(base, PPT)], e_v)

    def one_chunk(p, carry):
        c = 2 * p + cid
        lo = c * CHUNK_E

        zd = [pltpu.async_copy(
                  zeros_v, acc_sh.at[pl.ds(sid * TILE_EL + z * ZW, ZW)], zsem)
              for z in range(8)]

        def idx_row(r, carry2):
            for g in range(8):
                o16 = r * 128 + g * 16
                e16 = e_v[pl.ds(o16, 16)]
                v16 = v_v[pl.ds(o16, 16)]
                rel = e16 - lo
                inr = (rel >= 0) & (rel < CHUNK_E)
                flat = rel * N_PAD + v16
                idx_v[r, pl.ds(g * 16, 16)] = jnp.where(inr, flat, DUMMY)
            return carry2
        lax.fori_loop(0, IDX_ROWS, idx_row, 0)

        for d in zd:
            d.wait()
        plsc.subcore_barrier()

        sd = [pltpu.async_copy(ones_v, acc_sh.at[idx_v.at[r]], ssem, add=True)
              for r in range(IDX_ROWS)]
        for d in sd:
            d.wait()

        plsc.subcore_barrier()
        pltpu.sync_copy(acc_sh.at[pl.ds(0, 16)], stage_v.at[pl.ds(0, 16)])
        plsc.subcore_barrier()

        for z in range(4):
            if z == 0:
                @pl.when(p > 0)
                def _():
                    pltpu.make_async_copy(
                        stage_v, b_hbm.at[pl.ds(0, SW)], osem).wait()
            else:
                pltpu.make_async_copy(
                    stage_v, b_hbm.at[pl.ds(0, SW)], osem).wait()
            off2 = sid * TILE_EL + z * SW
            pltpu.sync_copy(acc_sh.at[pl.ds(off2, SW)], stage_v)
            pltpu.async_copy(stage_v,
                             b_hbm.at[pl.ds(c * CHUNK_EL + off2, SW)], osem)
        return carry

    lax.fori_loop(0, NCHUNK // 2, one_chunk, 0)
    pltpu.make_async_copy(stage_v, b_hbm.at[pl.ds(0, SW)], osem).wait()


@functools.cache
def _build_b():
    return pl.kernel(
        _build_b_body,
        out_type=jax.ShapeDtypeStruct((E * N_PAD,), jnp.int32),
        mesh=plsc.VectorSubcoreMesh(core_axis_name="c", subcore_axis_name="s",
                                    num_cores=2, num_subcores=NUM_TILES),
        scratch_types=[
            pltpu.VMEM((PPT,), jnp.int32),
            pltpu.VMEM((PPT,), jnp.int32),
            pltpu.VMEM((IDX_ROWS, 128), jnp.int32),
            pltpu.VMEM((128,), jnp.int32),
            pltpu.VMEM((ZW,), jnp.int32),
            pltpu.VMEM((SW,), jnp.int32),
            pltpu.VMEM_SHARED((SPMEM_EL,), jnp.int32),
            pltpu.SemaphoreType.DMA,
            pltpu.SemaphoreType.DMA,
            pltpu.SemaphoreType.DMA,
        ],
    )


BK = 512
NK = N_PAD // BK
DX = D + 128


def _v2e_body(b_ref, x_ref, w_ref, ew_ref, bias_ref, out_ref, bb_ref, acc):
    j = pl.program_id(0)

    @pl.when(j == 0)
    def _():
        acc[...] = jnp.zeros_like(acc)

    bb = b_ref[...].astype(jnp.bfloat16)
    bb_ref[...] = bb
    acc[...] += jnp.dot(bb, x_ref[...], preferred_element_type=jnp.float32)

    @pl.when(j == NK - 1)
    def _():
        a = acc[...]
        de = jnp.sum(a[:, D:], axis=1, keepdims=True) * (1.0 / 128.0)
        w = ew_ref[...]
        scale = w / jnp.maximum(de, 1.0)
        xm = (a[:, :D] * scale).astype(jnp.bfloat16)
        h = lax.dot_general(xm, w_ref[...].astype(jnp.bfloat16),
                            (((1,), (1,)), ((), ())),
                            preferred_element_type=jnp.float32)
        y = (h + w * bias_ref[...]).astype(jnp.bfloat16)
        out_ref[...] = jnp.concatenate(
            [y, jnp.full((E, 128), 1.0, jnp.bfloat16)], axis=1)


def _v2e(Bm, Xc, W, ew, bias):
    return pl.pallas_call(
        _v2e_body,
        grid=(NK,),
        in_specs=[
            pl.BlockSpec((E, BK), lambda j: (0, j)),
            pl.BlockSpec((BK, DX), lambda j: (j, 0)),
            pl.BlockSpec((D, D), lambda j: (0, 0)),
            pl.BlockSpec((E, 1), lambda j: (0, 0)),
            pl.BlockSpec((1, D), lambda j: (0, 0)),
        ],
        out_specs=[pl.BlockSpec((E, DX), lambda j: (0, 0)),
                   pl.BlockSpec((E, BK), lambda j: (0, j))],
        out_shape=[jax.ShapeDtypeStruct((E, DX), jnp.bfloat16),
                   jax.ShapeDtypeStruct((E, N_PAD), jnp.bfloat16)],
        scratch_shapes=[
            pltpu.VMEM((E, DX), jnp.float32),
        ],
    )(Bm, Xc, W, ew, bias)


BN = 1024
NBLK = N_PAD // BN


def _e2v_body(b_ref, y_ref, out_ref):
    o = lax.dot_general(b_ref[...], y_ref[...],
                        (((0,), (0,)), ((), ())),
                        preferred_element_type=jnp.float32)
    dv = jnp.sum(o[:, D:], axis=1, keepdims=True) * (1.0 / 128.0)
    out_ref[...] = jnp.maximum(o[:, :D], 0.0) / jnp.maximum(dv, 1.0)


def _e2v(Bm, Y2):
    return pl.pallas_call(
        _e2v_body,
        grid=(NBLK,),
        in_specs=[
            pl.BlockSpec((E, BN), lambda i: (0, i)),
            pl.BlockSpec((E, DX), lambda i: (0, 0)),
        ],
        out_specs=pl.BlockSpec((BN, D), lambda i: (i, 0)),
        out_shape=jax.ShapeDtypeStruct((N, D), jnp.float32),
    )(Bm, Y2)


def kernel(X, v_ids, e_ids, e_weight, W, b):
    pad = NNZ_PAD - NNZ
    v_p = jnp.pad(v_ids, (0, pad))
    e_p = jnp.pad(e_ids, (0, pad), constant_values=-1)
    Bm = _build_b()(v_p, e_p).reshape(E, N_PAD)
    Xc = jnp.concatenate(
        [X.astype(jnp.bfloat16), jnp.ones((N, 128), jnp.bfloat16)], axis=1)
    Xc = jnp.pad(Xc, ((0, N_PAD - N), (0, 0)))
    Y2, Bb = _v2e(Bm, Xc, W, e_weight.reshape(E, 1), b.reshape(1, D))
    return _e2v(Bb, Y2)

# --- scband reference (transcript-rebuilt; emitter-appended) ---
"""Pipeline reference for scband-hgnnpconv-29059748725588 (READ-ONLY COPY).

The authoritative reference and input builder live on the scoring server;
editing this copy changes nothing except your own understanding.
"""

import jax, jax.numpy as jnp
import numpy as np

N = 10000
E = 2000
NNZ = 100000
DIN = 512
DOUT = 512

def setup_inputs(seed: int = 0) -> dict:
    key = jax.random.key(seed)
    ks = jax.random.split(key, 4)
    X = jax.random.normal(ks[0], (N, DIN), dtype=jnp.float32)
    v_ids = jax.random.randint(ks[1], (NNZ,), 0, N, dtype=jnp.int32)
    e_ids = jax.random.randint(ks[2], (NNZ,), 0, E, dtype=jnp.int32)
    e_weight = jnp.ones((E,), dtype=jnp.float32)
    # learned params of nn.Linear(in_channels, out_channels, bias=True)
    W = jax.random.normal(ks[3], (DOUT, DIN), dtype=jnp.float32) * (1.0 / np.sqrt(DIN))
    b = jnp.zeros((DOUT,), dtype=jnp.float32)
    return {"X": X, "v_ids": v_ids, "e_ids": e_ids, "e_weight": e_weight, "W": W, "b": b}

def reference(X, v_ids, e_ids, e_weight, W, b):
    # theta: linear projection
    H = X @ W.T + b
    # v2e aggregation (mean over vertices incident to each hyperedge)
    ones = jnp.ones((v_ids.shape[0],), dtype=jnp.float32)
    de = jnp.clip(jax.ops.segment_sum(ones, e_ids, num_segments=E), 1.0, None)
    Y = jax.ops.segment_sum(jnp.take(H, v_ids, axis=0), e_ids, num_segments=E) / de[:, None]
    # v2e update: scale hyperedge features by edge weights w_e
    Y = e_weight[:, None] * Y
    # e2v aggregation (mean over hyperedges incident to each vertex)
    dv = jnp.clip(jax.ops.segment_sum(ones, v_ids, num_segments=N), 1.0, None)
    out = jax.ops.segment_sum(jnp.take(Y, e_ids, axis=0), v_ids, num_segments=N) / dv[:, None]
    # not is_last: ReLU then Dropout (dropout is identity in eval mode)
    out = jax.nn.relu(out)
    return out

if __name__ == "__main__":
    import jax
    _d = setup_inputs()
    print(jax.jit(kernel)(*tuple(_d.values())))

</pallas_src>

<mosaic_0001>
#map = affine_map<(d0, d1) -> (0)>
module attributes {stable_mosaic.version = 14 : i64} {
  func.func @_build_b_body(%arg0: i32, %arg1: i32, %arg2: memref<100352xi32, #tpu.memory_space<hbm>>, %arg3: memref<100352xi32, #tpu.memory_space<hbm>>, %arg4: memref<20480000xi32, #tpu.memory_space<hbm>>, %arg5: memref<6272xi32, #tpu.memory_space<vmem>>, %arg6: memref<6272xi32, #tpu.memory_space<vmem>>, %arg7: memref<49x128xi32, #tpu.memory_space<vmem>>, %arg8: memref<128xi32, #tpu.memory_space<vmem>>, %arg9: memref<10000xi32, #tpu.memory_space<vmem>>, %arg10: memref<20000xi32, #tpu.memory_space<vmem>>, %arg11: memref<1280064xi32, #tpu.memory_space<vmem_shared>>, %arg12: memref<!tpu.dma_semaphore, #tpu.memory_space<semaphore_mem>>, %arg13: memref<!tpu.dma_semaphore, #tpu.memory_space<semaphore_mem>>, %arg14: memref<!tpu.dma_semaphore, #tpu.memory_space<semaphore_mem>>) attributes {dimension_semantics = [#tpu.dimension_semantics<core_parallel>, #tpu.dimension_semantics<subcore_parallel>], iteration_bounds = array<i64: 2, 16>, scalar_prefetch = 0 : i64, scratch_operands = 10 : i64, tpu.core_type = #tpu.core_type<sc_vector_subcore>, window_params = [{transform_indices = #map}, {transform_indices = #map}, {transform_indices = #map}]} {
    %broadcast_in_dim3A = arith.constant 1 : i32
    %broadcast_in_dim3A_0 = vector.broadcast %broadcast_in_dim3A : i32 to vector<16xi32>
    %broadcast_in_dim3A_1 = arith.constant 0 : i32
    %broadcast_in_dim3A_2 = vector.broadcast %broadcast_in_dim3A_1 : i32 to vector<16xi32>
    %swap3A = arith.constant 0 : index
    %swap3A_3 = tpu.vector_load %arg8[%swap3A] {strides = array<i32>} : memref<128xi32, #tpu.memory_space<vmem>>, vector<16xi32>,
    %swap3A_4 = vector.shape_cast %swap3A_3 : vector<16xi32> to vector<16xi32>
    %swap3A_5 = vector.shape_cast %broadcast_in_dim3A_0 : vector<16xi32> to vector<16xi32>
    tpu.vector_store %arg8[%swap3A], %swap3A_5 {strides = array<i32>} : memref<128xi32, #tpu.memory_space<vmem>>, vector<16xi32>,
    %swap3A_6 = arith.constant 16 : index
    %swap3A_7 = tpu.vector_load %arg8[%swap3A_6] {strides = array<i32>} : memref<128xi32, #tpu.memory_space<vmem>>, vector<16xi32>,
    %swap3A_8 = vector.shape_cast %swap3A_7 : vector<16xi32> to vector<16xi32>
    %swap3A_9 = vector.shape_cast %broadcast_in_dim3A_0 : vector<16xi32> to vector<16xi32>
    tpu.vector_store %arg8[%swap3A_6], %swap3A_9 {strides = array<i32>} : memref<128xi32, #tpu.memory_space<vmem>>, vector<16xi32>,
    %swap3A_10 = arith.constant 32 : index
    %swap3A_11 = tpu.vector_load %arg8[%swap3A_10] {strides = array<i32>} : memref<128xi32, #tpu.memory_space<vmem>>, vector<16xi32>,
    %swap3A_12 = vector.shape_cast %swap3A_11 : vector<16xi32> to vector<16xi32>
    %swap3A_13 = vector.shape_cast %broadcast_in_dim3A_0 : vector<16xi32> to vector<16xi32>
    tpu.vector_store %arg8[%swap3A_10], %swap3A_13 {strides = array<i32>} : memref<128xi32, #tpu.memory_space<vmem>>, vector<16xi32>,
    %swap3A_14 = arith.constant 48 : index
    %swap3A_15 = tpu.vector_load %arg8[%swap3A_14] {strides = array<i32>} : memref<128xi32, #tpu.memory_space<vmem>>, vector<16xi32>,
    %swap3A_16 = vector.shape_cast %swap3A_15 : vector<16xi32> to vector<16xi32>
    %swap3A_17 = vector.shape_cast %broadcast_in_dim3A_0 : vector<16xi32> to vector<16xi32>
    tpu.vector_store %arg8[%swap3A_14], %swap3A_17 {strides = array<i32>} : memref<128xi32, #tpu.memory_space<vmem>>, vector<16xi32>,
    %swap3A_18 = arith.constant 64 : index
    %swap3A_19 = tpu.vector_load %arg8[%swap3A_18] {strides = array<i32>} : memref<128xi32, #tpu.memory_space<vmem>>, vector<16xi32>,
    %swap3A_20 = vector.shape_cast %swap3A_19 : vector<16xi32> to vector<16xi32>
    %swap3A_21 = vector.shape_cast %broadcast_in_dim3A_0 : vector<16xi32> to vector<16xi32>
    tpu.vector_store %arg8[%swap3A_18], %swap3A_21 {strides = array<i32>} : memref<128xi32, #tpu.memory_space<vmem>>, vector<16xi32>,
    %swap3A_22 = arith.constant 80 : index
    %swap3A_23 = tpu.vector_load %arg8[%swap3A_22] {strides = array<i32>} : memref<128xi32, #tpu.memory_space<vmem>>, vector<16xi32>,
    %swap3A_24 = vector.shape_cast %swap3A_23 : vector<16xi32> to vector<16xi32>
    %swap3A_25 = vector.shape_cast %broadcast_in_dim3A_0 : vector<16xi32> to vector<16xi32>
    tpu.vector_store %arg8[%swap3A_22], %swap3A_25 {strides = array<i32>} : memref<128xi32, #tpu.memory_space<vmem>>, vector<16xi32>,
    %swap3A_26 = arith.constant 96 : index
    %swap3A_27 = tpu.vector_load %arg8[%swap3A_26] {strides = array<i32>} : memref<128xi32, #tpu.memory_space<vmem>>, vector<16xi32>,
    %swap3A_28 = vector.shape_cast %swap3A_27 : vector<16xi32> to vector<16xi32>
    %swap3A_29 = vector.shape_cast %broadcast_in_dim3A_0 : vector<16xi32> to vector<16xi32>
    tpu.vector_store %arg8[%swap3A_26], %swap3A_29 {strides = array<i32>} : memref<128xi32, #tpu.memory_space<vmem>>, vector<16xi32>,
    %swap3A_30 = arith.constant 112 : index
    %swap3A_31 = tpu.vector_load %arg8[%swap3A_30] {strides = array<i32>} : memref<128xi32, #tpu.memory_space<vmem>>, vector<16xi32>,
    %swap3A_32 = vector.shape_cast %swap3A_31 : vector<16xi32> to vector<16xi32>
    %swap3A_33 = vector.shape_cast %broadcast_in_dim3A_0 : vector<16xi32> to vector<16xi32>
    tpu.vector_store %arg8[%swap3A_30], %swap3A_33 {strides = array<i32>} : memref<128xi32, #tpu.memory_space<vmem>>, vector<16xi32>,
    %scan3A = arith.constant 0 : i32
    %scan3A_34 = arith.constant 0 : i32
    %scan3A_35 = arith.constant 625 : i32
    %scan3A_36 = arith.addi %scan3A_34, %scan3A_35 : i32
    %scan3A_37 = arith.constant 1 : i32
    scf.for %scan3A_49 = %scan3A_34 to %scan3A_36 step %scan3A_37  : i32 {
      %mul3A_50 = arith.constant 16 : i32
      %mul3A_51 = arith.muli %scan3A_49, %mul3A_50 : i32
      %swap3A_52 = arith.index_cast %mul3A_51 : i32 to index
      %swap3A_53 = tpu.vector_load %arg9[%swap3A_52] {strides = array<i32>} : memref<10000xi32, #tpu.memory_space<vmem>>, vector<16xi32>,
      %swap3A_54 = vector.shape_cast %swap3A_53 : vector<16xi32> to vector<16xi32>
      %swap3A_55 = vector.shape_cast %broadcast_in_dim3A_2 : vector<16xi32> to vector<16xi32>
      tpu.vector_store %arg9[%swap3A_52], %swap3A_55 {strides = array<i32>} : memref<10000xi32, #tpu.memory_space<vmem>>, vector<16xi32>,
    }
    %scan3A_38 = arith.constant 625 : i32
    %mul3A = arith.constant 6272 : i32
    %mul3A_39 = arith.muli %arg1, %mul3A : i32
    "tpu.region"() ({
      %run_scoped3A = tpu.sem_alloc : memref<!tpu.dma_semaphore, #tpu.memory_space<semaphore_mem>>
      %dma_start3A = tpu.memref_slice %arg2[%mul3A_39] : memref<100352xi32, #tpu.memory_space<hbm>> -> memref<6272xi32, #tpu.memory_space<hbm>>
      %dma_start3A_49 = tpu.memref_slice %arg2[%mul3A_39] : memref<100352xi32, #tpu.memory_space<hbm>> -> memref<6272xi32, #tpu.memory_space<hbm>>
      tpu.enqueue_dma source(%dma_start3A_49 : memref<6272xi32, #tpu.memory_space<hbm>>) target(%arg5 : memref<6272xi32, #tpu.memory_space<vmem>>) target_semaphore(%run_scoped3A : memref<!tpu.dma_semaphore, #tpu.memory_space<semaphore_mem>>)
      %dma_wait3A_50 = tpu.memref_slice %arg2[%mul3A_39] : memref<100352xi32, #tpu.memory_space<hbm>> -> memref<6272xi32, #tpu.memory_space<hbm>>
      %dma_wait3A_51 = tpu.memref_slice %arg2[%mul3A_39] : memref<100352xi32, #tpu.memory_space<hbm>> -> memref<6272xi32, #tpu.memory_space<hbm>>
      tpu.wait_dma2 semaphore(%run_scoped3A : memref<!tpu.dma_semaphore, #tpu.memory_space<semaphore_mem>>) src(%dma_wait3A_51 : memref<6272xi32, #tpu.memory_space<hbm>>) dst(%arg5 : memref<6272xi32, #tpu.memory_space<vmem>>)
      tpu.yield
    }) : () -> ()
    "tpu.region"() ({
      %run_scoped3A = tpu.sem_alloc : memref<!tpu.dma_semaphore, #tpu.memory_space<semaphore_mem>>
      %dma_start3A = tpu.memref_slice %arg3[%mul3A_39] : memref<100352xi32, #tpu.memory_space<hbm>> -> memref<6272xi32, #tpu.memory_space<hbm>>
      %dma_start3A_49 = tpu.memref_slice %arg3[%mul3A_39] : memref<100352xi32, #tpu.memory_space<hbm>> -> memref<6272xi32, #tpu.memory_space<hbm>>
      tpu.enqueue_dma source(%dma_start3A_49 : memref<6272xi32, #tpu.memory_space<hbm>>) target(%arg6 : memref<6272xi32, #tpu.memory_space<vmem>>) target_semaphore(%run_scoped3A : memref<!tpu.dma_semaphore, #tpu.memory_space<semaphore_mem>>)
      %dma_wait3A_50 = tpu.memref_slice %arg3[%mul3A_39] : memref<100352xi32, #tpu.memory_space<hbm>> -> memref<6272xi32, #tpu.memory_space<hbm>>
      %dma_wait3A_51 = tpu.memref_slice %arg3[%mul3A_39] : memref<100352xi32, #tpu.memory_space<hbm>> -> memref<6272xi32, #tpu.memory_space<hbm>>
      tpu.wait_dma2 semaphore(%run_scoped3A : memref<!tpu.dma_semaphore, #tpu.memory_space<semaphore_mem>>) src(%dma_wait3A_51 : memref<6272xi32, #tpu.memory_space<hbm>>) dst(%arg6 : memref<6272xi32, #tpu.memory_space<vmem>>)
      tpu.yield
    }) : () -> ()
    %scan3A_40 = arith.constant 0 : i32
    %scan3A_41 = arith.constant 0 : i32
    %scan3A_42 = arith.constant 8 : i32
    %scan3A_43 = arith.addi %scan3A_41, %scan3A_42 : i32
    %scan3A_44 = arith.constant 1 : i32
    scf.for %scan3A_49 = %scan3A_41 to %scan3A_43 step %scan3A_44  : i32 {
      %mul3A_50 = arith.constant 2 : i32
      %mul3A_51 = arith.muli %mul3A_50, %scan3A_49 : i32
      %add3A = arith.addi %mul3A_51, %arg0 : i32
      %mul3A_52 = arith.constant 125 : i32
      %mul3A_53 = arith.muli %add3A, %mul3A_52 : i32
      %mul3A_54 = arith.constant 80000 : i32
      %mul3A_55 = arith.muli %arg1, %mul3A_54 : i32
      %add3A_56 = arith.constant 0 : i32
      %add3A_57 = arith.addi %mul3A_55, %add3A_56 : i32
      %dma_start3A = tpu.memref_slice %arg11[%add3A_57] : memref<1280064xi32, #tpu.memory_space<vmem_shared>> -> memref<10000xi32, #tpu.memory_space<vmem_shared>>
      %dma_start3A_58 = tpu.memref_slice %arg11[%add3A_57] : memref<1280064xi32, #tpu.memory_space<vmem_shared>> -> memref<10000xi32, #tpu.memory_space<vmem_shared>>
      tpu.enqueue_dma source(%arg9 : memref<10000xi32, #tpu.memory_space<vmem>>) target(%dma_start3A_58 : memref<10000xi32, #tpu.memory_space<vmem_shared>>) target_semaphore(%arg12 : memref<!tpu.dma_semaphore, #tpu.memory_space<semaphore_mem>>)
      %mul3A_59 = arith.constant 80000 : i32
      %mul3A_60 = arith.muli %arg1, %mul3A_59 : i32
      %add3A_61 = arith.constant 10000 : i32
      %add3A_62 = arith.addi %mul3A_60, %add3A_61 : i32
      %dma_start3A_63 = tpu.memref_slice %arg11[%add3A_62] : memref<1280064xi32, #tpu.memory_space<vmem_shared>> -> memref<10000xi32, #tpu.memory_space<vmem_shared>>
      %dma_start3A_64 = tpu.memref_slice %arg11[%add3A_62] : memref<1280064xi32, #tpu.memory_space<vmem_shared>> -> memref<10000xi32, #tpu.memory_space<vmem_shared>>
      tpu.enqueue_dma source(%arg9 : memref<10000xi32, #tpu.memory_space<vmem>>) target(%dma_start3A_64 : memref<10000xi32, #tpu.memory_space<vmem_shared>>) target_semaphore(%arg12 : memref<!tpu.dma_semaphore, #tpu.memory_space<semaphore_mem>>)
      %mul3A_65 = arith.constant 80000 : i32
      %mul3A_66 = arith.muli %arg1, %mul3A_65 : i32
      %add3A_67 = arith.constant 20000 : i32
      %add3A_68 = arith.addi %mul3A_66, %add3A_67 : i32
      %dma_start3A_69 = tpu.memref_slice %arg11[%add3A_68] : memref<1280064xi32, #tpu.memory_space<vmem_shared>> -> memref<10000xi32, #tpu.memory_space<vmem_shared>>
      %dma_start3A_70 = tpu.memref_slice %arg11[%add3A_68] : memref<1280064xi32, #tpu.memory_space<vmem_shared>> -> memref<10000xi32, #tpu.memory_space<vmem_shared>>
      tpu.enqueue_dma source(%arg9 : memref<10000xi32, #tpu.memory_space<vmem>>) target(%dma_start3A_70 : memref<10000xi32, #tpu.memory_space<vmem_shared>>) target_semaphore(%arg12 : memref<!tpu.dma_semaphore, #tpu.memory_space<semaphore_mem>>)
      %mul3A_71 = arith.constant 80000 : i32
      %mul3A_72 = arith.muli %arg1, %mul3A_71 : i32
      %add3A_73 = arith.constant 30000 : i32
      %add3A_74 = arith.addi %mul3A_72, %add3A_73 : i32
      %dma_start3A_75 = tpu.memref_slice %arg11[%add3A_74] : memref<1280064xi32, #tpu.memory_space<vmem_shared>> -> memref<10000xi32, #tpu.memory_space<vmem_shared>>
      %dma_start3A_76 = tpu.memref_slice %arg11[%add3A_74] : memref<1280064xi32, #tpu.memory_space<vmem_shared>> -> memref<10000xi32, #tpu.memory_space<vmem_shared>>
      tpu.enqueue_dma source(%arg9 : memref<10000xi32, #tpu.memory_space<vmem>>) target(%dma_start3A_76 : memref<10000xi32, #tpu.memory_space<vmem_shared>>) target_semaphore(%arg12 : memref<!tpu.dma_semaphore, #tpu.memory_space<semaphore_mem>>)
      %mul3A_77 = arith.constant 80000 : i32
      %mul3A_78 = arith.muli %arg1, %mul3A_77 : i32
      %add3A_79 = arith.constant 40000 : i32
      %add3A_80 = arith.addi %mul3A_78, %add3A_79 : i32
      %dma_start3A_81 = tpu.memref_slice %arg11[%add3A_80] : memref<1280064xi32, #tpu.memory_space<vmem_shared>> -> memref<10000xi32, #tpu.memory_space<vmem_shared>>
      %dma_start3A_82 = tpu.memref_slice %arg11[%add3A_80] : memref<1280064xi32, #tpu.memory_space<vmem_shared>> -> memref<10000xi32, #tpu.memory_space<vmem_shared>>
      tpu.enqueue_dma source(%arg9 : memref<10000xi32, #tpu.memory_space<vmem>>) target(%dma_start3A_82 : memref<10000xi32, #tpu.memory_space<vmem_shared>>) target_semaphore(%arg12 : memref<!tpu.dma_semaphore, #tpu.memory_space<semaphore_mem>>)
      %mul3A_83 = arith.constant 80000 : i32
      %mul3A_84 = arith.muli %arg1, %mul3A_83 : i32
      %add3A_85 = arith.constant 50000 : i32
      %add3A_86 = arith.addi %mul3A_84, %add3A_85 : i32
      %dma_start3A_87 = tpu.memref_slice %arg11[%add3A_86] : memref<1280064xi32, #tpu.memory_space<vmem_shared>> -> memref<10000xi32, #tpu.memory_space<vmem_shared>>
      %dma_start3A_88 = tpu.memref_slice %arg11[%add3A_86] : memref<1280064xi32, #tpu.memory_space<vmem_shared>> -> memref<10000xi32, #tpu.memory_space<vmem_shared>>
      tpu.enqueue_dma source(%arg9 : memref<10000xi32, #tpu.memory_space<vmem>>) target(%dma_start3A_88 : memref<10000xi32, #tpu.memory_space<vmem_shared>>) target_semaphore(%arg12 : memref<!tpu.dma_semaphore, #tpu.memory_space<semaphore_mem>>)
      %mul3A_89 = arith.constant 80000 : i32
      %mul3A_90 = arith.muli %arg1, %mul3A_89 : i32
      %add3A_91 = arith.constant 60000 : i32
      %add3A_92 = arith.addi %mul3A_90, %add3A_91 : i32
      %dma_start3A_93 = tpu.memref_slice %arg11[%add3A_92] : memref<1280064xi32, #tpu.memory_space<vmem_shared>> -> memref<10000xi32, #tpu.memory_space<vmem_shared>>
      %dma_start3A_94 = tpu.memref_slice %arg11[%add3A_92] : memref<1280064xi32, #tpu.memory_space<vmem_shared>> -> memref<10000xi32, #tpu.memory_space<vmem_shared>>
      tpu.enqueue_dma source(%arg9 : memref<10000xi32, #tpu.memory_space<vmem>>) target(%dma_start3A_94 : memref<10000xi32, #tpu.memory_space<vmem_shared>>) target_semaphore(%arg12 : memref<!tpu.dma_semaphore, #tpu.memory_space<semaphore_mem>>)
      %mul3A_95 = arith.constant 80000 : i32
      %mul3A_96 = arith.muli %arg1, %mul3A_95 : i32
      %add3A_97 = arith.constant 70000 : i32
      %add3A_98 = arith.addi %mul3A_96, %add3A_97 : i32
      %dma_start3A_99 = tpu.memref_slice %arg11[%add3A_98] : memref<1280064xi32, #tpu.memory_space<vmem_shared>> -> memref<10000xi32, #tpu.memory_space<vmem_shared>>
      %dma_start3A_100 = tpu.memref_slice %arg11[%add3A_98] : memref<1280064xi32, #tpu.memory_space<vmem_shared>> -> memref<10000xi32, #tpu.memory_space<vmem_shared>>
      tpu.enqueue_dma source(%arg9 : memref<10000xi32, #tpu.memory_space<vmem>>) target(%dma_start3A_100 : memref<10000xi32, #tpu.memory_space<vmem_shared>>) target_semaphore(%arg12 : memref<!tpu.dma_semaphore, #tpu.memory_space<semaphore_mem>>)
      %scan3A_101 = arith.constant 0 : i32
      %scan3A_102 = arith.constant 0 : i32
      %scan3A_103 = arith.constant 49 : i32
      %scan3A_104 = arith.addi %scan3A_102, %scan3A_103 : i32
      %scan3A_105 = arith.constant 1 : i32
      scf.for %scan3A_763 = %scan3A_102 to %scan3A_104 step %scan3A_105  : i32 {
        %mul3A_764 = arith.constant 128 : i32
        %mul3A_765 = arith.muli %scan3A_763, %mul3A_764 : i32
        %add3A_766 = arith.constant 0 : i32
        %add3A_767 = arith.addi %mul3A_765, %add3A_766 : i32
        %get3A = arith.index_cast %add3A_767 : i32 to index
        %get3A_768 = tpu.vector_load %arg6[%get3A] {strides = array<i32>} : memref<6272xi32, #tpu.memory_space<vmem>>, vector<16xi32>,
        %get3A_769 = vector.shape_cast %get3A_768 : vector<16xi32> to vector<16xi32>
        %get3A_770 = arith.index_cast %add3A_767 : i32 to index
        %get3A_771 = tpu.vector_load %arg5[%get3A_770] {strides = array<i32>} : memref<6272xi32, #tpu.memory_space<vmem>>, vector<16xi32>,
        %get3A_772 = vector.shape_cast %get3A_771 : vector<16xi32> to vector<16xi32>
        %sub3A = vector.broadcast %mul3A_53 : i32 to vector<16xi32>
        %sub3A_773 = arith.subi %get3A_769, %sub3A : vector<16xi32>
        %ge3A = arith.constant 0 : i32
        %ge3A_774 = vector.broadcast %ge3A : i32 to vector<16xi32>
        %ge3A_775 = arith.cmpi sge, %sub3A_773, %ge3A_774 : vector<16xi32>
        %lt3A = arith.constant 125 : i32
        %lt3A_776 = vector.broadcast %lt3A : i32 to vector<16xi32>
        %lt3A_777 = arith.cmpi slt, %sub3A_773, %lt3A_776 : vector<16xi32>
        %and3A = arith.andi %ge3A_775, %lt3A_777 : vector<16xi1>
        %mul3A_778 = arith.constant 10240 : i32
        %mul3A_779 = vector.broadcast %mul3A_778 : i32 to vector<16xi32>
        %mul3A_780 = arith.muli %sub3A_773, %mul3A_779 : vector<16xi32>
        %add3A_781 = arith.addi %mul3A_780, %get3A_772 : vector<16xi32>
        %jit3A = arith.constant 1280000 : i32
        %broadcast_in_dim3A_782 = vector.broadcast %jit3A : i32 to vector<16xi32>
        %select_n3A = arith.select %and3A, %add3A_781, %broadcast_in_dim3A_782 : vector<16xi1>, vector<16xi32>
        %swap3A_783 = arith.index_cast %scan3A_763 : i32 to index
        %swap3A_784 = arith.constant 0 : index
        %swap3A_785 = tpu.vector_load %arg7[%swap3A_783, %swap3A_784] {strides = array<i32>} : memref<49x128xi32, #tpu.memory_space<vmem>>, vector<1x16xi32>,
        %swap3A_786 = vector.shape_cast %swap3A_785 : vector<1x16xi32> to vector<16xi32>
        %swap3A_787 = vector.shape_cast %select_n3A : vector<16xi32> to vector<1x16xi32>
        tpu.vector_store %arg7[%swap3A_783, %swap3A_784], %swap3A_787 {strides = array<i32>} : memref<49x128xi32, #tpu.memory_space<vmem>>, vector<1x16xi32>,
        %mul3A_788 = arith.constant 128 : i32
        %mul3A_789 = arith.muli %scan3A_763, %mul3A_788 : i32
        %add3A_790 = arith.constant 16 : i32
        %add3A_791 = arith.addi %mul3A_789, %add3A_790 : i32
        %get3A_792 = arith.index_cast %add3A_791 : i32 to index
        %get3A_793 = tpu.vector_load %arg6[%get3A_792] {strides = array<i32>} : memref<6272xi32, #tpu.memory_space<vmem>>, vector<16xi32>,
        %get3A_794 = vector.shape_cast %get3A_793 : vector<16xi32> to vector<16xi32>
        %get3A_795 = arith.index_cast %add3A_791 : i32 to index
        %get3A_796 = tpu.vector_load %arg5[%get3A_795] {strides = array<i32>} : memref<6272xi32, #tpu.memory_space<vmem>>, vector<16xi32>,
        %get3A_797 = vector.shape_cast %get3A_796 : vector<16xi32> to vector<16xi32>
        %sub3A_798 = vector.broadcast %mul3A_53 : i32 to vector<16xi32>
        %sub3A_799 = arith.subi %get3A_794, %sub3A_798 : vector<16xi32>
        %ge3A_800 = arith.constant 0 : i32
        %ge3A_801 = vector.broadcast %ge3A_800 : i32 to vector<16xi32>
        %ge3A_802 = arith.cmpi sge, %sub3A_799, %ge3A_801 : vector<16xi32>
        %lt3A_803 = arith.constant 125 : i32
        %lt3A_804 = vector.broadcast %lt3A_803 : i32 to vector<16xi32>
        %lt3A_805 = arith.cmpi slt, %sub3A_799, %lt3A_804 : vector<16xi32>
        %and3A_806 = arith.andi %ge3A_802, %lt3A_805 : vector<16xi1>
        %mul3A_807 = arith.constant 10240 : i32
        %mul3A_808 = vector.broadcast %mul3A_807 : i32 to vector<16xi32>
        %mul3A_809 = arith.muli %sub3A_799, %mul3A_808 : vector<16xi32>
        %add3A_810 = arith.addi %mul3A_809, %get3A_797 : vector<16xi32>
        %jit3A_811 = arith.constant 1280000 : i32
        %broadcast_in_dim3A_812 = vector.broadcast %jit3A_811 : i32 to vector<16xi32>
        %select_n3A_813 = arith.select %and3A_806, %add3A_810, %broadcast_in_dim3A_812 : vector<16xi1>, vector<16xi32>
        %swap3A_814 = arith.index_cast %scan3A_763 : i32 to index
        %swap3A_815 = arith.constant 16 : index
        %swap3A_816 = tpu.vector_load %arg7[%swap3A_814, %swap3A_815] {strides = array<i32>} : memref<49x128xi32, #tpu.memory_space<vmem>>, vector<1x16xi32>,
        %swap3A_817 = vector.shape_cast %swap3A_816 : vector<1x16xi32> to vector<16xi32>
        %swap3A_818 = vector.shape_cast %select_n3A_813 : vector<16xi32> to vector<1x16xi32>
        tpu.vector_store %arg7[%swap3A_814, %swap3A_815], %swap3A_818 {strides = array<i32>} : memref<49x128xi32, #tpu.memory_space<vmem>>, vector<1x16xi32>,
        %mul3A_819 = arith.constant 128 : i32
        %mul3A_820 = arith.muli %scan3A_763, %mul3A_819 : i32
        %add3A_821 = arith.constant 32 : i32
        %add3A_822 = arith.addi %mul3A_820, %add3A_821 : i32
        %get3A_823 = arith.index_cast %add3A_822 : i32 to index
        %get3A_824 = tpu.vector_load %arg6[%get3A_823] {strides = array<i32>} : memref<6272xi32, #tpu.memory_space<vmem>>, vector<16xi32>,
        %get3A_825 = vector.shape_cast %get3A_824 : vector<16xi32> to vector<16xi32>
        %get3A_826 = arith.index_cast %add3A_822 : i32 to index
        %get3A_827 = tpu.vector_load %arg5[%get3A_826] {strides = array<i32>} : memref<6272xi32, #tpu.memory_space<vmem>>, vector<16xi32>,
        %get3A_828 = vector.shape_cast %get3A_827 : vector<16xi32> to vector<16xi32>
        %sub3A_829 = vector.broadcast %mul3A_53 : i32 to vector<16xi32>
        %sub3A_830 = arith.subi %get3A_825, %sub3A_829 : vector<16xi32>
        %ge3A_831 = arith.constant 0 : i32
        %ge3A_832 = vector.broadcast %ge3A_831 : i32 to vector<16xi32>
        %ge3A_833 = arith.cmpi sge, %sub3A_830, %ge3A_832 : vector<16xi32>
        %lt3A_834 = arith.constant 125 : i32
        %lt3A_835 = vector.broadcast %lt3A_834 : i32 to vector<16xi32>
        %lt3A_836 = arith.cmpi slt, %sub3A_830, %lt3A_835 : vector<16xi32>
        %and3A_837 = arith.andi %ge3A_833, %lt3A_836 : vector<16xi1>
        %mul3A_838 = arith.constant 10240 : i32
        %mul3A_839 = vector.broadcast %mul3A_838 : i32 to vector<16xi32>
        %mul3A_840 = arith.muli %sub3A_830, %mul3A_839 : vector<16xi32>
        %add3A_841 = arith.addi %mul3A_840, %get3A_828 : vector<16xi32>
        %jit3A_842 = arith.constant 1280000 : i32
        %broadcast_in_dim3A_843 = vector.broadcast %jit3A_842 : i32 to vector<16xi32>
        %select_n3A_844 = arith.select %and3A_837, %add3A_841, %broadcast_in_dim3A_843 : vector<16xi1>, vector<16xi32>
        %swap3A_845 = arith.index_cast %scan3A_763 : i32 to index
        %swap3A_846 = arith.constant 32 : index
        %swap3A_847 = tpu.vector_load %arg7[%swap3A_845, %swap3A_846] {strides = array<i32>} : memref<49x128xi32, #tpu.memory_space<vmem>>, vector<1x16xi32>,
        %swap3A_848 = vector.shape_cast %swap3A_847 : vector<1x16xi32> to vector<16xi32>
        %swap3A_849 = vector.shape_cast %select_n3A_844 : vector<16xi32> to vector<1x16xi32>
        tpu.vector_store %arg7[%swap3A_845, %swap3A_846], %swap3A_849 {strides = array<i32>} : memref<49x128xi32, #tpu.memory_space<vmem>>, vector<1x16xi32>,
        %mul3A_850 = arith.constant 128 : i32
        %mul3A_851 = arith.muli %scan3A_763, %mul3A_850 : i32
        %add3A_852 = arith.constant 48 : i32
        %add3A_853 = arith.addi %mul3A_851, %add3A_852 : i32
        %get3A_854 = arith.index_cast %add3A_853 : i32 to index
        %get3A_855 = tpu.vector_load %arg6[%get3A_854] {strides = array<i32>} : memref<6272xi32, #tpu.memory_space<vmem>>, vector<16xi32>,
        %get3A_856 = vector.shape_cast %get3A_855 : vector<16xi32> to vector<16xi32>
        %get3A_857 = arith.index_cast %add3A_853 : i32 to index
        %get3A_858 = tpu.vector_load %arg5[%get3A_857] {strides = array<i32>} : memref<6272xi32, #tpu.memory_space<vmem>>, vector<16xi32>,
        %get3A_859 = vector.shape_cast %get3A_858 : vector<16xi32> to vector<16xi32>
        %sub3A_860 = vector.broadcast %mul3A_53 : i32 to vector<16xi32>
        %sub3A_861 = arith.subi %get3A_856, %sub3A_860 : vector<16xi32>
        %ge3A_862 = arith.constant 0 : i32
        %ge3A_863 = vector.broadcast %ge3A_862 : i32 to vector<16xi32>
        %ge3A_864 = arith.cmpi sge, %sub3A_861, %ge3A_863 : vector<16xi32>
        %lt3A_865 = arith.constant 125 : i32
        %lt3A_866 = vector.broadcast %lt3A_865 : i32 to vector<16xi32>
        %lt3A_867 = arith.cmpi slt, %sub3A_861, %lt3A_866 : vector<16xi32>
        %and3A_868 = arith.andi %ge3A_864, %lt3A_867 : vector<16xi1>
        %mul3A_869 = arith.constant 10240 : i32
        %mul3A_870 = vector.broadcast %mul3A_869 : i32 to vector<16xi32>
        %mul3A_871 = arith.muli %sub3A_861, %mul3A_870 : vector<16xi32>
        %add3A_872 = arith.addi %mul3A_871, %get3A_859 : vector<16xi32>
        %jit3A_873 = arith.constant 1280000 : i32
        %broadcast_in_dim3A_874 = vector.broadcast %jit3A_873 : i32 to vector<16xi32>
        %select_n3A_875 = arith.select %and3A_868, %add3A_872, %broadcast_in_dim3A_874 : vector<16xi1>, vector<16xi32>
        %swap3A_876 = arith.index_cast %scan3A_763 : i32 to index
        %swap3A_877 = arith.constant 48 : index
        %swap3A_878 = tpu.vector_load %arg7[%swap3A_876, %swap3A_877] {strides = array<i32>} : memref<49x128xi32, #tpu.memory_space<vmem>>, vector<1x16xi32>,
        %swap3A_879 = vector.shape_cast %swap3A_878 : vector<1x16xi32> to vector<16xi32>
        %swap3A_880 = vector.shape_cast %select_n3A_875 : vector<16xi32> to vector<1x16xi32>
        tpu.vector_store %arg7[%swap3A_876, %swap3A_877], %swap3A_880 {strides = array<i32>} : memref<49x128xi32, #tpu.memory_space<vmem>>, vector<1x16xi32>,
        %mul3A_881 = arith.constant 128 : i32
        %mul3A_882 = arith.muli %scan3A_763, %mul3A_881 : i32
        %add3A_883 = arith.constant 64 : i32
        %add3A_884 = arith.addi %mul3A_882, %add3A_883 : i32
        %get3A_885 = arith.index_cast %add3A_884 : i32 to index
        %get3A_886 = tpu.vector_load %arg6[%get3A_885] {strides = array<i32>} : memref<6272xi32, #tpu.memory_space<vmem>>, vector<16xi32>,
        %get3A_887 = vector.shape_cast %get3A_886 : vector<16xi32> to vector<16xi32>
        %get3A_888 = arith.index_cast %add3A_884 : i32 to index
        %get3A_889 = tpu.vector_load %arg5[%get3A_888] {strides = array<i32>} : memref<6272xi32, #tpu.memory_space<vmem>>, vector<16xi32>,
        %get3A_890 = vector.shape_cast %get3A_889 : vector<16xi32> to vector<16xi32>
        %sub3A_891 = vector.broadcast %mul3A_53 : i32 to vector<16xi32>
        %sub3A_892 = arith.subi %get3A_887, %sub3A_891 : vector<16xi32>
        %ge3A_893 = arith.constant 0 : i32
        %ge3A_894 = vector.broadcast %ge3A_893 : i32 to vector<16xi32>
        %ge3A_895 = arith.cmpi sge, %sub3A_892, %ge3A_894 : vector<16xi32>
        %lt3A_896 = arith.constant 125 : i32
        %lt3A_897 = vector.broadcast %lt3A_896 : i32 to vector<16xi32>
        %lt3A_898 = arith.cmpi slt, %sub3A_892, %lt3A_897 : vector<16xi32>
        %and3A_899 = arith.andi %ge3A_895, %lt3A_898 : vector<16xi1>
        %mul3A_900 = arith.constant 10240 : i32
        %mul3A_901 = vector.broadcast %mul3A_900 : i32 to vector<16xi32>
        %mul3A_902 = arith.muli %sub3A_892, %mul3A_901 : vector<16xi32>
        %add3A_903 = arith.addi %mul3A_902, %get3A_890 : vector<16xi32>
        %jit3A_904 = arith.constant 1280000 : i32
        %broadcast_in_dim3A_905 = vector.broadcast %jit3A_904 : i32 to vector<16xi32>
        %select_n3A_906 = arith.select %and3A_899, %add3A_903, %broadcast_in_dim3A_905 : vector<16xi1>, vector<16xi32>
        %swap3A_907 = arith.index_cast %scan3A_763 : i32 to index
        %swap3A_908 = arith.constant 64 : index
        %swap3A_909 = tpu.vector_load %arg7[%swap3A_907, %swap3A_908] {strides = array<i32>} : memref<49x128xi32, #tpu.memory_space<vmem>>, vector<1x16xi32>,
        %swap3A_910 = vector.shape_cast %swap3A_909 : vector<1x16xi32> to vector<16xi32>
        %swap3A_911 = vector.shape_cast %select_n3A_906 : vector<16xi32> to vector<1x16xi32>
        tpu.vector_store %arg7[%swap3A_907, %swap3A_908], %swap3A_911 {strides = array<i32>} : memref<49x128xi32, #tpu.memory_space<vmem>>, vector<1x16xi32>,
        %mul3A_912 = arith.constant 128 : i32
        %mul3A_913 = arith.muli %scan3A_763, %mul3A_912 : i32
        %add3A_914 = arith.constant 80 : i32
        %add3A_915 = arith.addi %mul3A_913, %add3A_914 : i32
        %get3A_916 = arith.index_cast %add3A_915 : i32 to index
        %get3A_917 = tpu.vector_load %arg6[%get3A_916] {strides = array<i32>} : memref<6272xi32, #tpu.memory_space<vmem>>, vector<16xi32>,
        %get3A_918 = vector.shape_cast %get3A_917 : vector<16xi32> to vector<16xi32>
        %get3A_919 = arith.index_cast %add3A_915 : i32 to index
        %get3A_920 = tpu.vector_load %arg5[%get3A_919] {strides = array<i32>} : memref<6272xi32, #tpu.memory_space<vmem>>, vector<16xi32>,
        %get3A_921 = vector.shape_cast %get3A_920 : vector<16xi32> to vector<16xi32>
        %sub3A_922 = vector.broadcast %mul3A_53 : i32 to vector<16xi32>
        %sub3A_923 = arith.subi %get3A_918, %sub3A_922 : vector<16xi32>
        %ge3A_924 = arith.constant 0 : i32
        %ge3A_925 = vector.broadcast %ge3A_924 : i32 to vector<16xi32>
        %ge3A_926 = arith.cmpi sge, %sub3A_923, %ge3A_925 : vector<16xi32>
        %lt3A_927 = arith.constant 125 : i32
        %lt3A_928 = vector.broadcast %lt3A_927 : i32 to vector<16xi32>
        %lt3A_929 = arith.cmpi slt, %sub3A_923, %lt3A_928 : vector<16xi32>
        %and3A_930 = arith.andi %ge3A_926, %lt3A_929 : vector<16xi1>
        %mul3A_931 = arith.constant 10240 : i32
        %mul3A_932 = vector.broadcast %mul3A_931 : i32 to vector<16xi32>
        %mul3A_933 = arith.muli %sub3A_923, %mul3A_932 : vector<16xi32>
        %add3A_934 = arith.addi %mul3A_933, %get3A_921 : vector<16xi32>
        %jit3A_935 = arith.constant 1280000 : i32
        %broadcast_in_dim3A_936 = vector.broadcast %jit3A_935 : i32 to vector<16xi32>
        %select_n3A_937 = arith.select %and3A_930, %add3A_934, %broadcast_in_dim3A_936 : vector<16xi1>, vector<16xi32>
        %swap3A_938 = arith.index_cast %scan3A_763 : i32 to index
        %swap3A_939 = arith.constant 80 : index
        %swap3A_940 = tpu.vector_load %arg7[%swap3A_938, %swap3A_939] {strides = array<i32>} : memref<49x128xi32, #tpu.memory_space<vmem>>, vector<1x16xi32>,
        %swap3A_941 = vector.shape_cast %swap3A_940 : vector<1x16xi32> to vector<16xi32>
        %swap3A_942 = vector.shape_cast %select_n3A_937 : vector<16xi32> to vector<1x16xi32>
        tpu.vector_store %arg7[%swap3A_938, %swap3A_939], %swap3A_942 {strides = array<i32>} : memref<49x128xi32, #tpu.memory_space<vmem>>, vector<1x16xi32>,
        %mul3A_943 = arith.constant 128 : i32
        %mul3A_944 = arith.muli %scan3A_763, %mul3A_943 : i32
        %add3A_945 = arith.constant 96 : i32
        %add3A_946 = arith.addi %mul3A_944, %add3A_945 : i32
        %get3A_947 = arith.index_cast %add3A_946 : i32 to index
        %get3A_948 = tpu.vector_load %arg6[%get3A_947] {strides = array<i32>} : memref<6272xi32, #tpu.memory_space<vmem>>, vector<16xi32>,
        %get3A_949 = vector.shape_cast %get3A_948 : vector<16xi32> to vector<16xi32>
        %get3A_950 = arith.index_cast %add3A_946 : i32 to index
        %get3A_951 = tpu.vector_load %arg5[%get3A_950] {strides = array<i32>} : memref<6272xi32, #tpu.memory_space<vmem>>, vector<16xi32>,
        %get3A_952 = vector.shape_cast %get3A_951 : vector<16xi32> to vector<16xi32>
        %sub3A_953 = vector.broadcast %mul3A_53 : i32 to vector<16xi32>
        %sub3A_954 = arith.subi %get3A_949, %sub3A_953 : vector<16xi32>
        %ge3A_955 = arith.constant 0 : i32
        %ge3A_956 = vector.broadcast %ge3A_955 : i32 to vector<16xi32>
        %ge3A_957 = arith.cmpi sge, %sub3A_954, %ge3A_956 : vector<16xi32>
        %lt3A_958 = arith.constant 125 : i32
        %lt3A_959 = vector.broadcast %lt3A_958 : i32 to vector<16xi32>
        %lt3A_960 = arith.cmpi slt, %sub3A_954, %lt3A_959 : vector<16xi32>
        %and3A_961 = arith.andi %ge3A_957, %lt3A_960 : vector<16xi1>
        %mul3A_962 = arith.constant 10240 : i32
        %mul3A_963 = vector.broadcast %mul3A_962 : i32 to vector<16xi32>
        %mul3A_964 = arith.muli %sub3A_954, %mul3A_963 : vector<16xi32>
        %add3A_965 = arith.addi %mul3A_964, %get3A_952 : vector<16xi32>
        %jit3A_966 = arith.constant 1280000 : i32
        %broadcast_in_dim3A_967 = vector.broadcast %jit3A_966 : i32 to vector<16xi32>
        %select_n3A_968 = arith.select %and3A_961, %add3A_965, %broadcast_in_dim3A_967 : vector<16xi1>, vector<16xi32>
        %swap3A_969 = arith.index_cast %scan3A_763 : i32 to index
        %swap3A_970 = arith.constant 96 : index
        %swap3A_971 = tpu.vector_load %arg7[%swap3A_969, %swap3A_970] {strides = array<i32>} : memref<49x128xi32, #tpu.memory_space<vmem>>, vector<1x16xi32>,
        %swap3A_972 = vector.shape_cast %swap3A_971 : vector<1x16xi32> to vector<16xi32>
        %swap3A_973 = vector.shape_cast %select_n3A_968 : vector<16xi32> to vector<1x16xi32>
        tpu.vector_store %arg7[%swap3A_969, %swap3A_970], %swap3A_973 {strides = array<i32>} : memref<49x128xi32, #tpu.memory_space<vmem>>, vector<1x16xi32>,
        %mul3A_974 = arith.constant 128 : i32
        %mul3A_975 = arith.muli %scan3A_763, %mul3A_974 : i32
        %add3A_976 = arith.constant 112 : i32
        %add3A_977 = arith.addi %mul3A_975, %add3A_976 : i32
        %get3A_978 = arith.index_cast %add3A_977 : i32 to index
        %get3A_979 = tpu.vector_load %arg6[%get3A_978] {strides = array<i32>} : memref<6272xi32, #tpu.memory_space<vmem>>, vector<16xi32>,
        %get3A_980 = vector.shape_cast %get3A_979 : vector<16xi32> to vector<16xi32>
        %get3A_981 = arith.index_cast %add3A_977 : i32 to index
        %get3A_982 = tpu.vector_load %arg5[%get3A_981] {strides = array<i32>} : memref<6272xi32, #tpu.memory_space<vmem>>, vector<16xi32>,
        %get3A_983 = vector.shape_cast %get3A_982 : vector<16xi32> to vector<16xi32>
        %sub3A_984 = vector.broadcast %mul3A_53 : i32 to vector<16xi32>
        %sub3A_985 = arith.subi %get3A_980, %sub3A_984 : vector<16xi32>
        %ge3A_986 = arith.constant 0 : i32
        %ge3A_987 = vector.broadcast %ge3A_986 : i32 to vector<16xi32>
        %ge3A_988 = arith.cmpi sge, %sub3A_985, %ge3A_987 : vector<16xi32>
        %lt3A_989 = arith.constant 125 : i32
        %lt3A_990 = vector.broadcast %lt3A_989 : i32 to vector<16xi32>
        %lt3A_991 = arith.cmpi slt, %sub3A_985, %lt3A_990 : vector<16xi32>
        %and3A_992 = arith.andi %ge3A_988, %lt3A_991 : vector<16xi1>
        %mul3A_993 = arith.constant 10240 : i32
        %mul3A_994 = vector.broadcast %mul3A_993 : i32 to vector<16xi32>
        %mul3A_995 = arith.muli %sub3A_985, %mul3A_994 : vector<16xi32>
        %add3A_996 = arith.addi %mul3A_995, %get3A_983 : vector<16xi32>
        %jit3A_997 = arith.constant 1280000 : i32
        %broadcast_in_dim3A_998 = vector.broadcast %jit3A_997 : i32 to vector<16xi32>
        %select_n3A_999 = arith.select %and3A_992, %add3A_996, %broadcast_in_dim3A_998 : vector<16xi1>, vector<16xi32>
        %swap3A_1000 = arith.index_cast %scan3A_763 : i32 to index
        %swap3A_1001 = arith.constant 112 : index
        %swap3A_1002 = tpu.vector_load %arg7[%swap3A_1000, %swap3A_1001] {strides = array<i32>} : memref<49x128xi32, #tpu.memory_space<vmem>>, vector<1x16xi32>,
        %swap3A_1003 = vector.shape_cast %swap3A_1002 : vector<1x16xi32> to vector<16xi32>
        %swap3A_1004 = vector.shape_cast %select_n3A_999 : vector<16xi32> to vector<1x16xi32>
        tpu.vector_store %arg7[%swap3A_1000, %swap3A_1001], %swap3A_1004 {strides = array<i32>} : memref<49x128xi32, #tpu.memory_space<vmem>>, vector<1x16xi32>,
      }
      %scan3A_106 = arith.constant 49 : i32
      %dma_wait3A_107 = tpu.memref_slice %arg11[%add3A_57] : memref<1280064xi32, #tpu.memory_space<vmem_shared>> -> memref<10000xi32, #tpu.memory_space<vmem_shared>>
      %dma_wait3A_108 = tpu.memref_slice %arg11[%add3A_57] : memref<1280064xi32, #tpu.memory_space<vmem_shared>> -> memref<10000xi32, #tpu.memory_space<vmem_shared>>
      tpu.wait_dma2 semaphore(%arg12 : memref<!tpu.dma_semaphore, #tpu.memory_space<semaphore_mem>>) src(%arg9 : memref<10000xi32, #tpu.memory_space<vmem>>) dst(%dma_wait3A_108 : memref<10000xi32, #tpu.memory_space<vmem_shared>>)
      %dma_wait3A_109 = tpu.memref_slice %arg11[%add3A_62] : memref<1280064xi32, #tpu.memory_space<vmem_shared>> -> memref<10000xi32, #tpu.memory_space<vmem_shared>>
      %dma_wait3A_110 = tpu.memref_slice %arg11[%add3A_62] : memref<1280064xi32, #tpu.memory_space<vmem_shared>> -> memref<10000xi32, #tpu.memory_space<vmem_shared>>
      tpu.wait_dma2 semaphore(%arg12 : memref<!tpu.dma_semaphore, #tpu.memory_space<semaphore_mem>>) src(%arg9 : memref<10000xi32, #tpu.memory_space<vmem>>) dst(%dma_wait3A_110 : memref<10000xi32, #tpu.memory_space<vmem_shared>>)
      %dma_wait3A_111 = tpu.memref_slice %arg11[%add3A_68] : memref<1280064xi32, #tpu.memory_space<vmem_shared>> -> memref<10000xi32, #tpu.memory_space<vmem_shared>>
      %dma_wait3A_112 = tpu.memref_slice %arg11[%add3A_68] : memref<1280064xi32, #tpu.memory_space<vmem_shared>> -> memref<10000xi32, #tpu.memory_space<vmem_shared>>
      tpu.wait_dma2 semaphore(%arg12 : memref<!tpu.dma_semaphore, #tpu.memory_space<semaphore_mem>>) src(%arg9 : memref<10000xi32, #tpu.memory_space<vmem>>) dst(%dma_wait3A_112 : memref<10000xi32, #tpu.memory_space<vmem_shared>>)
      %dma_wait3A_113 = tpu.memref_slice %arg11[%add3A_74] : memref<1280064xi32, #tpu.memory_space<vmem_shared>> -> memref<10000xi32, #tpu.memory_space<vmem_shared>>
      %dma_wait3A_114 = tpu.memref_slice %arg11[%add3A_74] : memref<1280064xi32, #tpu.memory_space<vmem_shared>> -> memref<10000xi32, #tpu.memory_space<vmem_shared>>
      tpu.wait_dma2 semaphore(%arg12 : memref<!tpu.dma_semaphore, #tpu.memory_space<semaphore_mem>>) src(%arg9 : memref<10000xi32, #tpu.memory_space<vmem>>) dst(%dma_wait3A_114 : memref<10000xi32, #tpu.memory_space<vmem_shared>>)
      %dma_wait3A_115 = tpu.memref_slice %arg11[%add3A_80] : memref<1280064xi32, #tpu.memory_space<vmem_shared>> -> memref<10000xi32, #tpu.memory_space<vmem_shared>>
      %dma_wait3A_116 = tpu.memref_slice %arg11[%add3A_80] : memref<1280064xi32, #tpu.memory_space<vmem_shared>> -> memref<10000xi32, #tpu.memory_space<vmem_shared>>
      tpu.wait_dma2 semaphore(%arg12 : memref<!tpu.dma_semaphore, #tpu.memory_space<semaphore_mem>>) src(%arg9 : memref<10000xi32, #tpu.memory_space<vmem>>) dst(%dma_wait3A_116 : memref<10000xi32, #tpu.memory_space<vmem_shared>>)
      %dma_wait3A_117 = tpu.memref_slice %arg11[%add3A_86] : memref<1280064xi32, #tpu.memory_space<vmem_shared>> -> memref<10000xi32, #tpu.memory_space<vmem_shared>>
      %dma_wait3A_118 = tpu.memref_slice %arg11[%add3A_86] : memref<1280064xi32, #tpu.memory_space<vmem_shared>> -> memref<10000xi32, #tpu.memory_space<vmem_shared>>
      tpu.wait_dma2 semaphore(%arg12 : memref<!tpu.dma_semaphore, #tpu.memory_space<semaphore_mem>>) src(%arg9 : memref<10000xi32, #tpu.memory_space<vmem>>) dst(%dma_wait3A_118 : memref<10000xi32, #tpu.memory_space<vmem_shared>>)
      %dma_wait3A_119 = tpu.memref_slice %arg11[%add3A_92] : memref<1280064xi32, #tpu.memory_space<vmem_shared>> -> memref<10000xi32, #tpu.memory_space<vmem_shared>>
      %dma_wait3A_120 = tpu.memref_slice %arg11[%add3A_92] : memref<1280064xi32, #tpu.memory_space<vmem_shared>> -> memref<10000xi32, #tpu.memory_space<vmem_shared>>
      tpu.wait_dma2 semaphore(%arg12 : memref<!tpu.dma_semaphore, #tpu.memory_space<semaphore_mem>>) src(%arg9 : memref<10000xi32, #tpu.memory_space<vmem>>) dst(%dma_wait3A_120 : memref<10000xi32, #tpu.memory_space<vmem_shared>>)
      %dma_wait3A_121 = tpu.memref_slice %arg11[%add3A_98] : memref<1280064xi32, #tpu.memory_space<vmem_shared>> -> memref<10000xi32, #tpu.memory_space<vmem_shared>>
      %dma_wait3A_122 = tpu.memref_slice %arg11[%add3A_98] : memref<1280064xi32, #tpu.memory_space<vmem_shared>> -> memref<10000xi32, #tpu.memory_space<vmem_shared>>
      tpu.wait_dma2 semaphore(%arg12 : memref<!tpu.dma_semaphore, #tpu.memory_space<semaphore_mem>>) src(%arg9 : memref<10000xi32, #tpu.memory_space<vmem>>) dst(%dma_wait3A_122 : memref<10000xi32, #tpu.memory_space<vmem_shared>>)
      %barrier3A = arith.constant 0 : index
      tpu.barrier barrier_id(%barrier3A)
      %dma_start3A_123 = arith.constant 0 : i32
      %dma_start3A_124 = arith.constant 0 : i32
      %dma_start3A_125 = tpu.memref_slice %arg7[%dma_start3A_123, %dma_start3A_124] : memref<49x128xi32, #tpu.memory_space<vmem>> -> memref<1x128xi32, #tpu.memory_space<vmem>>
      %dma_start3A_126 = tpu.memref_squeeze %dma_start3A_125 : memref<1x128xi32, #tpu.memory_space<vmem>> -> memref<128xi32, #tpu.memory_space<vmem>>
      %dma_start3A_127 = arith.constant 0 : i32
      %dma_start3A_128 = tpu.memref_slice %arg11[%dma_start3A_127] : memref<1280064xi32, #tpu.memory_space<vmem_shared>> -> memref<1280064xi32, #tpu.memory_space<vmem_shared>>
      tpu.enqueue_indirect_dma source(%arg8 : memref<128xi32, #tpu.memory_space<vmem>>) target(%dma_start3A_128 : memref<1280064xi32, #tpu.memory_space<vmem_shared>>) offsets(%dma_start3A_126 : memref<128xi32, #tpu.memory_space<vmem>>) semaphore(%arg13 : memref<!tpu.dma_semaphore, #tpu.memory_space<semaphore_mem>>) {add = true}
      %dma_start3A_129 = arith.constant 1 : i32
      %dma_start3A_130 = arith.constant 0 : i32
      %dma_start3A_131 = tpu.memref_slice %arg7[%dma_start3A_129, %dma_start3A_130] : memref<49x128xi32, #tpu.memory_space<vmem>> -> memref<1x128xi32, #tpu.memory_space<vmem>>
      %dma_start3A_132 = tpu.memref_squeeze %dma_start3A_131 : memref<1x128xi32, #tpu.memory_space<vmem>> -> memref<128xi32, #tpu.memory_space<vmem>>
      %dma_start3A_133 = arith.constant 0 : i32
      %dma_start3A_134 = tpu.memref_slice %arg11[%dma_start3A_133] : memref<1280064xi32, #tpu.memory_space<vmem_shared>> -> memref<1280064xi32, #tpu.memory_space<vmem_shared>>
      tpu.enqueue_indirect_dma source(%arg8 : memref<128xi32, #tpu.memory_space<vmem>>) target(%dma_start3A_134 : memref<1280064xi32, #tpu.memory_space<vmem_shared>>) offsets(%dma_start3A_132 : memref<128xi32, #tpu.memory_space<vmem>>) semaphore(%arg13 : memref<!tpu.dma_semaphore, #tpu.memory_space<semaphore_mem>>) {add = true}
      %dma_start3A_135 = arith.constant 2 : i32
      %dma_start3A_136 = arith.constant 0 : i32
      %dma_start3A_137 = tpu.memref_slice %arg7[%dma_start3A_135, %dma_start3A_136] : memref<49x128xi32, #tpu.memory_space<vmem>> -> memref<1x128xi32, #tpu.memory_space<vmem>>
      %dma_start3A_138 = tpu.memref_squeeze %dma_start3A_137 : memref<1x128xi32, #tpu.memory_space<vmem>> -> memref<128xi32, #tpu.memory_space<vmem>>
      %dma_start3A_139 = arith.constant 0 : i32
      %dma_start3A_140 = tpu.memref_slice %arg11[%dma_start3A_139] : memref<1280064xi32, #tpu.memory_space<vmem_shared>> -> memref<1280064xi32, #tpu.memory_space<vmem_shared>>
      tpu.enqueue_indirect_dma source(%arg8 : memref<128xi32, #tpu.memory_space<vmem>>) target(%dma_start3A_140 : memref<1280064xi32, #tpu.memory_space<vmem_shared>>) offsets(%dma_start3A_138 : memref<128xi32, #tpu.memory_space<vmem>>) semaphore(%arg13 : memref<!tpu.dma_semaphore, #tpu.memory_space<semaphore_mem>>) {add = true}
      %dma_start3A_141 = arith.constant 3 : i32
      %dma_start3A_142 = arith.constant 0 : i32
      %dma_start3A_143 = tpu.memref_slice %arg7[%dma_start3A_141, %dma_start3A_142] : memref<49x128xi32, #tpu.memory_space<vmem>> -> memref<1x128xi32, #tpu.memory_space<vmem>>
      %dma_start3A_144 = tpu.memref_squeeze %dma_start3A_143 : memref<1x128xi32, #tpu.memory_space<vmem>> -> memref<128xi32, #tpu.memory_space<vmem>>
      %dma_start3A_145 = arith.constant 0 : i32
      %dma_start3A_146 = tpu.memref_slice %arg11[%dma_start3A_145] : memref<1280064xi32, #tpu.memory_space<vmem_shared>> -> memref<1280064xi32, #tpu.memory_space<vmem_shared>>
      tpu.enqueue_indirect_dma source(%arg8 : memref<128xi32, #tpu.memory_space<vmem>>) target(%dma_start3A_146 : memref<1280064xi32, #tpu.memory_space<vmem_shared>>) offsets(%dma_start3A_144 : memref<128xi32, #tpu.memory_space<vmem>>) semaphore(%arg13 : memref<!tpu.dma_semaphore, #tpu.memory_space<semaphore_mem>>) {add = true}
      %dma_start3A_147 = arith.constant 4 : i32
      %dma_start3A_148 = arith.constant 0 : i32
      %dma_start3A_149 = tpu.memref_slice %arg7[%dma_start3A_147, %dma_start3A_148] : memref<49x128xi32, #tpu.memory_space<vmem>> -> memref<1x128xi32, #tpu.memory_space<vmem>>
      %dma_start3A_150 = tpu.memref_squeeze %dma_start3A_149 : memref<1x128xi32, #tpu.memory_space<vmem>> -> memref<128xi32, #tpu.memory_space<vmem>>
      %dma_start3A_151 = arith.constant 0 : i32
      %dma_start3A_152 = tpu.memref_slice %arg11[%dma_start3A_151] : memref<1280064xi32, #tpu.memory_space<vmem_shared>> -> memref<1280064xi32, #tpu.memory_space<vmem_shared>>
      tpu.enqueue_indirect_dma source(%arg8 : memref<128xi32, #tpu.memory_space<vmem>>) target(%dma_start3A_152 : memref<1280064xi32, #tpu.memory_space<vmem_shared>>) offsets(%dma_start3A_150 : memref<128xi32, #tpu.memory_space<vmem>>) semaphore(%arg13 : memref<!tpu.dma_semaphore, #tpu.memory_space<semaphore_mem>>) {add = true}
      %dma_start3A_153 = arith.constant 5 : i32
      %dma_start3A_154 = arith.constant 0 : i32
      %dma_start3A_155 = tpu.memref_slice %arg7[%dma_start3A_153, %dma_start3A_154] : memref<49x128xi32, #tpu.memory_space<vmem>> -> memref<1x128xi32, #tpu.memory_space<vmem>>
      %dma_start3A_156 = tpu.memref_squeeze %dma_start3A_155 : memref<1x128xi32, #tpu.memory_space<vmem>> -> memref<128xi32, #tpu.memory_space<vmem>>
      %dma_start3A_157 = arith.constant 0 : i32
      %dma_start3A_158 = tpu.memref_slice %arg11[%dma_start3A_157] : memref<1280064xi32, #tpu.memory_space<vmem_shared>> -> memref<1280064xi32, #tpu.memory_space<vmem_shared>>
      tpu.enqueue_indirect_dma source(%arg8 : memref<128xi32, #tpu.memory_space<vmem>>) target(%dma_start3A_158 : memref<1280064xi32, #tpu.memory_space<vmem_shared>>) offsets(%dma_start3A_156 : memref<128xi32, #tpu.memory_space<vmem>>) semaphore(%arg13 : memref<!tpu.dma_semaphore, #tpu.memory_space<semaphore_mem>>) {add = true}
      %dma_start3A_159 = arith.constant 6 : i32
      %dma_start3A_160 = arith.constant 0 : i32
      %dma_start3A_161 = tpu.memref_slice %arg7[%dma_start3A_159, %dma_start3A_160] : memref<49x128xi32, #tpu.memory_space<vmem>> -> memref<1x128xi32, #tpu.memory_space<vmem>>
      %dma_start3A_162 = tpu.memref_squeeze %dma_start3A_161 : memref<1x128xi32, #tpu.memory_space<vmem>> -> memref<128xi32, #tpu.memory_space<vmem>>
      %dma_start3A_163 = arith.constant 0 : i32
      %dma_start3A_164 = tpu.memref_slice %arg11[%dma_start3A_163] : memref<1280064xi32, #tpu.memory_space<vmem_shared>> -> memref<1280064xi32, #tpu.memory_space<vmem_shared>>
      tpu.enqueue_indirect_dma source(%arg8 : memref<128xi32, #tpu.memory_space<vmem>>) target(%dma_start3A_164 : memref<1280064xi32, #tpu.memory_space<vmem_shared>>) offsets(%dma_start3A_162 : memref<128xi32, #tpu.memory_space<vmem>>) semaphore(%arg13 : memref<!tpu.dma_semaphore, #tpu.memory_space<semaphore_mem>>) {add = true}
      %dma_start3A_165 = arith.constant 7 : i32
      %dma_start3A_166 = arith.constant 0 : i32
      %dma_start3A_167 = tpu.memref_slice %arg7[%dma_start3A_165, %dma_start3A_166] : memref<49x128xi32, #tpu.memory_space<vmem>> -> memref<1x128xi32, #tpu.memory_space<vmem>>
      %dma_start3A_168 = tpu.memref_squeeze %dma_start3A_167 : memref<1x128xi32, #tpu.memory_space<vmem>> -> memref<128xi32, #tpu.memory_space<vmem>>
      %dma_start3A_169 = arith.constant 0 : i32
      %dma_start3A_170 = tpu.memref_slice %arg11[%dma_start3A_169] : memref<1280064xi32, #tpu.memory_space<vmem_shared>> -> memref<1280064xi32, #tpu.memory_space<vmem_shared>>
      tpu.enqueue_indirect_dma source(%arg8 : memref<128xi32, #tpu.memory_space<vmem>>) target(%dma_start3A_170 : memref<1280064xi32, #tpu.memory_space<vmem_shared>>) offsets(%dma_start3A_168 : memref<128xi32, #tpu.memory_space<vmem>>) semaphore(%arg13 : memref<!tpu.dma_semaphore, #tpu.memory_space<semaphore_mem>>) {add = true}
      %dma_start3A_171 = arith.constant 8 : i32
      %dma_start3A_172 = arith.constant 0 : i32
      %dma_start3A_173 = tpu.memref_slice %arg7[%dma_start3A_171, %dma_start3A_172] : memref<49x128xi32, #tpu.memory_space<vmem>> -> memref<1x128xi32, #tpu.memory_space<vmem>>
      %dma_start3A_174 = tpu.memref_squeeze %dma_start3A_173 : memref<1x128xi32, #tpu.memory_space<vmem>> -> memref<128xi32, #tpu.memory_space<vmem>>
      %dma_start3A_175 = arith.constant 0 : i32
      %dma_start3A_176 = tpu.memref_slice %arg11[%dma_start3A_175] : memref<1280064xi32, #tpu.memory_space<vmem_shared>> -> memref<1280064xi32, #tpu.memory_space<vmem_shared>>
      tpu.enqueue_indirect_dma source(%arg8 : memref<128xi32, #tpu.memory_space<vmem>>) target(%dma_start3A_176 : memref<1280064xi32, #tpu.memory_space<vmem_shared>>) offsets(%dma_start3A_174 : memref<128xi32, #tpu.memory_space<vmem>>) semaphore(%arg13 : memref<!tpu.dma_semaphore, #tpu.memory_space<semaphore_mem>>) {add = true}
      %dma_start3A_177 = arith.constant 9 : i32
      %dma_start3A_178 = arith.constant 0 : i32
      %dma_start3A_179 = tpu.memref_slice %arg7[%dma_start3A_177, %dma_start3A_178] : memref<49x128xi32, #tpu.memory_space<vmem>> -> memref<1x128xi32, #tpu.memory_space<vmem>>
      %dma_start3A_180 = tpu.memref_squeeze %dma_start3A_179 : memref<1x128xi32, #tpu.memory_space<vmem>> -> memref<128xi32, #tpu.memory_space<vmem>>
      %dma_start3A_181 = arith.constant 0 : i32
      %dma_start3A_182 = tpu.memref_slice %arg11[%dma_start3A_181] : memref<1280064xi32, #tpu.memory_space<vmem_shared>> -> memref<1280064xi32, #tpu.memory_space<vmem_shared>>
      tpu.enqueue_indirect_dma source(%arg8 : memref<128xi32, #tpu.memory_space<vmem>>) target(%dma_start3A_182 : memref<1280064xi32, #tpu.memory_space<vmem_shared>>) offsets(%dma_start3A_180 : memref<128xi32, #tpu.memory_space<vmem>>) semaphore(%arg13 : memref<!tpu.dma_semaphore, #tpu.memory_space<semaphore_mem>>) {add = true}
      %dma_start3A_183 = arith.constant 10 : i32
      %dma_start3A_184 = arith.constant 0 : i32
      %dma_start3A_185 = tpu.memref_slice %arg7[%dma_start3A_183, %dma_start3A_184] : memref<49x128xi32, #tpu.memory_space<vmem>> -> memref<1x128xi32, #tpu.memory_space<vmem>>
      %dma_start3A_186 = tpu.memref_squeeze %dma_start3A_185 : memref<1x128xi32, #tpu.memory_space<vmem>> -> memref<128xi32, #tpu.memory_space<vmem>>
      %dma_start3A_187 = arith.constant 0 : i32
      %dma_start3A_188 = tpu.memref_slice %arg11[%dma_start3A_187] : memref<1280064xi32, #tpu.memory_space<vmem_shared>> -> memref<1280064xi32, #tpu.memory_space<vmem_shared>>
      tpu.enqueue_indirect_dma source(%arg8 : memref<128xi32, #tpu.memory_space<vmem>>) target(%dma_start3A_188 : memref<1280064xi32, #tpu.memory_space<vmem_shared>>) offsets(%dma_start3A_186 : memref<128xi32, #tpu.memory_space<vmem>>) semaphore(%arg13 : memref<!tpu.dma_semaphore, #tpu.memory_space<semaphore_mem>>) {add = true}
      %dma_start3A_189 = arith.constant 11 : i32
      %dma_start3A_190 = arith.constant 0 : i32
      %dma_start3A_191 = tpu.memref_slice %arg7[%dma_start3A_189, %dma_start3A_190] : memref<49x128xi32, #tpu.memory_space<vmem>> -> memref<1x128xi32, #tpu.memory_space<vmem>>
      %dma_start3A_192 = tpu.memref_squeeze %dma_start3A_191 : memref<1x128xi32, #tpu.memory_space<vmem>> -> memref<128xi32, #tpu.memory_space<vmem>>
      %dma_start3A_193 = arith.constant 0 : i32
      %dma_start3A_194 = tpu.memref_slice %arg11[%dma_start3A_193] : memref<1280064xi32, #tpu.memory_space<vmem_shared>> -> memref<1280064xi32, #tpu.memory_space<vmem_shared>>
      tpu.enqueue_indirect_dma source(%arg8 : memref<128xi32, #tpu.memory_space<vmem>>) target(%dma_start3A_194 : memref<1280064xi32, #tpu.memory_space<vmem_shared>>) offsets(%dma_start3A_192 : memref<128xi32, #tpu.memory_space<vmem>>) semaphore(%arg13 : memref<!tpu.dma_semaphore, #tpu.memory_space<semaphore_mem>>) {add = true}
      %dma_start3A_195 = arith.constant 12 : i32
      %dma_start3A_196 = arith.constant 0 : i32
      %dma_start3A_197 = tpu.memref_slice %arg7[%dma_start3A_195, %dma_start3A_196] : memref<49x128xi32, #tpu.memory_space<vmem>> -> memref<1x128xi32, #tpu.memory_space<vmem>>
      %dma_start3A_198 = tpu.memref_squeeze %dma_start3A_197 : memref<1x128xi32, #tpu.memory_space<vmem>> -> memref<128xi32, #tpu.memory_space<vmem>>
      %dma_start3A_199 = arith.constant 0 : i32
      %dma_start3A_200 = tpu.memref_slice %arg11[%dma_start3A_199] : memref<1280064xi32, #tpu.memory_space<vmem_shared>> -> memref<1280064xi32, #tpu.memory_space<vmem_shared>>
      tpu.enqueue_indirect_dma source(%arg8 : memref<128xi32, #tpu.memory_space<vmem>>) target(%dma_start3A_200 : memref<1280064xi32, #tpu.memory_space<vmem_shared>>) offsets(%dma_start3A_198 : memref<128xi32, #tpu.memory_space<vmem>>) semaphore(%arg13 : memref<!tpu.dma_semaphore, #tpu.memory_space<semaphore_mem>>) {add = true}
      %dma_start3A_201 = arith.constant 13 : i32
      %dma_start3A_202 = arith.constant 0 : i32
      %dma_start3A_203 = tpu.memref_slice %arg7[%dma_start3A_201, %dma_start3A_202] : memref<49x128xi32, #tpu.memory_space<vmem>> -> memref<1x128xi32, #tpu.memory_space<vmem>>
      %dma_start3A_204 = tpu.memref_squeeze %dma_start3A_203 : memref<1x128xi32, #tpu.memory_space<vmem>> -> memref<128xi32, #tpu.memory_space<vmem>>
      %dma_start3A_205 = arith.constant 0 : i32
      %dma_start3A_206 = tpu.memref_slice %arg11[%dma_start3A_205] : memref<1280064xi32, #tpu.memory_space<vmem_shared>> -> memref<1280064xi32, #tpu.memory_space<vmem_shared>>
      tpu.enqueue_indirect_dma source(%arg8 : memref<128xi32, #tpu.memory_space<vmem>>) target(%dma_start3A_206 : memref<1280064xi32, #tpu.memory_space<vmem_shared>>) offsets(%dma_start3A_204 : memref<128xi32, #tpu.memory_space<vmem>>) semaphore(%arg13 : memref<!tpu.dma_semaphore, #tpu.memory_space<semaphore_mem>>) {add = true}
      %dma_start3A_207 = arith.constant 14 : i32
      %dma_start3A_208 = arith.constant 0 : i32
      %dma_start3A_209 = tpu.memref_slice %arg7[%dma_start3A_207, %dma_start3A_208] : memref<49x128xi32, #tpu.memory_space<vmem>> -> memref<1x128xi32, #tpu.memory_space<vmem>>
      %dma_start3A_210 = tpu.memref_squeeze %dma_start3A_209 : memref<1x128xi32, #tpu.memory_space<vmem>> -> memref<128xi32, #tpu.memory_space<vmem>>
      %dma_start3A_211 = arith.constant 0 : i32
      %dma_start3A_212 = tpu.memref_slice %arg11[%dma_start3A_211] : memref<1280064xi32, #tpu.memory_space<vmem_shared>> -> memref<1280064xi32, #tpu.memory_space<vmem_shared>>
      tpu.enqueue_indirect_dma source(%arg8 : memref<128xi32, #tpu.memory_space<vmem>>) target(%dma_start3A_212 : memref<1280064xi32, #tpu.memory_space<vmem_shared>>) offsets(%dma_start3A_210 : memref<128xi32, #tpu.memory_space<vmem>>) semaphore(%arg13 : memref<!tpu.dma_semaphore, #tpu.memory_space<semaphore_mem>>) {add = true}
      %dma_start3A_213 = arith.constant 15 : i32
      %dma_start3A_214 = arith.constant 0 : i32
      %dma_start3A_215 = tpu.memref_slice %arg7[%dma_start3A_213, %dma_start3A_214] : memref<49x128xi32, #tpu.memory_space<vmem>> -> memref<1x128xi32, #tpu.memory_space<vmem>>
      %dma_start3A_216 = tpu.memref_squeeze %dma_start3A_215 : memref<1x128xi32, #tpu.memory_space<vmem>> -> memref<128xi32, #tpu.memory_space<vmem>>
      %dma_start3A_217 = arith.constant 0 : i32
      %dma_start3A_218 = tpu.memref_slice %arg11[%dma_start3A_217] : memref<1280064xi32, #tpu.memory_space<vmem_shared>> -> memref<1280064xi32, #tpu.memory_space<vmem_shared>>
      tpu.enqueue_indirect_dma source(%arg8 : memref<128xi32, #tpu.memory_space<vmem>>) target(%dma_start3A_218 : memref<1280064xi32, #tpu.memory_space<vmem_shared>>) offsets(%dma_start3A_216 : memref<128xi32, #tpu.memory_space<vmem>>) semaphore(%arg13 : memref<!tpu.dma_semaphore, #tpu.memory_space<semaphore_mem>>) {add = true}
      %dma_start3A_219 = arith.constant 16 : i32
      %dma_start3A_220 = arith.constant 0 : i32
      %dma_start3A_221 = tpu.memref_slice %arg7[%dma_start3A_219, %dma_start3A_220] : memref<49x128xi32, #tpu.memory_space<vmem>> -> memref<1x128xi32, #tpu.memory_space<vmem>>
      %dma_start3A_222 = tpu.memref_squeeze %dma_start3A_221 : memref<1x128xi32, #tpu.memory_space<vmem>> -> memref<128xi32, #tpu.memory_space<vmem>>
      %dma_start3A_223 = arith.constant 0 : i32
      %dma_start3A_224 = tpu.memref_slice %arg11[%dma_start3A_223] : memref<1280064xi32, #tpu.memory_space<vmem_shared>> -> memref<1280064xi32, #tpu.memory_space<vmem_shared>>
      tpu.enqueue_indirect_dma source(%arg8 : memref<128xi32, #tpu.memory_space<vmem>>) target(%dma_start3A_224 : memref<1280064xi32, #tpu.memory_space<vmem_shared>>) offsets(%dma_start3A_222 : memref<128xi32, #tpu.memory_space<vmem>>) semaphore(%arg13 : memref<!tpu.dma_semaphore, #tpu.memory_space<semaphore_mem>>) {add = true}
      %dma_start3A_225 = arith.constant 17 : i32
      %dma_start3A_226 = arith.constant 0 : i32
      %dma_start3A_227 = tpu.memref_slice %arg7[%dma_start3A_225, %dma_start3A_226] : memref<49x128xi32, #tpu.memory_space<vmem>> -> memref<1x128xi32, #tpu.memory_space<vmem>>
      %dma_start3A_228 = tpu.memref_squeeze %dma_start3A_227 : memref<1x128xi32, #tpu.memory_space<vmem>> -> memref<128xi32, #tpu.memory_space<vmem>>
      %dma_start3A_229 = arith.constant 0 : i32
      %dma_start3A_230 = tpu.memref_slice %arg11[%dma_start3A_229] : memref<1280064xi32, #tpu.memory_space<vmem_shared>> -> memref<1280064xi32, #tpu.memory_space<vmem_shared>>
      tpu.enqueue_indirect_dma source(%arg8 : memref<128xi32, #tpu.memory_space<vmem>>) target(%dma_start3A_230 : memref<1280064xi32, #tpu.memory_space<vmem_shared>>) offsets(%dma_start3A_228 : memref<128xi32, #tpu.memory_space<vmem>>) semaphore(%arg13 : memref<!tpu.dma_semaphore, #tpu.memory_space<semaphore_mem>>) {add = true}
      %dma_start3A_231 = arith.constant 18 : i32
      %dma_start3A_232 = arith.constant 0 : i32
      %dma_start3A_233 = tpu.memref_slice %arg7[%dma_start3A_231, %dma_start3A_232] : memref<49x128xi32, #tpu.memory_space<vmem>> -> memref<1x128xi32, #tpu.memory_space<vmem>>
      %dma_start3A_234 = tpu.memref_squeeze %dma_start3A_233 : memref<1x128xi32, #tpu.memory_space<vmem>> -> memref<128xi32, #tpu.memory_space<vmem>>
      %dma_start3A_235 = arith.constant 0 : i32
      %dma_start3A_236 = tpu.memref_slice %arg11[%dma_start3A_235] : memref<1280064xi32, #tpu.memory_space<vmem_shared>> -> memref<1280064xi32, #tpu.memory_space<vmem_shared>>
      tpu.enqueue_indirect_dma source(%arg8 : memref<128xi32, #tpu.memory_space<vmem>>) target(%dma_start3A_236 : memref<1280064xi32, #tpu.memory_space<vmem_shared>>) offsets(%dma_start3A_234 : memref<128xi32, #tpu.memory_space<vmem>>) semaphore(%arg13 : memref<!tpu.dma_semaphore, #tpu.memory_space<semaphore_mem>>) {add = true}
      %dma_start3A_237 = arith.constant 19 : i32
      %dma_start3A_238 = arith.constant 0 : i32
      %dma_start3A_239 = tpu.memref_slice %arg7[%dma_start3A_237, %dma_start3A_238] : memref<49x128xi32, #tpu.memory_space<vmem>> -> memref<1x128xi32, #tpu.memory_space<vmem>>
      %dma_start3A_240 = tpu.memref_squeeze %dma_start3A_239 : memref<1x128xi32, #tpu.memory_space<vmem>> -> memref<128xi32, #tpu.memory_space<vmem>>
      %dma_start3A_241 = arith.constant 0 : i32
      %dma_start3A_242 = tpu.memref_slice %arg11[%dma_start3A_241] : memref<1280064xi32, #tpu.memory_space<vmem_shared>> -> memref<1280064xi32, #tpu.memory_space<vmem_shared>>
      tpu.enqueue_indirect_dma source(%arg8 : memref<128xi32, #tpu.memory_space<vmem>>) target(%dma_start3A_242 : memref<1280064xi32, #tpu.memory_space<vmem_shared>>) offsets(%dma_start3A_240 : memref<128xi32, #tpu.memory_space<vmem>>) semaphore(%arg13 : memref<!tpu.dma_semaphore, #tpu.memory_space<semaphore_mem>>) {add = true}
      %dma_start3A_243 = arith.constant 20 : i32
      %dma_start3A_244 = arith.constant 0 : i32
      %dma_start3A_245 = tpu.memref_slice %arg7[%dma_start3A_243, %dma_start3A_244] : memref<49x128xi32, #tpu.memory_space<vmem>> -> memref<1x128xi32, #tpu.memory_space<vmem>>
      %dma_start3A_246 = tpu.memref_squeeze %dma_start3A_245 : memref<1x128xi32, #tpu.memory_space<vmem>> -> memref<128xi32, #tpu.memory_space<vmem>>
      %dma_start3A_247 = arith.constant 0 : i32
      %dma_start3A_248 = tpu.memref_slice %arg11[%dma_start3A_247] : memref<1280064xi32, #tpu.memory_space<vmem_shared>> -> memref<1280064xi32, #tpu.memory_space<vmem_shared>>
      tpu.enqueue_indirect_dma source(%arg8 : memref<128xi32, #tpu.memory_space<vmem>>) target(%dma_start3A_248 : memref<1280064xi32, #tpu.memory_space<vmem_shared>>) offsets(%dma_start3A_246 : memref<128xi32, #tpu.memory_space<vmem>>) semaphore(%arg13 : memref<!tpu.dma_semaphore, #tpu.memory_space<semaphore_mem>>) {add = true}
      %dma_start3A_249 = arith.constant 21 : i32
      %dma_start3A_250 = arith.constant 0 : i32
      %dma_start3A_251 = tpu.memref_slice %arg7[%dma_start3A_249, %dma_start3A_250] : memref<49x128xi32, #tpu.memory_space<vmem>> -> memref<1x128xi32, #tpu.memory_space<vmem>>
      %dma_start3A_252 = tpu.memref_squeeze %dma_start3A_251 : memref<1x128xi32, #tpu.memory_space<vmem>> -> memref<128xi32, #tpu.memory_space<vmem>>
      %dma_start3A_253 = arith.constant 0 : i32
      %dma_start3A_254 = tpu.memref_slice %arg11[%dma_start3A_253] : memref<1280064xi32, #tpu.memory_space<vmem_shared>> -> memref<1280064xi32, #tpu.memory_space<vmem_shared>>
      tpu.enqueue_indirect_dma source(%arg8 : memref<128xi32, #tpu.memory_space<vmem>>) target(%dma_start3A_254 : memref<1280064xi32, #tpu.memory_space<vmem_shared>>) offsets(%dma_start3A_252 : memref<128xi32, #tpu.memory_space<vmem>>) semaphore(%arg13 : memref<!tpu.dma_semaphore, #tpu.memory_space<semaphore_mem>>) {add = true}
      %dma_start3A_255 = arith.constant 22 : i32
      %dma_start3A_256 = arith.constant 0 : i32
      %dma_start3A_257 = tpu.memref_slice %arg7[%dma_start3A_255, %dma_start3A_256] : memref<49x128xi32, #tpu.memory_space<vmem>> -> memref<1x128xi32, #tpu.memory_space<vmem>>
      %dma_start3A_258 = tpu.memref_squeeze %dma_start3A_257 : memref<1x128xi32, #tpu.memory_space<vmem>> -> memref<128xi32, #tpu.memory_space<vmem>>
      %dma_start3A_259 = arith.constant 0 : i32
      %dma_start3A_260 = tpu.memref_slice %arg11[%dma_start3A_259] : memref<1280064xi32, #tpu.memory_space<vmem_shared>> -> memref<1280064xi32, #tpu.memory_space<vmem_shared>>
      tpu.enqueue_indirect_dma source(%arg8 : memref<128xi32, #tpu.memory_space<vmem>>) target(%dma_start3A_260 : memref<1280064xi32, #tpu.memory_space<vmem_shared>>) offsets(%dma_start3A_258 : memref<128xi32, #tpu.memory_space<vmem>>) semaphore(%arg13 : memref<!tpu.dma_semaphore, #tpu.memory_space<semaphore_mem>>) {add = true}
      %dma_start3A_261 = arith.constant 23 : i32
      %dma_start3A_262 = arith.constant 0 : i32
      %dma_start3A_263 = tpu.memref_slice %arg7[%dma_start3A_261, %dma_start3A_262] : memref<49x128xi32, #tpu.memory_space<vmem>> -> memref<1x128xi32, #tpu.memory_space<vmem>>
      %dma_start3A_264 = tpu.memref_squeeze %dma_start3A_263 : memref<1x128xi32, #tpu.memory_space<vmem>> -> memref<128xi32, #tpu.memory_space<vmem>>
      %dma_start3A_265 = arith.constant 0 : i32
      %dma_start3A_266 = tpu.memref_slice %arg11[%dma_start3A_265] : memref<1280064xi32, #tpu.memory_space<vmem_shared>> -> memref<1280064xi32, #tpu.memory_space<vmem_shared>>
      tpu.enqueue_indirect_dma source(%arg8 : memref<128xi32, #tpu.memory_space<vmem>>) target(%dma_start3A_266 : memref<1280064xi32, #tpu.memory_space<vmem_shared>>) offsets(%dma_start3A_264 : memref<128xi32, #tpu.memory_space<vmem>>) semaphore(%arg13 : memref<!tpu.dma_semaphore, #tpu.memory_space<semaphore_mem>>) {add = true}
      %dma_start3A_267 = arith.constant 24 : i32
      %dma_start3A_268 = arith.constant 0 : i32
      %dma_start3A_269 = tpu.memref_slice %arg7[%dma_start3A_267, %dma_start3A_268] : memref<49x128xi32, #tpu.memory_space<vmem>> -> memref<1x128xi32, #tpu.memory_space<vmem>>
      %dma_start3A_270 = tpu.memref_squeeze %dma_start3A_269 : memref<1x128xi32, #tpu.memory_space<vmem>> -> memref<128xi32, #tpu.memory_space<vmem>>
      %dma_start3A_271 = arith.constant 0 : i32
      %dma_start3A_272 = tpu.memref_slice %arg11[%dma_start3A_271] : memref<1280064xi32, #tpu.memory_space<vmem_shared>> -> memref<1280064xi32, #tpu.memory_space<vmem_shared>>
      tpu.enqueue_indirect_dma source(%arg8 : memref<128xi32, #tpu.memory_space<vmem>>) target(%dma_start3A_272 : memref<1280064xi32, #tpu.memory_space<vmem_shared>>) offsets(%dma_start3A_270 : memref<128xi32, #tpu.memory_space<vmem>>) semaphore(%arg13 : memref<!tpu.dma_semaphore, #tpu.memory_space<semaphore_mem>>) {add = true}
      %dma_start3A_273 = arith.constant 25 : i32
      %dma_start3A_274 = arith.constant 0 : i32
      %dma_start3A_275 = tpu.memref_slice %arg7[%dma_start3A_273, %dma_start3A_274] : memref<49x128xi32, #tpu.memory_space<vmem>> -> memref<1x128xi32, #tpu.memory_space<vmem>>
      %dma_start3A_276 = tpu.memref_squeeze %dma_start3A_275 : memref<1x128xi32, #tpu.memory_space<vmem>> -> memref<128xi32, #tpu.memory_space<vmem>>
      %dma_start3A_277 = arith.constant 0 : i32
      %dma_start3A_278 = tpu.memref_slice %arg11[%dma_start3A_277] : memref<1280064xi32, #tpu.memory_space<vmem_shared>> -> memref<1280064xi32, #tpu.memory_space<vmem_shared>>
      tpu.enqueue_indirect_dma source(%arg8 : memref<128xi32, #tpu.memory_space<vmem>>) target(%dma_start3A_278 : memref<1280064xi32, #tpu.memory_space<vmem_shared>>) offsets(%dma_start3A_276 : memref<128xi32, #tpu.memory_space<vmem>>) semaphore(%arg13 : memref<!tpu.dma_semaphore, #tpu.memory_space<semaphore_mem>>) {add = true}
      %dma_start3A_279 = arith.constant 26 : i32
      %dma_start3A_280 = arith.constant 0 : i32
      %dma_start3A_281 = tpu.memref_slice %arg7[%dma_start3A_279, %dma_start3A_280] : memref<49x128xi32, #tpu.memory_space<vmem>> -> memref<1x128xi32, #tpu.memory_space<vmem>>
      %dma_start3A_282 = tpu.memref_squeeze %dma_start3A_281 : memref<1x128xi32, #tpu.memory_space<vmem>> -> memref<128xi32, #tpu.memory_space<vmem>>
      %dma_start3A_283 = arith.constant 0 : i32
      %dma_start3A_284 = tpu.memref_slice %arg11[%dma_start3A_283] : memref<1280064xi32, #tpu.memory_space<vmem_shared>> -> memref<1280064xi32, #tpu.memory_space<vmem_shared>>
      tpu.enqueue_indirect_dma source(%arg8 : memref<128xi32, #tpu.memory_space<vmem>>) target(%dma_start3A_284 : memref<1280064xi32, #tpu.memory_space<vmem_shared>>) offsets(%dma_start3A_282 : memref<128xi32, #tpu.memory_space<vmem>>) semaphore(%arg13 : memref<!tpu.dma_semaphore, #tpu.memory_space<semaphore_mem>>) {add = true}
      %dma_start3A_285 = arith.constant 27 : i32
      %dma_start3A_286 = arith.constant 0 : i32
      %dma_start3A_287 = tpu.memref_slice %arg7[%dma_start3A_285, %dma_start3A_286] : memref<49x128xi32, #tpu.memory_space<vmem>> -> memref<1x128xi32, #tpu.memory_space<vmem>>
      %dma_start3A_288 = tpu.memref_squeeze %dma_start3A_287 : memref<1x128xi32, #tpu.memory_space<vmem>> -> memref<128xi32, #tpu.memory_space<vmem>>
      %dma_start3A_289 = arith.constant 0 : i32
      %dma_start3A_290 = tpu.memref_slice %arg11[%dma_start3A_289] : memref<1280064xi32, #tpu.memory_space<vmem_shared>> -> memref<1280064xi32, #tpu.memory_space<vmem_shared>>
      tpu.enqueue_indirect_dma source(%arg8 : memref<128xi32, #tpu.memory_space<vmem>>) target(%dma_start3A_290 : memref<1280064xi32, #tpu.memory_space<vmem_shared>>) offsets(%dma_start3A_288 : memref<128xi32, #tpu.memory_space<vmem>>) semaphore(%arg13 : memref<!tpu.dma_semaphore, #tpu.memory_space<semaphore_mem>>) {add = true}
      %dma_start3A_291 = arith.constant 28 : i32
      %dma_start3A_292 = arith.constant 0 : i32
      %dma_start3A_293 = tpu.memref_slice %arg7[%dma_start3A_291, %dma_start3A_292] : memref<49x128xi32, #tpu.memory_space<vmem>> -> memref<1x128xi32, #tpu.memory_space<vmem>>
      %dma_start3A_294 = tpu.memref_squeeze %dma_start3A_293 : memref<1x128xi32, #tpu.memory_space<vmem>> -> memref<128xi32, #tpu.memory_space<vmem>>
      %dma_start3A_295 = arith.constant 0 : i32
      %dma_start3A_296 = tpu.memref_slice %arg11[%dma_start3A_295] : memref<1280064xi32, #tpu.memory_space<vmem_shared>> -> memref<1280064xi32, #tpu.memory_space<vmem_shared>>
      tpu.enqueue_indirect_dma source(%arg8 : memref<128xi32, #tpu.memory_space<vmem>>) target(%dma_start3A_296 : memref<1280064xi32, #tpu.memory_space<vmem_shared>>) offsets(%dma_start3A_294 : memref<128xi32, #tpu.memory_space<vmem>>) semaphore(%arg13 : memref<!tpu.dma_semaphore, #tpu.memory_space<semaphore_mem>>) {add = true}
      %dma_start3A_297 = arith.constant 29 : i32
      %dma_start3A_298 = arith.constant 0 : i32
      %dma_start3A_299 = tpu.memref_slice %arg7[%dma_start3A_297, %dma_start3A_298] : memref<49x128xi32, #tpu.memory_space<vmem>> -> memref<1x128xi32, #tpu.memory_space<vmem>>
      %dma_start3A_300 = tpu.memref_squeeze %dma_start3A_299 : memref<1x128xi32, #tpu.memory_space<vmem>> -> memref<128xi32, #tpu.memory_space<vmem>>
      %dma_start3A_301 = arith.constant 0 : i32
      %dma_start3A_302 = tpu.memref_slice %arg11[%dma_start3A_301] : memref<1280064xi32, #tpu.memory_space<vmem_shared>> -> memref<1280064xi32, #tpu.memory_space<vmem_shared>>
      tpu.enqueue_indirect_dma source(%arg8 : memref<128xi32, #tpu.memory_space<vmem>>) target(%dma_start3A_302 : memref<1280064xi32, #tpu.memory_space<vmem_shared>>) offsets(%dma_start3A_300 : memref<128xi32, #tpu.memory_space<vmem>>) semaphore(%arg13 : memref<!tpu.dma_semaphore, #tpu.memory_space<semaphore_mem>>) {add = true}
      %dma_start3A_303 = arith.constant 30 : i32
      %dma_start3A_304 = arith.constant 0 : i32
      %dma_start3A_305 = tpu.memref_slice %arg7[%dma_start3A_303, %dma_start3A_304] : memref<49x128xi32, #tpu.memory_space<vmem>> -> memref<1x128xi32, #tpu.memory_space<vmem>>
      %dma_start3A_306 = tpu.memref_squeeze %dma_start3A_305 : memref<1x128xi32, #tpu.memory_space<vmem>> -> memref<128xi32, #tpu.memory_space<vmem>>
      %dma_start3A_307 = arith.constant 0 : i32
      %dma_start3A_308 = tpu.memref_slice %arg11[%dma_start3A_307] : memref<1280064xi32, #tpu.memory_space<vmem_shared>> -> memref<1280064xi32, #tpu.memory_space<vmem_shared>>
      tpu.enqueue_indirect_dma source(%arg8 : memref<128xi32, #tpu.memory_space<vmem>>) target(%dma_start3A_308 : memref<1280064xi32, #tpu.memory_space<vmem_shared>>) offsets(%dma_start3A_306 : memref<128xi32, #tpu.memory_space<vmem>>) semaphore(%arg13 : memref<!tpu.dma_semaphore, #tpu.memory_space<semaphore_mem>>) {add = true}
      %dma_start3A_309 = arith.constant 31 : i32
      %dma_start3A_310 = arith.constant 0 : i32
      %dma_start3A_311 = tpu.memref_slice %arg7[%dma_start3A_309, %dma_start3A_310] : memref<49x128xi32, #tpu.memory_space<vmem>> -> memref<1x128xi32, #tpu.memory_space<vmem>>
      %dma_start3A_312 = tpu.memref_squeeze %dma_start3A_311 : memref<1x128xi32, #tpu.memory_space<vmem>> -> memref<128xi32, #tpu.memory_space<vmem>>
      %dma_start3A_313 = arith.constant 0 : i32
      %dma_start3A_314 = tpu.memref_slice %arg11[%dma_start3A_313] : memref<1280064xi32, #tpu.memory_space<vmem_shared>> -> memref<1280064xi32, #tpu.memory_space<vmem_shared>>
      tpu.enqueue_indirect_dma source(%arg8 : memref<128xi32, #tpu.memory_space<vmem>>) target(%dma_start3A_314 : memref<1280064xi32, #tpu.memory_space<vmem_shared>>) offsets(%dma_start3A_312 : memref<128xi32, #tpu.memory_space<vmem>>) semaphore(%arg13 : memref<!tpu.dma_semaphore, #tpu.memory_space<semaphore_mem>>) {add = true}
      %dma_start3A_315 = arith.constant 32 : i32
      %dma_start3A_316 = arith.constant 0 : i32
      %dma_start3A_317 = tpu.memref_slice %arg7[%dma_start3A_315, %dma_start3A_316] : memref<49x128xi32, #tpu.memory_space<vmem>> -> memref<1x128xi32, #tpu.memory_space<vmem>>
      %dma_start3A_318 = tpu.memref_squeeze %dma_start3A_317 : memref<1x128xi32, #tpu.memory_space<vmem>> -> memref<128xi32, #tpu.memory_space<vmem>>
      %dma_start3A_319 = arith.constant 0 : i32
      %dma_start3A_320 = tpu.memref_slice %arg11[%dma_start3A_319] : memref<1280064xi32, #tpu.memory_space<vmem_shared>> -> memref<1280064xi32, #tpu.memory_space<vmem_shared>>
      tpu.enqueue_indirect_dma source(%arg8 : memref<128xi32, #tpu.memory_space<vmem>>) target(%dma_start3A_320 : memref<1280064xi32, #tpu.memory_space<vmem_shared>>) offsets(%dma_start3A_318 : memref<128xi32, #tpu.memory_space<vmem>>) semaphore(%arg13 : memref<!tpu.dma_semaphore, #tpu.memory_space<semaphore_mem>>) {add = true}
      %dma_start3A_321 = arith.constant 33 : i32
      %dma_start3A_322 = arith.constant 0 : i32
      %dma_start3A_323 = tpu.memref_slice %arg7[%dma_start3A_321, %dma_start3A_322] : memref<49x128xi32, #tpu.memory_space<vmem>> -> memref<1x128xi32, #tpu.memory_space<vmem>>
      %dma_start3A_324 = tpu.memref_squeeze %dma_start3A_323 : memref<1x128xi32, #tpu.memory_space<vmem>> -> memref<128xi32, #tpu.memory_space<vmem>>
      %dma_start3A_325 = arith.constant 0 : i32
      %dma_start3A_326 = tpu.memref_slice %arg11[%dma_start3A_325] : memref<1280064xi32, #tpu.memory_space<vmem_shared>> -> memref<1280064xi32, #tpu.memory_space<vmem_shared>>
      tpu.enqueue_indirect_dma source(%arg8 : memref<128xi32, #tpu.memory_space<vmem>>) target(%dma_start3A_326 : memref<1280064xi32, #tpu.memory_space<vmem_shared>>) offsets(%dma_start3A_324 : memref<128xi32, #tpu.memory_space<vmem>>) semaphore(%arg13 : memref<!tpu.dma_semaphore, #tpu.memory_space<semaphore_mem>>) {add = true}
      %dma_start3A_327 = arith.constant 34 : i32
      %dma_start3A_328 = arith.constant 0 : i32
      %dma_start3A_329 = tpu.memref_slice %arg7[%dma_start3A_327, %dma_start3A_328] : memref<49x128xi32, #tpu.memory_space<vmem>> -> memref<1x128xi32, #tpu.memory_space<vmem>>
      %dma_start3A_330 = tpu.memref_squeeze %dma_start3A_329 : memref<1x128xi32, #tpu.memory_space<vmem>> -> memref<128xi32, #tpu.memory_space<vmem>>
      %dma_start3A_331 = arith.constant 0 : i32
      %dma_start3A_332 = tpu.memref_slice %arg11[%dma_start3A_331] : memref<1280064xi32, #tpu.memory_space<vmem_shared>> -> memref<1280064xi32, #tpu.memory_space<vmem_shared>>
      tpu.enqueue_indirect_dma source(%arg8 : memref<128xi32, #tpu.memory_space<vmem>>) target(%dma_start3A_332 : memref<1280064xi32, #tpu.memory_space<vmem_shared>>) offsets(%dma_start3A_330 : memref<128xi32, #tpu.memory_space<vmem>>) semaphore(%arg13 : memref<!tpu.dma_semaphore, #tpu.memory_space<semaphore_mem>>) {add = true}
      %dma_start3A_333 = arith.constant 35 : i32
      %dma_start3A_334 = arith.constant 0 : i32
      %dma_start3A_335 = tpu.memref_slice %arg7[%dma_start3A_333, %dma_start3A_334] : memref<49x128xi32, #tpu.memory_space<vmem>> -> memref<1x128xi32, #tpu.memory_space<vmem>>
      %dma_start3A_336 = tpu.memref_squeeze %dma_start3A_335 : memref<1x128xi32, #tpu.memory_space<vmem>> -> memref<128xi32, #tpu.memory_space<vmem>>
      %dma_start3A_337 = arith.constant 0 : i32
      %dma_start3A_338 = tpu.memref_slice %arg11[%dma_start3A_337] : memref<1280064xi32, #tpu.memory_space<vmem_shared>> -> memref<1280064xi32, #tpu.memory_space<vmem_shared>>
      tpu.enqueue_indirect_dma source(%arg8 : memref<128xi32, #tpu.memory_space<vmem>>) target(%dma_start3A_338 : memref<1280064xi32, #tpu.memory_space<vmem_shared>>) offsets(%dma_start3A_336 : memref<128xi32, #tpu.memory_space<vmem>>) semaphore(%arg13 : memref<!tpu.dma_semaphore, #tpu.memory_space<semaphore_mem>>) {add = true}
      %dma_start3A_339 = arith.constant 36 : i32
      %dma_start3A_340 = arith.constant 0 : i32
      %dma_start3A_341 = tpu.memref_slice %arg7[%dma_start3A_339, %dma_start3A_340] : memref<49x128xi32, #tpu.memory_space<vmem>> -> memref<1x128xi32, #tpu.memory_space<vmem>>
      %dma_start3A_342 = tpu.memref_squeeze %dma_start3A_341 : memref<1x128xi32, #tpu.memory_space<vmem>> -> memref<128xi32, #tpu.memory_space<vmem>>
      %dma_start3A_343 = arith.constant 0 : i32
      %dma_start3A_344 = tpu.memref_slice %arg11[%dma_start3A_343] : memref<1280064xi32, #tpu.memory_space<vmem_shared>> -> memref<1280064xi32, #tpu.memory_space<vmem_shared>>
      tpu.enqueue_indirect_dma source(%arg8 : memref<128xi32, #tpu.memory_space<vmem>>) target(%dma_start3A_344 : memref<1280064xi32, #tpu.memory_space<vmem_shared>>) offsets(%dma_start3A_342 : memref<128xi32, #tpu.memory_space<vmem>>) semaphore(%arg13 : memref<!tpu.dma_semaphore, #tpu.memory_space<semaphore_mem>>) {add = true}
      %dma_start3A_345 = arith.constant 37 : i32
      %dma_start3A_346 = arith.constant 0 : i32
      %dma_start3A_347 = tpu.memref_slice %arg7[%dma_start3A_345, %dma_start3A_346] : memref<49x128xi32, #tpu.memory_space<vmem>> -> memref<1x128xi32, #tpu.memory_space<vmem>>
      %dma_start3A_348 = tpu.memref_squeeze %dma_start3A_347 : memref<1x128xi32, #tpu.memory_space<vmem>> -> memref<128xi32, #tpu.memory_space<vmem>>
      %dma_start3A_349 = arith.constant 0 : i32
      %dma_start3A_350 = tpu.memref_slice %arg11[%dma_start3A_349] : memref<1280064xi32, #tpu.memory_space<vmem_shared>> -> memref<1280064xi32, #tpu.memory_space<vmem_shared>>
      tpu.enqueue_indirect_dma source(%arg8 : memref<128xi32, #tpu.memory_space<vmem>>) target(%dma_start3A_350 : memref<1280064xi32, #tpu.memory_space<vmem_shared>>) offsets(%dma_start3A_348 : memref<128xi32, #tpu.memory_space<vmem>>) semaphore(%arg13 : memref<!tpu.dma_semaphore, #tpu.memory_space<semaphore_mem>>) {add = true}
      %dma_start3A_351 = arith.constant 38 : i32
      %dma_start3A_352 = arith.constant 0 : i32
      %dma_start3A_353 = tpu.memref_slice %arg7[%dma_start3A_351, %dma_start3A_352] : memref<49x128xi32, #tpu.memory_space<vmem>> -> memref<1x128xi32, #tpu.memory_space<vmem>>
      %dma_start3A_354 = tpu.memref_squeeze %dma_start3A_353 : memref<1x128xi32, #tpu.memory_space<vmem>> -> memref<128xi32, #tpu.memory_space<vmem>>
      %dma_start3A_355 = arith.constant 0 : i32
      %dma_start3A_356 = tpu.memref_slice %arg11[%dma_start3A_355] : memref<1280064xi32, #tpu.memory_space<vmem_shared>> -> memref<1280064xi32, #tpu.memory_space<vmem_shared>>
      tpu.enqueue_indirect_dma source(%arg8 : memref<128xi32, #tpu.memory_space<vmem>>) target(%dma_start3A_356 : memref<1280064xi32, #tpu.memory_space<vmem_shared>>) offsets(%dma_start3A_354 : memref<128xi32, #tpu.memory_space<vmem>>) semaphore(%arg13 : memref<!tpu.dma_semaphore, #tpu.memory_space<semaphore_mem>>) {add = true}
      %dma_start3A_357 = arith.constant 39 : i32
      %dma_start3A_358 = arith.constant 0 : i32
      %dma_start3A_359 = tpu.memref_slice %arg7[%dma_start3A_357, %dma_start3A_358] : memref<49x128xi32, #tpu.memory_space<vmem>> -> memref<1x128xi32, #tpu.memory_space<vmem>>
      %dma_start3A_360 = tpu.memref_squeeze %dma_start3A_359 : memref<1x128xi32, #tpu.memory_space<vmem>> -> memref<128xi32, #tpu.memory_space<vmem>>
      %dma_start3A_361 = arith.constant 0 : i32
      %dma_start3A_362 = tpu.memref_slice %arg11[%dma_start3A_361] : memref<1280064xi32, #tpu.memory_space<vmem_shared>> -> memref<1280064xi32, #tpu.memory_space<vmem_shared>>
      tpu.enqueue_indirect_dma source(%arg8 : memref<128xi32, #tpu.memory_space<vmem>>) target(%dma_start3A_362 : memref<1280064xi32, #tpu.memory_space<vmem_shared>>) offsets(%dma_start3A_360 : memref<128xi32, #tpu.memory_space<vmem>>) semaphore(%arg13 : memref<!tpu.dma_semaphore, #tpu.memory_space<semaphore_mem>>) {add = true}
      %dma_start3A_363 = arith.constant 40 : i32
      %dma_start3A_364 = arith.constant 0 : i32
      %dma_start3A_365 = tpu.memref_slice %arg7[%dma_start3A_363, %dma_start3A_364] : memref<49x128xi32, #tpu.memory_space<vmem>> -> memref<1x128xi32, #tpu.memory_space<vmem>>
      %dma_start3A_366 = tpu.memref_squeeze %dma_start3A_365 : memref<1x128xi32, #tpu.memory_space<vmem>> -> memref<128xi32, #tpu.memory_space<vmem>>
      %dma_start3A_367 = arith.constant 0 : i32
      %dma_start3A_368 = tpu.memref_slice %arg11[%dma_start3A_367] : memref<1280064xi32, #tpu.memory_space<vmem_shared>> -> memref<1280064xi32, #tpu.memory_space<vmem_shared>>
      tpu.enqueue_indirect_dma source(%arg8 : memref<128xi32, #tpu.memory_space<vmem>>) target(%dma_start3A_368 : memref<1280064xi32, #tpu.memory_space<vmem_shared>>) offsets(%dma_start3A_366 : memref<128xi32, #tpu.memory_space<vmem>>) semaphore(%arg13 : memref<!tpu.dma_semaphore, #tpu.memory_space<semaphore_mem>>) {add = true}
      %dma_start3A_369 = arith.constant 41 : i32
      %dma_start3A_370 = arith.constant 0 : i32
      %dma_start3A_371 = tpu.memref_slice %arg7[%dma_start3A_369, %dma_start3A_370] : memref<49x128xi32, #tpu.memory_space<vmem>> -> memref<1x128xi32, #tpu.memory_space<vmem>>
      %dma_start3A_372 = tpu.memref_squeeze %dma_start3A_371 : memref<1x128xi32, #tpu.memory_space<vmem>> -> memref<128xi32, #tpu.memory_space<vmem>>
      %dma_start3A_373 = arith.constant 0 : i32
      %dma_start3A_374 = tpu.memref_slice %arg11[%dma_start3A_373] : memref<1280064xi32, #tpu.memory_space<vmem_shared>> -> memref<1280064xi32, #tpu.memory_space<vmem_shared>>
      tpu.enqueue_indirect_dma source(%arg8 : memref<128xi32, #tpu.memory_space<vmem>>) target(%dma_start3A_374 : memref<1280064xi32, #tpu.memory_space<vmem_shared>>) offsets(%dma_start3A_372 : memref<128xi32, #tpu.memory_space<vmem>>) semaphore(%arg13 : memref<!tpu.dma_semaphore, #tpu.memory_space<semaphore_mem>>) {add = true}
      %dma_start3A_375 = arith.constant 42 : i32
      %dma_start3A_376 = arith.constant 0 : i32
      %dma_start3A_377 = tpu.memref_slice %arg7[%dma_start3A_375, %dma_start3A_376] : memref<49x128xi32, #tpu.memory_space<vmem>> -> memref<1x128xi32, #tpu.memory_space<vmem>>
      %dma_start3A_378 = tpu.memref_squeeze %dma_start3A_377 : memref<1x128xi32, #tpu.memory_space<vmem>> -> memref<128xi32, #tpu.memory_space<vmem>>
      %dma_start3A_379 = arith.constant 0 : i32
      %dma_start3A_380 = tpu.memref_slice %arg11[%dma_start3A_379] : memref<1280064xi32, #tpu.memory_space<vmem_shared>> -> memref<1280064xi32, #tpu.memory_space<vmem_shared>>
      tpu.enqueue_indirect_dma source(%arg8 : memref<128xi32, #tpu.memory_space<vmem>>) target(%dma_start3A_380 : memref<1280064xi32, #tpu.memory_space<vmem_shared>>) offsets(%dma_start3A_378 : memref<128xi32, #tpu.memory_space<vmem>>) semaphore(%arg13 : memref<!tpu.dma_semaphore, #tpu.memory_space<semaphore_mem>>) {add = true}
      %dma_start3A_381 = arith.constant 43 : i32
      %dma_start3A_382 = arith.constant 0 : i32
      %dma_start3A_383 = tpu.memref_slice %arg7[%dma_start3A_381, %dma_start3A_382] : memref<49x128xi32, #tpu.memory_space<vmem>> -> memref<1x128xi32, #tpu.memory_space<vmem>>
      %dma_start3A_384 = tpu.memref_squeeze %dma_start3A_383 : memref<1x128xi32, #tpu.memory_space<vmem>> -> memref<128xi32, #tpu.memory_space<vmem>>
      %dma_start3A_385 = arith.constant 0 : i32
      %dma_start3A_386 = tpu.memref_slice %arg11[%dma_start3A_385] : memref<1280064xi32, #tpu.memory_space<vmem_shared>> -> memref<1280064xi32, #tpu.memory_space<vmem_shared>>
      tpu.enqueue_indirect_dma source(%arg8 : memref<128xi32, #tpu.memory_space<vmem>>) target(%dma_start3A_386 : memref<1280064xi32, #tpu.memory_space<vmem_shared>>) offsets(%dma_start3A_384 : memref<128xi32, #tpu.memory_space<vmem>>) semaphore(%arg13 : memref<!tpu.dma_semaphore, #tpu.memory_space<semaphore_mem>>) {add = true}
      %dma_start3A_387 = arith.constant 44 : i32
      %dma_start3A_388 = arith.constant 0 : i32
      %dma_start3A_389 = tpu.memref_slice %arg7[%dma_start3A_387, %dma_start3A_388] : memref<49x128xi32, #tpu.memory_space<vmem>> -> memref<1x128xi32, #tpu.memory_space<vmem>>
      %dma_start3A_390 = tpu.memref_squeeze %dma_start3A_389 : memref<1x128xi32, #tpu.memory_space<vmem>> -> memref<128xi32, #tpu.memory_space<vmem>>
      %dma_start3A_391 = arith.constant 0 : i32
      %dma_start3A_392 = tpu.memref_slice %arg11[%dma_start3A_391] : memref<1280064xi32, #tpu.memory_space<vmem_shared>> -> memref<1280064xi32, #tpu.memory_space<vmem_shared>>
      tpu.enqueue_indirect_dma source(%arg8 : memref<128xi32, #tpu.memory_space<vmem>>) target(%dma_start3A_392 : memref<1280064xi32, #tpu.memory_space<vmem_shared>>) offsets(%dma_start3A_390 : memref<128xi32, #tpu.memory_space<vmem>>) semaphore(%arg13 : memref<!tpu.dma_semaphore, #tpu.memory_space<semaphore_mem>>) {add = true}
      %dma_start3A_393 = arith.constant 45 : i32
      %dma_start3A_394 = arith.constant 0 : i32
      %dma_start3A_395 = tpu.memref_slice %arg7[%dma_start3A_393, %dma_start3A_394] : memref<49x128xi32, #tpu.memory_space<vmem>> -> memref<1x128xi32, #tpu.memory_space<vmem>>
      %dma_start3A_396 = tpu.memref_squeeze %dma_start3A_395 : memref<1x128xi32, #tpu.memory_space<vmem>> -> memref<128xi32, #tpu.memory_space<vmem>>
      %dma_start3A_397 = arith.constant 0 : i32
      %dma_start3A_398 = tpu.memref_slice %arg11[%dma_start3A_397] : memref<1280064xi32, #tpu.memory_space<vmem_shared>> -> memref<1280064xi32, #tpu.memory_space<vmem_shared>>
      tpu.enqueue_indirect_dma source(%arg8 : memref<128xi32, #tpu.memory_space<vmem>>) target(%dma_start3A_398 : memref<1280064xi32, #tpu.memory_space<vmem_shared>>) offsets(%dma_start3A_396 : memref<128xi32, #tpu.memory_space<vmem>>) semaphore(%arg13 : memref<!tpu.dma_semaphore, #tpu.memory_space<semaphore_mem>>) {add = true}
      %dma_start3A_399 = arith.constant 46 : i32
      %dma_start3A_400 = arith.constant 0 : i32
      %dma_start3A_401 = tpu.memref_slice %arg7[%dma_start3A_399, %dma_start3A_400] : memref<49x128xi32, #tpu.memory_space<vmem>> -> memref<1x128xi32, #tpu.memory_space<vmem>>
      %dma_start3A_402 = tpu.memref_squeeze %dma_start3A_401 : memref<1x128xi32, #tpu.memory_space<vmem>> -> memref<128xi32, #tpu.memory_space<vmem>>
      %dma_start3A_403 = arith.constant 0 : i32
      %dma_start3A_404 = tpu.memref_slice %arg11[%dma_start3A_403] : memref<1280064xi32, #tpu.memory_space<vmem_shared>> -> memref<1280064xi32, #tpu.memory_space<vmem_shared>>
      tpu.enqueue_indirect_dma source(%arg8 : memref<128xi32, #tpu.memory_space<vmem>>) target(%dma_start3A_404 : memref<1280064xi32, #tpu.memory_space<vmem_shared>>) offsets(%dma_start3A_402 : memref<128xi32, #tpu.memory_space<vmem>>) semaphore(%arg13 : memref<!tpu.dma_semaphore, #tpu.memory_space<semaphore_mem>>) {add = true}
      %dma_start3A_405 = arith.constant 47 : i32
      %dma_start3A_406 = arith.constant 0 : i32
      %dma_start3A_407 = tpu.memref_slice %arg7[%dma_start3A_405, %dma_start3A_406] : memref<49x128xi32, #tpu.memory_space<vmem>> -> memref<1x128xi32, #tpu.memory_space<vmem>>
      %dma_start3A_408 = tpu.memref_squeeze %dma_start3A_407 : memref<1x128xi32, #tpu.memory_space<vmem>> -> memref<128xi32, #tpu.memory_space<vmem>>
      %dma_start3A_409 = arith.constant 0 : i32
      %dma_start3A_410 = tpu.memref_slice %arg11[%dma_start3A_409] : memref<1280064xi32, #tpu.memory_space<vmem_shared>> -> memref<1280064xi32, #tpu.memory_space<vmem_shared>>
      tpu.enqueue_indirect_dma source(%arg8 : memref<128xi32, #tpu.memory_space<vmem>>) target(%dma_start3A_410 : memref<1280064xi32, #tpu.memory_space<vmem_shared>>) offsets(%dma_start3A_408 : memref<128xi32, #tpu.memory_space<vmem>>) semaphore(%arg13 : memref<!tpu.dma_semaphore, #tpu.memory_space<semaphore_mem>>) {add = true}
      %dma_start3A_411 = arith.constant 48 : i32
      %dma_start3A_412 = arith.constant 0 : i32
      %dma_start3A_413 = tpu.memref_slice %arg7[%dma_start3A_411, %dma_start3A_412] : memref<49x128xi32, #tpu.memory_space<vmem>> -> memref<1x128xi32, #tpu.memory_space<vmem>>
      %dma_start3A_414 = tpu.memref_squeeze %dma_start3A_413 : memref<1x128xi32, #tpu.memory_space<vmem>> -> memref<128xi32, #tpu.memory_space<vmem>>
      %dma_start3A_415 = arith.constant 0 : i32
      %dma_start3A_416 = tpu.memref_slice %arg11[%dma_start3A_415] : memref<1280064xi32, #tpu.memory_space<vmem_shared>> -> memref<1280064xi32, #tpu.memory_space<vmem_shared>>
      tpu.enqueue_indirect_dma source(%arg8 : memref<128xi32, #tpu.memory_space<vmem>>) target(%dma_start3A_416 : memref<1280064xi32, #tpu.memory_space<vmem_shared>>) offsets(%dma_start3A_414 : memref<128xi32, #tpu.memory_space<vmem>>) semaphore(%arg13 : memref<!tpu.dma_semaphore, #tpu.memory_space<semaphore_mem>>) {add = true}
      %dma_wait3A_417 = arith.constant 0 : i32
      %dma_wait3A_418 = arith.constant 0 : i32
      %dma_wait3A_419 = tpu.memref_slice %arg7[%dma_wait3A_417, %dma_wait3A_418] : memref<49x128xi32, #tpu.memory_space<vmem>> -> memref<1x128xi32, #tpu.memory_space<vmem>>
      %dma_wait3A_420 = tpu.memref_squeeze %dma_wait3A_419 : memref<1x128xi32, #tpu.memory_space<vmem>> -> memref<128xi32, #tpu.memory_space<vmem>>
      %dma_wait3A_421 = arith.constant 0 : i32
      %dma_wait3A_422 = tpu.memref_slice %arg11[%dma_wait3A_421] : memref<1280064xi32, #tpu.memory_space<vmem_shared>> -> memref<1280064xi32, #tpu.memory_space<vmem_shared>>
      tpu.wait_indirect_dma semaphore(%arg13 : memref<!tpu.dma_semaphore, #tpu.memory_space<semaphore_mem>>) src(%arg8 : memref<128xi32, #tpu.memory_space<vmem>>) dst(%dma_wait3A_422 : memref<1280064xi32, #tpu.memory_space<vmem_shared>>)
      %dma_wait3A_423 = arith.constant 1 : i32
      %dma_wait3A_424 = arith.constant 0 : i32
      %dma_wait3A_425 = tpu.memref_slice %arg7[%dma_wait3A_423, %dma_wait3A_424] : memref<49x128xi32, #tpu.memory_space<vmem>> -> memref<1x128xi32, #tpu.memory_space<vmem>>
      %dma_wait3A_426 = tpu.memref_squeeze %dma_wait3A_425 : memref<1x128xi32, #tpu.memory_space<vmem>> -> memref<128xi32, #tpu.memory_space<vmem>>
      %dma_wait3A_427 = arith.constant 0 : i32
      %dma_wait3A_428 = tpu.memref_slice %arg11[%dma_wait3A_427] : memref<1280064xi32, #tpu.memory_space<vmem_shared>> -> memref<1280064xi32, #tpu.memory_space<vmem_shared>>
      tpu.wait_indirect_dma semaphore(%arg13 : memref<!tpu.dma_semaphore, #tpu.memory_space<semaphore_mem>>) src(%arg8 : memref<128xi32, #tpu.memory_space<vmem>>) dst(%dma_wait3A_428 : memref<1280064xi32, #tpu.memory_space<vmem_shared>>)
      %dma_wait3A_429 = arith.constant 2 : i32
      %dma_wait3A_430 = arith.constant 0 : i32
      %dma_wait3A_431 = tpu.memref_slice %arg7[%dma_wait3A_429, %dma_wait3A_430] : memref<49x128xi32, #tpu.memory_space<vmem>> -> memref<1x128xi32, #tpu.memory_space<vmem>>
      %dma_wait3A_432 = tpu.memref_squeeze %dma_wait3A_431 : memref<1x128xi32, #tpu.memory_space<vmem>> -> memref<128xi32, #tpu.memory_space<vmem>>
      %dma_wait3A_433 = arith.constant 0 : i32
      %dma_wait3A_434 = tpu.memref_slice %arg11[%dma_wait3A_433] : memref<1280064xi32, #tpu.memory_space<vmem_shared>> -> memref<1280064xi32, #tpu.memory_space<vmem_shared>>
      tpu.wait_indirect_dma semaphore(%arg13 : memref<!tpu.dma_semaphore, #tpu.memory_space<semaphore_mem>>) src(%arg8 : memref<128xi32, #tpu.memory_space<vmem>>) dst(%dma_wait3A_434 : memref<1280064xi32, #tpu.memory_space<vmem_shared>>)
      %dma_wait3A_435 = arith.constant 3 : i32
      %dma_wait3A_436 = arith.constant 0 : i32
      %dma_wait3A_437 = tpu.memref_slice %arg7[%dma_wait3A_435, %dma_wait3A_436] : memref<49x128xi32, #tpu.memory_space<vmem>> -> memref<1x128xi32, #tpu.memory_space<vmem>>
      %dma_wait3A_438 = tpu.memref_squeeze %dma_wait3A_437 : memref<1x128xi32, #tpu.memory_space<vmem>> -> memref<128xi32, #tpu.memory_space<vmem>>
      %dma_wait3A_439 = arith.constant 0 : i32
      %dma_wait3A_440 = tpu.memref_slice %arg11[%dma_wait3A_439] : memref<1280064xi32, #tpu.memory_space<vmem_shared>> -> memref<1280064xi32, #tpu.memory_space<vmem_shared>>
      tpu.wait_indirect_dma semaphore(%arg13 : memref<!tpu.dma_semaphore, #tpu.memory_space<semaphore_mem>>) src(%arg8 : memref<128xi32, #tpu.memory_space<vmem>>) dst(%dma_wait3A_440 : memref<1280064xi32, #tpu.memory_space<vmem_shared>>)
      %dma_wait3A_441 = arith.constant 4 : i32
      %dma_wait3A_442 = arith.constant 0 : i32
      %dma_wait3A_443 = tpu.memref_slice %arg7[%dma_wait3A_441, %dma_wait3A_442] : memref<49x128xi32, #tpu.memory_space<vmem>> -> memref<1x128xi32, #tpu.memory_space<vmem>>
      %dma_wait3A_444 = tpu.memref_squeeze %dma_wait3A_443 : memref<1x128xi32, #tpu.memory_space<vmem>> -> memref<128xi32, #tpu.memory_space<vmem>>
      %dma_wait3A_445 = arith.constant 0 : i32
      %dma_wait3A_446 = tpu.memref_slice %arg11[%dma_wait3A_445] : memref<1280064xi32, #tpu.memory_space<vmem_shared>> -> memref<1280064xi32, #tpu.memory_space<vmem_shared>>
      tpu.wait_indirect_dma semaphore(%arg13 : memref<!tpu.dma_semaphore, #tpu.memory_space<semaphore_mem>>) src(%arg8 : memref<128xi32, #tpu.memory_space<vmem>>) dst(%dma_wait3A_446 : memref<1280064xi32, #tpu.memory_space<vmem_shared>>)
      %dma_wait3A_447 = arith.constant 5 : i32
      %dma_wait3A_448 = arith.constant 0 : i32
      %dma_wait3A_449 = tpu.memref_slice %arg7[%dma_wait3A_447, %dma_wait3A_448] : memref<49x128xi32, #tpu.memory_space<vmem>> -> memref<1x128xi32, #tpu.memory_space<vmem>>
      %dma_wait3A_450 = tpu.memref_squeeze %dma_wait3A_449 : memref<1x128xi32, #tpu.memory_space<vmem>> -> memref<128xi32, #tpu.memory_space<vmem>>
      %dma_wait3A_451 = arith.constant 0 : i32
      %dma_wait3A_452 = tpu.memref_slice %arg11[%dma_wait3A_451] : memref<1280064xi32, #tpu.memory_space<vmem_shared>> -> memref<1280064xi32, #tpu.memory_space<vmem_shared>>
      tpu.wait_indirect_dma semaphore(%arg13 : memref<!tpu.dma_semaphore, #tpu.memory_space<semaphore_mem>>) src(%arg8 : memref<128xi32, #tpu.memory_space<vmem>>) dst(%dma_wait3A_452 : memref<1280064xi32, #tpu.memory_space<vmem_shared>>)
      %dma_wait3A_453 = arith.constant 6 : i32
      %dma_wait3A_454 = arith.constant 0 : i32
      %dma_wait3A_455 = tpu.memref_slice %arg7[%dma_wait3A_453, %dma_wait3A_454] : memref<49x128xi32, #tpu.memory_space<vmem>> -> memref<1x128xi32, #tpu.memory_space<vmem>>
      %dma_wait3A_456 = tpu.memref_squeeze %dma_wait3A_455 : memref<1x128xi32, #tpu.memory_space<vmem>> -> memref<128xi32, #tpu.memory_space<vmem>>
      %dma_wait3A_457 = arith.constant 0 : i32
      %dma_wait3A_458 = tpu.memref_slice %arg11[%dma_wait3A_457] : memref<1280064xi32, #tpu.memory_space<vmem_shared>> -> memref<1280064xi32, #tpu.memory_space<vmem_shared>>
      tpu.wait_indirect_dma semaphore(%arg13 : memref<!tpu.dma_semaphore, #tpu.memory_space<semaphore_mem>>) src(%arg8 : memref<128xi32, #tpu.memory_space<vmem>>) dst(%dma_wait3A_458 : memref<1280064xi32, #tpu.memory_space<vmem_shared>>)
      %dma_wait3A_459 = arith.constant 7 : i32
      %dma_wait3A_460 = arith.constant 0 : i32
      %dma_wait3A_461 = tpu.memref_slice %arg7[%dma_wait3A_459, %dma_wait3A_460] : memref<49x128xi32, #tpu.memory_space<vmem>> -> memref<1x128xi32, #tpu.memory_space<vmem>>
      %dma_wait3A_462 = tpu.memref_squeeze %dma_wait3A_461 : memref<1x128xi32, #tpu.memory_space<vmem>> -> memref<128xi32, #tpu.memory_space<vmem>>
      %dma_wait3A_463 = arith.constant 0 : i32
      %dma_wait3A_464 = tpu.memref_slice %arg11[%dma_wait3A_463] : memref<1280064xi32, #tpu.memory_space<vmem_shared>> -> memref<1280064xi32, #tpu.memory_space<vmem_shared>>
      tpu.wait_indirect_dma semaphore(%arg13 : memref<!tpu.dma_semaphore, #tpu.memory_space<semaphore_mem>>) src(%arg8 : memref<128xi32, #tpu.memory_space<vmem>>) dst(%dma_wait3A_464 : memref<1280064xi32, #tpu.memory_space<vmem_shared>>)
      %dma_wait3A_465 = arith.constant 8 : i32
      %dma_wait3A_466 = arith.constant 0 : i32
      %dma_wait3A_467 = tpu.memref_slice %arg7[%dma_wait3A_465, %dma_wait3A_466] : memref<49x128xi32, #tpu.memory_space<vmem>> -> memref<1x128xi32, #tpu.memory_space<vmem>>
      %dma_wait3A_468 = tpu.memref_squeeze %dma_wait3A_467 : memref<1x128xi32, #tpu.memory_space<vmem>> -> memref<128xi32, #tpu.memory_space<vmem>>
      %dma_wait3A_469 = arith.constant 0 : i32
      %dma_wait3A_470 = tpu.memref_slice %arg11[%dma_wait3A_469] : memref<1280064xi32, #tpu.memory_space<vmem_shared>> -> memref<1280064xi32, #tpu.memory_space<vmem_shared>>
      tpu.wait_indirect_dma semaphore(%arg13 : memref<!tpu.dma_semaphore, #tpu.memory_space<semaphore_mem>>) src(%arg8 : memref<128xi32, #tpu.memory_space<vmem>>) dst(%dma_wait3A_470 : memref<1280064xi32, #tpu.memory_space<vmem_shared>>)
      %dma_wait3A_471 = arith.constant 9 : i32
      %dma_wait3A_472 = arith.constant 0 : i32
      %dma_wait3A_473 = tpu.memref_slice %arg7[%dma_wait3A_471, %dma_wait3A_472] : memref<49x128xi32, #tpu.memory_space<vmem>> -> memref<1x128xi32, #tpu.memory_space<vmem>>
      %dma_wait3A_474 = tpu.memref_squeeze %dma_wait3A_473 : memref<1x128xi32, #tpu.memory_space<vmem>> -> memref<128xi32, #tpu.memory_space<vmem>>
      %dma_wait3A_475 = arith.constant 0 : i32
      %dma_wait3A_476 = tpu.memref_slice %arg11[%dma_wait3A_475] : memref<1280064xi32, #tpu.memory_space<vmem_shared>> -> memref<1280064xi32, #tpu.memory_space<vmem_shared>>
      tpu.wait_indirect_dma semaphore(%arg13 : memref<!tpu.dma_semaphore, #tpu.memory_space<semaphore_mem>>) src(%arg8 : memref<128xi32, #tpu.memory_space<vmem>>) dst(%dma_wait3A_476 : memref<1280064xi32, #tpu.memory_space<vmem_shared>>)
      %dma_wait3A_477 = arith.constant 10 : i32
      %dma_wait3A_478 = arith.constant 0 : i32
      %dma_wait3A_479 = tpu.memref_slice %arg7[%dma_wait3A_477, %dma_wait3A_478] : memref<49x128xi32, #tpu.memory_space<vmem>> -> memref<1x128xi32, #tpu.memory_space<vmem>>
      %dma_wait3A_480 = tpu.memref_squeeze %dma_wait3A_479 : memref<1x128xi32, #tpu.memory_space<vmem>> -> memref<128xi32, #tpu.memory_space<vmem>>
      %dma_wait3A_481 = arith.constant 0 : i32
      %dma_wait3A_482 = tpu.memref_slice %arg11[%dma_wait3A_481] : memref<1280064xi32, #tpu.memory_space<vmem_shared>> -> memref<1280064xi32, #tpu.memory_space<vmem_shared>>
      tpu.wait_indirect_dma semaphore(%arg13 : memref<!tpu.dma_semaphore, #tpu.memory_space<semaphore_mem>>) src(%arg8 : memref<128xi32, #tpu.memory_space<vmem>>) dst(%dma_wait3A_482 : memref<1280064xi32, #tpu.memory_space<vmem_shared>>)
      %dma_wait3A_483 = arith.constant 11 : i32
      %dma_wait3A_484 = arith.constant 0 : i32
      %dma_wait3A_485 = tpu.memref_slice %arg7[%dma_wait3A_483, %dma_wait3A_484] : memref<49x128xi32, #tpu.memory_space<vmem>> -> memref<1x128xi32, #tpu.memory_space<vmem>>
      %dma_wait3A_486 = tpu.memref_squeeze %dma_wait3A_485 : memref<1x128xi32, #tpu.memory_space<vmem>> -> memref<128xi32, #tpu.memory_space<vmem>>
      %dma_wait3A_487 = arith.constant 0 : i32
      %dma_wait3A_488 = tpu.memref_slice %arg11[%dma_wait3A_487] : memref<1280064xi32, #tpu.memory_space<vmem_shared>> -> memref<1280064xi32, #tpu.memory_space<vmem_shared>>
      tpu.wait_indirect_dma semaphore(%arg13 : memref<!tpu.dma_semaphore, #tpu.memory_space<semaphore_mem>>) src(%arg8 : memref<128xi32, #tpu.memory_space<vmem>>) dst(%dma_wait3A_488 : memref<1280064xi32, #tpu.memory_space<vmem_shared>>)
      %dma_wait3A_489 = arith.constant 12 : i32
      %dma_wait3A_490 = arith.constant 0 : i32
      %dma_wait3A_491 = tpu.memref_slice %arg7[%dma_wait3A_489, %dma_wait3A_490] : memref<49x128xi32, #tpu.memory_space<vmem>> -> memref<1x128xi32, #tpu.memory_space<vmem>>
      %dma_wait3A_492 = tpu.memref_squeeze %dma_wait3A_491 : memref<1x128xi32, #tpu.memory_space<vmem>> -> memref<128xi32, #tpu.memory_space<vmem>>
      %dma_wait3A_493 = arith.constant 0 : i32
      %dma_wait3A_494 = tpu.memref_slice %arg11[%dma_wait3A_493] : memref<1280064xi32, #tpu.memory_space<vmem_shared>> -> memref<1280064xi32, #tpu.memory_space<vmem_shared>>
      tpu.wait_indirect_dma semaphore(%arg13 : memref<!tpu.dma_semaphore, #tpu.memory_space<semaphore_mem>>) src(%arg8 : memref<128xi32, #tpu.memory_space<vmem>>) dst(%dma_wait3A_494 : memref<1280064xi32, #tpu.memory_space<vmem_shared>>)
      %dma_wait3A_495 = arith.constant 13 : i32
      %dma_wait3A_496 = arith.constant 0 : i32
      %dma_wait3A_497 = tpu.memref_slice %arg7[%dma_wait3A_495, %dma_wait3A_496] : memref<49x128xi32, #tpu.memory_space<vmem>> -> memref<1x128xi32, #tpu.memory_space<vmem>>
      %dma_wait3A_498 = tpu.memref_squeeze %dma_wait3A_497 : memref<1x128xi32, #tpu.memory_space<vmem>> -> memref<128xi32, #tpu.memory_space<vmem>>
      %dma_wait3A_499 = arith.constant 0 : i32
      %dma_wait3A_500 = tpu.memref_slice %arg11[%dma_wait3A_499] : memref<1280064xi32, #tpu.memory_space<vmem_shared>> -> memref<1280064xi32, #tpu.memory_space<vmem_shared>>
      tpu.wait_indirect_dma semaphore(%arg13 : memref<!tpu.dma_semaphore, #tpu.memory_space<semaphore_mem>>) src(%arg8 : memref<128xi32, #tpu.memory_space<vmem>>) dst(%dma_wait3A_500 : memref<1280064xi32, #tpu.memory_space<vmem_shared>>)
      %dma_wait3A_501 = arith.constant 14 : i32
      %dma_wait3A_502 = arith.constant 0 : i32
      %dma_wait3A_503 = tpu.memref_slice %arg7[%dma_wait3A_501, %dma_wait3A_502] : memref<49x128xi32, #tpu.memory_space<vmem>> -> memref<1x128xi32, #tpu.memory_space<vmem>>
      %dma_wait3A_504 = tpu.memref_squeeze %dma_wait3A_503 : memref<1x128xi32, #tpu.memory_space<vmem>> -> memref<128xi32, #tpu.memory_space<vmem>>
      %dma_wait3A_505 = arith.constant 0 : i32
      %dma_wait3A_506 = tpu.memref_slice %arg11[%dma_wait3A_505] : memref<1280064xi32, #tpu.memory_space<vmem_shared>> -> memref<1280064xi32, #tpu.memory_space<vmem_shared>>
      tpu.wait_indirect_dma semaphore(%arg13 : memref<!tpu.dma_semaphore, #tpu.memory_space<semaphore_mem>>) src(%arg8 : memref<128xi32, #tpu.memory_space<vmem>>) dst(%dma_wait3A_506 : memref<1280064xi32, #tpu.memory_space<vmem_shared>>)
      %dma_wait3A_507 = arith.constant 15 : i32
      %dma_wait3A_508 = arith.constant 0 : i32
      %dma_wait3A_509 = tpu.memref_slice %arg7[%dma_wait3A_507, %dma_wait3A_508] : memref<49x128xi32, #tpu.memory_space<vmem>> -> memref<1x128xi32, #tpu.memory_space<vmem>>
      %dma_wait3A_510 = tpu.memref_squeeze %dma_wait3A_509 : memref<1x128xi32, #tpu.memory_space<vmem>> -> memref<128xi32, #tpu.memory_space<vmem>>
      %dma_wait3A_511 = arith.constant 0 : i32
      %dma_wait3A_512 = tpu.memref_slice %arg11[%dma_wait3A_511] : memref<1280064xi32, #tpu.memory_space<vmem_shared>> -> memref<1280064xi32, #tpu.memory_space<vmem_shared>>
      tpu.wait_indirect_dma semaphore(%arg13 : memref<!tpu.dma_semaphore, #tpu.memory_space<semaphore_mem>>) src(%arg8 : memref<128xi32, #tpu.memory_space<vmem>>) dst(%dma_wait3A_512 : memref<1280064xi32, #tpu.memory_space<vmem_shared>>)
      %dma_wait3A_513 = arith.constant 16 : i32
      %dma_wait3A_514 = arith.constant 0 : i32
      %dma_wait3A_515 = tpu.memref_slice %arg7[%dma_wait3A_513, %dma_wait3A_514] : memref<49x128xi32, #tpu.memory_space<vmem>> -> memref<1x128xi32, #tpu.memory_space<vmem>>
      %dma_wait3A_516 = tpu.memref_squeeze %dma_wait3A_515 : memref<1x128xi32, #tpu.memory_space<vmem>> -> memref<128xi32, #tpu.memory_space<vmem>>
      %dma_wait3A_517 = arith.constant 0 : i32
      %dma_wait3A_518 = tpu.memref_slice %arg11[%dma_wait3A_517] : memref<1280064xi32, #tpu.memory_space<vmem_shared>> -> memref<1280064xi32, #tpu.memory_space<vmem_shared>>
      tpu.wait_indirect_dma semaphore(%arg13 : memref<!tpu.dma_semaphore, #tpu.memory_space<semaphore_mem>>) src(%arg8 : memref<128xi32, #tpu.memory_space<vmem>>) dst(%dma_wait3A_518 : memref<1280064xi32, #tpu.memory_space<vmem_shared>>)
      %dma_wait3A_519 = arith.constant 17 : i32
      %dma_wait3A_520 = arith.constant 0 : i32
      %dma_wait3A_521 = tpu.memref_slice %arg7[%dma_wait3A_519, %dma_wait3A_520] : memref<49x128xi32, #tpu.memory_space<vmem>> -> memref<1x128xi32, #tpu.memory_space<vmem>>
      %dma_wait3A_522 = tpu.memref_squeeze %dma_wait3A_521 : memref<1x128xi32, #tpu.memory_space<vmem>> -> memref<128xi32, #tpu.memory_space<vmem>>
      %dma_wait3A_523 = arith.constant 0 : i32
      %dma_wait3A_524 = tpu.memref_slice %arg11[%dma_wait3A_523] : memref<1280064xi32, #tpu.memory_space<vmem_shared>> -> memref<1280064xi32, #tpu.memory_space<vmem_shared>>
      tpu.wait_indirect_dma semaphore(%arg13 : memref<!tpu.dma_semaphore, #tpu.memory_space<semaphore_mem>>) src(%arg8 : memref<128xi32, #tpu.memory_space<vmem>>) dst(%dma_wait3A_524 : memref<1280064xi32, #tpu.memory_space<vmem_shared>>)
      %dma_wait3A_525 = arith.constant 18 : i32
      %dma_wait3A_526 = arith.constant 0 : i32
      %dma_wait3A_527 = tpu.memref_slice %arg7[%dma_wait3A_525, %dma_wait3A_526] : memref<49x128xi32, #tpu.memory_space<vmem>> -> memref<1x128xi32, #tpu.memory_space<vmem>>
      %dma_wait3A_528 = tpu.memref_squeeze %dma_wait3A_527 : memref<1x128xi32, #tpu.memory_space<vmem>> -> memref<128xi32, #tpu.memory_space<vmem>>
      %dma_wait3A_529 = arith.constant 0 : i32
      %dma_wait3A_530 = tpu.memref_slice %arg11[%dma_wait3A_529] : memref<1280064xi32, #tpu.memory_space<vmem_shared>> -> memref<1280064xi32, #tpu.memory_space<vmem_shared>>
      tpu.wait_indirect_dma semaphore(%arg13 : memref<!tpu.dma_semaphore, #tpu.memory_space<semaphore_mem>>) src(%arg8 : memref<128xi32, #tpu.memory_space<vmem>>) dst(%dma_wait3A_530 : memref<1280064xi32, #tpu.memory_space<vmem_shared>>)
      %dma_wait3A_531 = arith.constant 19 : i32
      %dma_wait3A_532 = arith.constant 0 : i32
      %dma_wait3A_533 = tpu.memref_slice %arg7[%dma_wait3A_531, %dma_wait3A_532] : memref<49x128xi32, #tpu.memory_space<vmem>> -> memref<1x128xi32, #tpu.memory_space<vmem>>
      %dma_wait3A_534 = tpu.memref_squeeze %dma_wait3A_533 : memref<1x128xi32, #tpu.memory_space<vmem>> -> memref<128xi32, #tpu.memory_space<vmem>>
      %dma_wait3A_535 = arith.constant 0 : i32
      %dma_wait3A_536 = tpu.memref_slice %arg11[%dma_wait3A_535] : memref<1280064xi32, #tpu.memory_space<vmem_shared>> -> memref<1280064xi32, #tpu.memory_space<vmem_shared>>
      tpu.wait_indirect_dma semaphore(%arg13 : memref<!tpu.dma_semaphore, #tpu.memory_space<semaphore_mem>>) src(%arg8 : memref<128xi32, #tpu.memory_space<vmem>>) dst(%dma_wait3A_536 : memref<1280064xi32, #tpu.memory_space<vmem_shared>>)
      %dma_wait3A_537 = arith.constant 20 : i32
      %dma_wait3A_538 = arith.constant 0 : i32
      %dma_wait3A_539 = tpu.memref_slice %arg7[%dma_wait3A_537, %dma_wait3A_538] : memref<49x128xi32, #tpu.memory_space<vmem>> -> memref<1x128xi32, #tpu.memory_space<vmem>>
      %dma_wait3A_540 = tpu.memref_squeeze %dma_wait3A_539 : memref<1x128xi32, #tpu.memory_space<vmem>> -> memref<128xi32, #tpu.memory_space<vmem>>
      %dma_wait3A_541 = arith.constant 0 : i32
      %dma_wait3A_542 = tpu.memref_slice %arg11[%dma_wait3A_541] : memref<1280064xi32, #tpu.memory_space<vmem_shared>> -> memref<1280064xi32, #tpu.memory_space<vmem_shared>>
      tpu.wait_indirect_dma semaphore(%arg13 : memref<!tpu.dma_semaphore, #tpu.memory_space<semaphore_mem>>) src(%arg8 : memref<128xi32, #tpu.memory_space<vmem>>) dst(%dma_wait3A_542 : memref<1280064xi32, #tpu.memory_space<vmem_shared>>)
      %dma_wait3A_543 = arith.constant 21 : i32
      %dma_wait3A_544 = arith.constant 0 : i32
      %dma_wait3A_545 = tpu.memref_slice %arg7[%dma_wait3A_543, %dma_wait3A_544] : memref<49x128xi32, #tpu.memory_space<vmem>> -> memref<1x128xi32, #tpu.memory_space<vmem>>
      %dma_wait3A_546 = tpu.memref_squeeze %dma_wait3A_545 : memref<1x128xi32, #tpu.memory_space<vmem>> -> memref<128xi32, #tpu.memory_space<vmem>>
      %dma_wait3A_547 = arith.constant 0 : i32
      %dma_wait3A_548 = tpu.memref_slice %arg11[%dma_wait3A_547] : memref<1280064xi32, #tpu.memory_space<vmem_shared>> -> memref<1280064xi32, #tpu.memory_space<vmem_shared>>
      tpu.wait_indirect_dma semaphore(%arg13 : memref<!tpu.dma_semaphore, #tpu.memory_space<semaphore_mem>>) src(%arg8 : memref<128xi32, #tpu.memory_space<vmem>>) dst(%dma_wait3A_548 : memref<1280064xi32, #tpu.memory_space<vmem_shared>>)
      %dma_wait3A_549 = arith.constant 22 : i32
      %dma_wait3A_550 = arith.constant 0 : i32
      %dma_wait3A_551 = tpu.memref_slice %arg7[%dma_wait3A_549, %dma_wait3A_550] : memref<49x128xi32, #tpu.memory_space<vmem>> -> memref<1x128xi32, #tpu.memory_space<vmem>>
      %dma_wait3A_552 = tpu.memref_squeeze %dma_wait3A_551 : memref<1x128xi32, #tpu.memory_space<vmem>> -> memref<128xi32, #tpu.memory_space<vmem>>
      %dma_wait3A_553 = arith.constant 0 : i32
      %dma_wait3A_554 = tpu.memref_slice %arg11[%dma_wait3A_553] : memref<1280064xi32, #tpu.memory_space<vmem_shared>> -> memref<1280064xi32, #tpu.memory_space<vmem_shared>>
      tpu.wait_indirect_dma semaphore(%arg13 : memref<!tpu.dma_semaphore, #tpu.memory_space<semaphore_mem>>) src(%arg8 : memref<128xi32, #tpu.memory_space<vmem>>) dst(%dma_wait3A_554 : memref<1280064xi32, #tpu.memory_space<vmem_shared>>)
      %dma_wait3A_555 = arith.constant 23 : i32
      %dma_wait3A_556 = arith.constant 0 : i32
      %dma_wait3A_557 = tpu.memref_slice %arg7[%dma_wait3A_555, %dma_wait3A_556] : memref<49x128xi32, #tpu.memory_space<vmem>> -> memref<1x128xi32, #tpu.memory_space<vmem>>
      %dma_wait3A_558 = tpu.memref_squeeze %dma_wait3A_557 : memref<1x128xi32, #tpu.memory_space<vmem>> -> memref<128xi32, #tpu.memory_space<vmem>>
      %dma_wait3A_559 = arith.constant 0 : i32
      %dma_wait3A_560 = tpu.memref_slice %arg11[%dma_wait3A_559] : memref<1280064xi32, #tpu.memory_space<vmem_shared>> -> memref<1280064xi32, #tpu.memory_space<vmem_shared>>
      tpu.wait_indirect_dma semaphore(%arg13 : memref<!tpu.dma_semaphore, #tpu.memory_space<semaphore_mem>>) src(%arg8 : memref<128xi32, #tpu.memory_space<vmem>>) dst(%dma_wait3A_560 : memref<1280064xi32, #tpu.memory_space<vmem_shared>>)
      %dma_wait3A_561 = arith.constant 24 : i32
      %dma_wait3A_562 = arith.constant 0 : i32
      %dma_wait3A_563 = tpu.memref_slice %arg7[%dma_wait3A_561, %dma_wait3A_562] : memref<49x128xi32, #tpu.memory_space<vmem>> -> memref<1x128xi32, #tpu.memory_space<vmem>>
      %dma_wait3A_564 = tpu.memref_squeeze %dma_wait3A_563 : memref<1x128xi32, #tpu.memory_space<vmem>> -> memref<128xi32, #tpu.memory_space<vmem>>
      %dma_wait3A_565 = arith.constant 0 : i32
      %dma_wait3A_566 = tpu.memref_slice %arg11[%dma_wait3A_565] : memref<1280064xi32, #tpu.memory_space<vmem_shared>> -> memref<1280064xi32, #tpu.memory_space<vmem_shared>>
      tpu.wait_indirect_dma semaphore(%arg13 : memref<!tpu.dma_semaphore, #tpu.memory_space<semaphore_mem>>) src(%arg8 : memref<128xi32, #tpu.memory_space<vmem>>) dst(%dma_wait3A_566 : memref<1280064xi32, #tpu.memory_space<vmem_shared>>)
      %dma_wait3A_567 = arith.constant 25 : i32
      %dma_wait3A_568 = arith.constant 0 : i32
      %dma_wait3A_569 = tpu.memref_slice %arg7[%dma_wait3A_567, %dma_wait3A_568] : memref<49x128xi32, #tpu.memory_space<vmem>> -> memref<1x128xi32, #tpu.memory_space<vmem>>
      %dma_wait3A_570 = tpu.memref_squeeze %dma_wait3A_569 : memref<1x128xi32, #tpu.memory_space<vmem>> -> memref<128xi32, #tpu.memory_space<vmem>>
      %dma_wait3A_571 = arith.constant 0 : i32
      %dma_wait3A_572 = tpu.memref_slice %arg11[%dma_wait3A_571] : memref<1280064xi32, #tpu.memory_space<vmem_shared>> -> memref<1280064xi32, #tpu.memory_space<vmem_shared>>
      tpu.wait_indirect_dma semaphore(%arg13 : memref<!tpu.dma_semaphore, #tpu.memory_space<semaphore_mem>>) src(%arg8 : memref<128xi32, #tpu.memory_space<vmem>>) dst(%dma_wait3A_572 : memref<1280064xi32, #tpu.memory_space<vmem_shared>>)
      %dma_wait3A_573 = arith.constant 26 : i32
      %dma_wait3A_574 = arith.constant 0 : i32
      %dma_wait3A_575 = tpu.memref_slice %arg7[%dma_wait3A_573, %dma_wait3A_574] : memref<49x128xi32, #tpu.memory_space<vmem>> -> memref<1x128xi32, #tpu.memory_space<vmem>>
      %dma_wait3A_576 = tpu.memref_squeeze %dma_wait3A_575 : memref<1x128xi32, #tpu.memory_space<vmem>> -> memref<128xi32, #tpu.memory_space<vmem>>
      %dma_wait3A_577 = arith.constant 0 : i32
      %dma_wait3A_578 = tpu.memref_slice %arg11[%dma_wait3A_577] : memref<1280064xi32, #tpu.memory_space<vmem_shared>> -> memref<1280064xi32, #tpu.memory_space<vmem_shared>>
      tpu.wait_indirect_dma semaphore(%arg13 : memref<!tpu.dma_semaphore, #tpu.memory_space<semaphore_mem>>) src(%arg8 : memref<128xi32, #tpu.memory_space<vmem>>) dst(%dma_wait3A_578 : memref<1280064xi32, #tpu.memory_space<vmem_shared>>)
      %dma_wait3A_579 = arith.constant 27 : i32
      %dma_wait3A_580 = arith.constant 0 : i32
      %dma_wait3A_581 = tpu.memref_slice %arg7[%dma_wait3A_579, %dma_wait3A_580] : memref<49x128xi32, #tpu.memory_space<vmem>> -> memref<1x128xi32, #tpu.memory_space<vmem>>
      %dma_wait3A_582 = tpu.memref_squeeze %dma_wait3A_581 : memref<1x128xi32, #tpu.memory_space<vmem>> -> memref<128xi32, #tpu.memory_space<vmem>>
      %dma_wait3A_583 = arith.constant 0 : i32
      %dma_wait3A_584 = tpu.memref_slice %arg11[%dma_wait3A_583] : memref<1280064xi32, #tpu.memory_space<vmem_shared>> -> memref<1280064xi32, #tpu.memory_space<vmem_shared>>
      tpu.wait_indirect_dma semaphore(%arg13 : memref<!tpu.dma_semaphore, #tpu.memory_space<semaphore_mem>>) src(%arg8 : memref<128xi32, #tpu.memory_space<vmem>>) dst(%dma_wait3A_584 : memref<1280064xi32, #tpu.memory_space<vmem_shared>>)
      %dma_wait3A_585 = arith.constant 28 : i32
      %dma_wait3A_586 = arith.constant 0 : i32
      %dma_wait3A_587 = tpu.memref_slice %arg7[%dma_wait3A_585, %dma_wait3A_586] : memref<49x128xi32, #tpu.memory_space<vmem>> -> memref<1x128xi32, #tpu.memory_space<vmem>>
      %dma_wait3A_588 = tpu.memref_squeeze %dma_wait3A_587 : memref<1x128xi32, #tpu.memory_space<vmem>> -> memref<128xi32, #tpu.memory_space<vmem>>
      %dma_wait3A_589 = arith.constant 0 : i32
      %dma_wait3A_590 = tpu.memref_slice %arg11[%dma_wait3A_589] : memref<1280064xi32, #tpu.memory_space<vmem_shared>> -> memref<1280064xi32, #tpu.memory_space<vmem_shared>>
      tpu.wait_indirect_dma semaphore(%arg13 : memref<!tpu.dma_semaphore, #tpu.memory_space<semaphore_mem>>) src(%arg8 : memref<128xi32, #tpu.memory_space<vmem>>) dst(%dma_wait3A_590 : memref<1280064xi32, #tpu.memory_space<vmem_shared>>)
      %dma_wait3A_591 = arith.constant 29 : i32
      %dma_wait3A_592 = arith.constant 0 : i32
      %dma_wait3A_593 = tpu.memref_slice %arg7[%dma_wait3A_591, %dma_wait3A_592] : memref<49x128xi32, #tpu.memory_space<vmem>> -> memref<1x128xi32, #tpu.memory_space<vmem>>
      %dma_wait3A_594 = tpu.memref_squeeze %dma_wait3A_593 : memref<1x128xi32, #tpu.memory_space<vmem>> -> memref<128xi32, #tpu.memory_space<vmem>>
      %dma_wait3A_595 = arith.constant 0 : i32
      %dma_wait3A_596 = tpu.memref_slice %arg11[%dma_wait3A_595] : memref<1280064xi32, #tpu.memory_space<vmem_shared>> -> memref<1280064xi32, #tpu.memory_space<vmem_shared>>
      tpu.wait_indirect_dma semaphore(%arg13 : memref<!tpu.dma_semaphore, #tpu.memory_space<semaphore_mem>>) src(%arg8 : memref<128xi32, #tpu.memory_space<vmem>>) dst(%dma_wait3A_596 : memref<1280064xi32, #tpu.memory_space<vmem_shared>>)
      %dma_wait3A_597 = arith.constant 30 : i32
      %dma_wait3A_598 = arith.constant 0 : i32
      %dma_wait3A_599 = tpu.memref_slice %arg7[%dma_wait3A_597, %dma_wait3A_598] : memref<49x128xi32, #tpu.memory_space<vmem>> -> memref<1x128xi32, #tpu.memory_space<vmem>>
      %dma_wait3A_600 = tpu.memref_squeeze %dma_wait3A_599 : memref<1x128xi32, #tpu.memory_space<vmem>> -> memref<128xi32, #tpu.memory_space<vmem>>
      %dma_wait3A_601 = arith.constant 0 : i32
      %dma_wait3A_602 = tpu.memref_slice %arg11[%dma_wait3A_601] : memref<1280064xi32, #tpu.memory_space<vmem_shared>> -> memref<1280064xi32, #tpu.memory_space<vmem_shared>>
      tpu.wait_indirect_dma semaphore(%arg13 : memref<!tpu.dma_semaphore, #tpu.memory_space<semaphore_mem>>) src(%arg8 : memref<128xi32, #tpu.memory_space<vmem>>) dst(%dma_wait3A_602 : memref<1280064xi32, #tpu.memory_space<vmem_shared>>)
      %dma_wait3A_603 = arith.constant 31 : i32
      %dma_wait3A_604 = arith.constant 0 : i32
      %dma_wait3A_605 = tpu.memref_slice %arg7[%dma_wait3A_603, %dma_wait3A_604] : memref<49x128xi32, #tpu.memory_space<vmem>> -> memref<1x128xi32, #tpu.memory_space<vmem>>
      %dma_wait3A_606 = tpu.memref_squeeze %dma_wait3A_605 : memref<1x128xi32, #tpu.memory_space<vmem>> -> memref<128xi32, #tpu.memory_space<vmem>>
      %dma_wait3A_607 = arith.constant 0 : i32
      %dma_wait3A_608 = tpu.memref_slice %arg11[%dma_wait3A_607] : memref<1280064xi32, #tpu.memory_space<vmem_shared>> -> memref<1280064xi32, #tpu.memory_space<vmem_shared>>
      tpu.wait_indirect_dma semaphore(%arg13 : memref<!tpu.dma_semaphore, #tpu.memory_space<semaphore_mem>>) src(%arg8 : memref<128xi32, #tpu.memory_space<vmem>>) dst(%dma_wait3A_608 : memref<1280064xi32, #tpu.memory_space<vmem_shared>>)
      %dma_wait3A_609 = arith.constant 32 : i32
      %dma_wait3A_610 = arith.constant 0 : i32
      %dma_wait3A_611 = tpu.memref_slice %arg7[%dma_wait3A_609, %dma_wait3A_610] : memref<49x128xi32, #tpu.memory_space<vmem>> -> memref<1x128xi32, #tpu.memory_space<vmem>>
      %dma_wait3A_612 = tpu.memref_squeeze %dma_wait3A_611 : memref<1x128xi32, #tpu.memory_space<vmem>> -> memref<128xi32, #tpu.memory_space<vmem>>
      %dma_wait3A_613 = arith.constant 0 : i32
      %dma_wait3A_614 = tpu.memref_slice %arg11[%dma_wait3A_613] : memref<1280064xi32, #tpu.memory_space<vmem_shared>> -> memref<1280064xi32, #tpu.memory_space<vmem_shared>>
      tpu.wait_indirect_dma semaphore(%arg13 : memref<!tpu.dma_semaphore, #tpu.memory_space<semaphore_mem>>) src(%arg8 : memref<128xi32, #tpu.memory_space<vmem>>) dst(%dma_wait3A_614 : memref<1280064xi32, #tpu.memory_space<vmem_shared>>)
      %dma_wait3A_615 = arith.constant 33 : i32
      %dma_wait3A_616 = arith.constant 0 : i32
      %dma_wait3A_617 = tpu.memref_slice %arg7[%dma_wait3A_615, %dma_wait3A_616] : memref<49x128xi32, #tpu.memory_space<vmem>> -> memref<1x128xi32, #tpu.memory_space<vmem>>
      %dma_wait3A_618 = tpu.memref_squeeze %dma_wait3A_617 : memref<1x128xi32, #tpu.memory_space<vmem>> -> memref<128xi32, #tpu.memory_space<vmem>>
      %dma_wait3A_619 = arith.constant 0 : i32
      %dma_wait3A_620 = tpu.memref_slice %arg11[%dma_wait3A_619] : memref<1280064xi32, #tpu.memory_space<vmem_shared>> -> memref<1280064xi32, #tpu.memory_space<vmem_shared>>
      tpu.wait_indirect_dma semaphore(%arg13 : memref<!tpu.dma_semaphore, #tpu.memory_space<semaphore_mem>>) src(%arg8 : memref<128xi32, #tpu.memory_space<vmem>>) dst(%dma_wait3A_620 : memref<1280064xi32, #tpu.memory_space<vmem_shared>>)
      %dma_wait3A_621 = arith.constant 34 : i32
      %dma_wait3A_622 = arith.constant 0 : i32
      %dma_wait3A_623 = tpu.memref_slice %arg7[%dma_wait3A_621, %dma_wait3A_622] : memref<49x128xi32, #tpu.memory_space<vmem>> -> memref<1x128xi32, #tpu.memory_space<vmem>>
      %dma_wait3A_624 = tpu.memref_squeeze %dma_wait3A_623 : memref<1x128xi32, #tpu.memory_space<vmem>> -> memref<128xi32, #tpu.memory_space<vmem>>
      %dma_wait3A_625 = arith.constant 0 : i32
      %dma_wait3A_626 = tpu.memref_slice %arg11[%dma_wait3A_625] : memref<1280064xi32, #tpu.memory_space<vmem_shared>> -> memref<1280064xi32, #tpu.memory_space<vmem_shared>>
      tpu.wait_indirect_dma semaphore(%arg13 : memref<!tpu.dma_semaphore, #tpu.memory_space<semaphore_mem>>) src(%arg8 : memref<128xi32, #tpu.memory_space<vmem>>) dst(%dma_wait3A_626 : memref<1280064xi32, #tpu.memory_space<vmem_shared>>)
      %dma_wait3A_627 = arith.constant 35 : i32
      %dma_wait3A_628 = arith.constant 0 : i32
      %dma_wait3A_629 = tpu.memref_slice %arg7[%dma_wait3A_627, %dma_wait3A_628] : memref<49x128xi32, #tpu.memory_space<vmem>> -> memref<1x128xi32, #tpu.memory_space<vmem>>
      %dma_wait3A_630 = tpu.memref_squeeze %dma_wait3A_629 : memref<1x128xi32, #tpu.memory_space<vmem>> -> memref<128xi32, #tpu.memory_space<vmem>>
      %dma_wait3A_631 = arith.constant 0 : i32
      %dma_wait3A_632 = tpu.memref_slice %arg11[%dma_wait3A_631] : memref<1280064xi32, #tpu.memory_space<vmem_shared>> -> memref<1280064xi32, #tpu.memory_space<vmem_shared>>
      tpu.wait_indirect_dma semaphore(%arg13 : memref<!tpu.dma_semaphore, #tpu.memory_space<semaphore_mem>>) src(%arg8 : memref<128xi32, #tpu.memory_space<vmem>>) dst(%dma_wait3A_632 : memref<1280064xi32, #tpu.memory_space<vmem_shared>>)
      %dma_wait3A_633 = arith.constant 36 : i32
      %dma_wait3A_634 = arith.constant 0 : i32
      %dma_wait3A_635 = tpu.memref_slice %arg7[%dma_wait3A_633, %dma_wait3A_634] : memref<49x128xi32, #tpu.memory_space<vmem>> -> memref<1x128xi32, #tpu.memory_space<vmem>>
      %dma_wait3A_636 = tpu.memref_squeeze %dma_wait3A_635 : memref<1x128xi32, #tpu.memory_space<vmem>> -> memref<128xi32, #tpu.memory_space<vmem>>
      %dma_wait3A_637 = arith.constant 0 : i32
      %dma_wait3A_638 = tpu.memref_slice %arg11[%dma_wait3A_637] : memref<1280064xi32, #tpu.memory_space<vmem_shared>> -> memref<1280064xi32, #tpu.memory_space<vmem_shared>>
      tpu.wait_indirect_dma semaphore(%arg13 : memref<!tpu.dma_semaphore, #tpu.memory_space<semaphore_mem>>) src(%arg8 : memref<128xi32, #tpu.memory_space<vmem>>) dst(%dma_wait3A_638 : memref<1280064xi32, #tpu.memory_space<vmem_shared>>)
      %dma_wait3A_639 = arith.constant 37 : i32
      %dma_wait3A_640 = arith.constant 0 : i32
      %dma_wait3A_641 = tpu.memref_slice %arg7[%dma_wait3A_639, %dma_wait3A_640] : memref<49x128xi32, #tpu.memory_space<vmem>> -> memref<1x128xi32, #tpu.memory_space<vmem>>
      %dma_wait3A_642 = tpu.memref_squeeze %dma_wait3A_641 : memref<1x128xi32, #tpu.memory_space<vmem>> -> memref<128xi32, #tpu.memory_space<vmem>>
      %dma_wait3A_643 = arith.constant 0 : i32
      %dma_wait3A_644 = tpu.memref_slice %arg11[%dma_wait3A_643] : memref<1280064xi32, #tpu.memory_space<vmem_shared>> -> memref<1280064xi32, #tpu.memory_space<vmem_shared>>
      tpu.wait_indirect_dma semaphore(%arg13 : memref<!tpu.dma_semaphore, #tpu.memory_space<semaphore_mem>>) src(%arg8 : memref<128xi32, #tpu.memory_space<vmem>>) dst(%dma_wait3A_644 : memref<1280064xi32, #tpu.memory_space<vmem_shared>>)
      %dma_wait3A_645 = arith.constant 38 : i32
      %dma_wait3A_646 = arith.constant 0 : i32
      %dma_wait3A_647 = tpu.memref_slice %arg7[%dma_wait3A_645, %dma_wait3A_646] : memref<49x128xi32, #tpu.memory_space<vmem>> -> memref<1x128xi32, #tpu.memory_space<vmem>>
      %dma_wait3A_648 = tpu.memref_squeeze %dma_wait3A_647 : memref<1x128xi32, #tpu.memory_space<vmem>> -> memref<128xi32, #tpu.memory_space<vmem>>
      %dma_wait3A_649 = arith.constant 0 : i32
      %dma_wait3A_650 = tpu.memref_slice %arg11[%dma_wait3A_649] : memref<1280064xi32, #tpu.memory_space<vmem_shared>> -> memref<1280064xi32, #tpu.memory_space<vmem_shared>>
      tpu.wait_indirect_dma semaphore(%arg13 : memref<!tpu.dma_semaphore, #tpu.memory_space<semaphore_mem>>) src(%arg8 : memref<128xi32, #tpu.memory_space<vmem>>) dst(%dma_wait3A_650 : memref<1280064xi32, #tpu.memory_space<vmem_shared>>)
      %dma_wait3A_651 = arith.constant 39 : i32
      %dma_wait3A_652 = arith.constant 0 : i32
      %dma_wait3A_653 = tpu.memref_slice %arg7[%dma_wait3A_651, %dma_wait3A_652] : memref<49x128xi32, #tpu.memory_space<vmem>> -> memref<1x128xi32, #tpu.memory_space<vmem>>
      %dma_wait3A_654 = tpu.memref_squeeze %dma_wait3A_653 : memref<1x128xi32, #tpu.memory_space<vmem>> -> memref<128xi32, #tpu.memory_space<vmem>>
      %dma_wait3A_655 = arith.constant 0 : i32
      %dma_wait3A_656 = tpu.memref_slice %arg11[%dma_wait3A_655] : memref<1280064xi32, #tpu.memory_space<vmem_shared>> -> memref<1280064xi32, #tpu.memory_space<vmem_shared>>
      tpu.wait_indirect_dma semaphore(%arg13 : memref<!tpu.dma_semaphore, #tpu.memory_space<semaphore_mem>>) src(%arg8 : memref<128xi32, #tpu.memory_space<vmem>>) dst(%dma_wait3A_656 : memref<1280064xi32, #tpu.memory_space<vmem_shared>>)
      %dma_wait3A_657 = arith.constant 40 : i32
      %dma_wait3A_658 = arith.constant 0 : i32
      %dma_wait3A_659 = tpu.memref_slice %arg7[%dma_wait3A_657, %dma_wait3A_658] : memref<49x128xi32, #tpu.memory_space<vmem>> -> memref<1x128xi32, #tpu.memory_space<vmem>>
      %dma_wait3A_660 = tpu.memref_squeeze %dma_wait3A_659 : memref<1x128xi32, #tpu.memory_space<vmem>> -> memref<128xi32, #tpu.memory_space<vmem>>
      %dma_wait3A_661 = arith.constant 0 : i32
      %dma_wait3A_662 = tpu.memref_slice %arg11[%dma_wait3A_661] : memref<1280064xi32, #tpu.memory_space<vmem_shared>> -> memref<1280064xi32, #tpu.memory_space<vmem_shared>>
      tpu.wait_indirect_dma semaphore(%arg13 : memref<!tpu.dma_semaphore, #tpu.memory_space<semaphore_mem>>) src(%arg8 : memref<128xi32, #tpu.memory_space<vmem>>) dst(%dma_wait3A_662 : memref<1280064xi32, #tpu.memory_space<vmem_shared>>)
      %dma_wait3A_663 = arith.constant 41 : i32
      %dma_wait3A_664 = arith.constant 0 : i32
      %dma_wait3A_665 = tpu.memref_slice %arg7[%dma_wait3A_663, %dma_wait3A_664] : memref<49x128xi32, #tpu.memory_space<vmem>> -> memref<1x128xi32, #tpu.memory_space<vmem>>
      %dma_wait3A_666 = tpu.memref_squeeze %dma_wait3A_665 : memref<1x128xi32, #tpu.memory_space<vmem>> -> memref<128xi32, #tpu.memory_space<vmem>>
      %dma_wait3A_667 = arith.constant 0 : i32
      %dma_wait3A_668 = tpu.memref_slice %arg11[%dma_wait3A_667] : memref<1280064xi32, #tpu.memory_space<vmem_shared>> -> memref<1280064xi32, #tpu.memory_space<vmem_shared>>
      tpu.wait_indirect_dma semaphore(%arg13 : memref<!tpu.dma_semaphore, #tpu.memory_space<semaphore_mem>>) src(%arg8 : memref<128xi32, #tpu.memory_space<vmem>>) dst(%dma_wait3A_668 : memref<1280064xi32, #tpu.memory_space<vmem_shared>>)
      %dma_wait3A_669 = arith.constant 42 : i32
      %dma_wait3A_670 = arith.constant 0 : i32
      %dma_wait3A_671 = tpu.memref_slice %arg7[%dma_wait3A_669, %dma_wait3A_670] : memref<49x128xi32, #tpu.memory_space<vmem>> -> memref<1x128xi32, #tpu.memory_space<vmem>>
      %dma_wait3A_672 = tpu.memref_squeeze %dma_wait3A_671 : memref<1x128xi32, #tpu.memory_space<vmem>> -> memref<128xi32, #tpu.memory_space<vmem>>
      %dma_wait3A_673 = arith.constant 0 : i32
      %dma_wait3A_674 = tpu.memref_slice %arg11[%dma_wait3A_673] : memref<1280064xi32, #tpu.memory_space<vmem_shared>> -> memref<1280064xi32, #tpu.memory_space<vmem_shared>>
      tpu.wait_indirect_dma semaphore(%arg13 : memref<!tpu.dma_semaphore, #tpu.memory_space<semaphore_mem>>) src(%arg8 : memref<128xi32, #tpu.memory_space<vmem>>) dst(%dma_wait3A_674 : memref<1280064xi32, #tpu.memory_space<vmem_shared>>)
      %dma_wait3A_675 = arith.constant 43 : i32
      %dma_wait3A_676 = arith.constant 0 : i32
      %dma_wait3A_677 = tpu.memref_slice %arg7[%dma_wait3A_675, %dma_wait3A_676] : memref<49x128xi32, #tpu.memory_space<vmem>> -> memref<1x128xi32, #tpu.memory_space<vmem>>
      %dma_wait3A_678 = tpu.memref_squeeze %dma_wait3A_677 : memref<1x128xi32, #tpu.memory_space<vmem>> -> memref<128xi32, #tpu.memory_space<vmem>>
      %dma_wait3A_679 = arith.constant 0 : i32
      %dma_wait3A_680 = tpu.memref_slice %arg11[%dma_wait3A_679] : memref<1280064xi32, #tpu.memory_space<vmem_shared>> -> memref<1280064xi32, #tpu.memory_space<vmem_shared>>
      tpu.wait_indirect_dma semaphore(%arg13 : memref<!tpu.dma_semaphore, #tpu.memory_space<semaphore_mem>>) src(%arg8 : memref<128xi32, #tpu.memory_space<vmem>>) dst(%dma_wait3A_680 : memref<1280064xi32, #tpu.memory_space<vmem_shared>>)
      %dma_wait3A_681 = arith.constant 44 : i32
      %dma_wait3A_682 = arith.constant 0 : i32
      %dma_wait3A_683 = tpu.memref_slice %arg7[%dma_wait3A_681, %dma_wait3A_682] : memref<49x128xi32, #tpu.memory_space<vmem>> -> memref<1x128xi32, #tpu.memory_space<vmem>>
      %dma_wait3A_684 = tpu.memref_squeeze %dma_wait3A_683 : memref<1x128xi32, #tpu.memory_space<vmem>> -> memref<128xi32, #tpu.memory_space<vmem>>
      %dma_wait3A_685 = arith.constant 0 : i32
      %dma_wait3A_686 = tpu.memref_slice %arg11[%dma_wait3A_685] : memref<1280064xi32, #tpu.memory_space<vmem_shared>> -> memref<1280064xi32, #tpu.memory_space<vmem_shared>>
      tpu.wait_indirect_dma semaphore(%arg13 : memref<!tpu.dma_semaphore, #tpu.memory_space<semaphore_mem>>) src(%arg8 : memref<128xi32, #tpu.memory_space<vmem>>) dst(%dma_wait3A_686 : memref<1280064xi32, #tpu.memory_space<vmem_shared>>)
      %dma_wait3A_687 = arith.constant 45 : i32
      %dma_wait3A_688 = arith.constant 0 : i32
      %dma_wait3A_689 = tpu.memref_slice %arg7[%dma_wait3A_687, %dma_wait3A_688] : memref<49x128xi32, #tpu.memory_space<vmem>> -> memref<1x128xi32, #tpu.memory_space<vmem>>
      %dma_wait3A_690 = tpu.memref_squeeze %dma_wait3A_689 : memref<1x128xi32, #tpu.memory_space<vmem>> -> memref<128xi32, #tpu.memory_space<vmem>>
      %dma_wait3A_691 = arith.constant 0 : i32
      %dma_wait3A_692 = tpu.memref_slice %arg11[%dma_wait3A_691] : memref<1280064xi32, #tpu.memory_space<vmem_shared>> -> memref<1280064xi32, #tpu.memory_space<vmem_shared>>
      tpu.wait_indirect_dma semaphore(%arg13 : memref<!tpu.dma_semaphore, #tpu.memory_space<semaphore_mem>>) src(%arg8 : memref<128xi32, #tpu.memory_space<vmem>>) dst(%dma_wait3A_692 : memref<1280064xi32, #tpu.memory_space<vmem_shared>>)
      %dma_wait3A_693 = arith.constant 46 : i32
      %dma_wait3A_694 = arith.constant 0 : i32
      %dma_wait3A_695 = tpu.memref_slice %arg7[%dma_wait3A_693, %dma_wait3A_694] : memref<49x128xi32, #tpu.memory_space<vmem>> -> memref<1x128xi32, #tpu.memory_space<vmem>>
      %dma_wait3A_696 = tpu.memref_squeeze %dma_wait3A_695 : memref<1x128xi32, #tpu.memory_space<vmem>> -> memref<128xi32, #tpu.memory_space<vmem>>
      %dma_wait3A_697 = arith.constant 0 : i32
      %dma_wait3A_698 = tpu.memref_slice %arg11[%dma_wait3A_697] : memref<1280064xi32, #tpu.memory_space<vmem_shared>> -> memref<1280064xi32, #tpu.memory_space<vmem_shared>>
      tpu.wait_indirect_dma semaphore(%arg13 : memref<!tpu.dma_semaphore, #tpu.memory_space<semaphore_mem>>) src(%arg8 : memref<128xi32, #tpu.memory_space<vmem>>) dst(%dma_wait3A_698 : memref<1280064xi32, #tpu.memory_space<vmem_shared>>)
      %dma_wait3A_699 = arith.constant 47 : i32
      %dma_wait3A_700 = arith.constant 0 : i32
      %dma_wait3A_701 = tpu.memref_slice %arg7[%dma_wait3A_699, %dma_wait3A_700] : memref<49x128xi32, #tpu.memory_space<vmem>> -> memref<1x128xi32, #tpu.memory_space<vmem>>
      %dma_wait3A_702 = tpu.memref_squeeze %dma_wait3A_701 : memref<1x128xi32, #tpu.memory_space<vmem>> -> memref<128xi32, #tpu.memory_space<vmem>>
      %dma_wait3A_703 = arith.constant 0 : i32
      %dma_wait3A_704 = tpu.memref_slice %arg11[%dma_wait3A_703] : memref<1280064xi32, #tpu.memory_space<vmem_shared>> -> memref<1280064xi32, #tpu.memory_space<vmem_shared>>
      tpu.wait_indirect_dma semaphore(%arg13 : memref<!tpu.dma_semaphore, #tpu.memory_space<semaphore_mem>>) src(%arg8 : memref<128xi32, #tpu.memory_space<vmem>>) dst(%dma_wait3A_704 : memref<1280064xi32, #tpu.memory_space<vmem_shared>>)
      %dma_wait3A_705 = arith.constant 48 : i32
      %dma_wait3A_706 = arith.constant 0 : i32
      %dma_wait3A_707 = tpu.memref_slice %arg7[%dma_wait3A_705, %dma_wait3A_706] : memref<49x128xi32, #tpu.memory_space<vmem>> -> memref<1x128xi32, #tpu.memory_space<vmem>>
      %dma_wait3A_708 = tpu.memref_squeeze %dma_wait3A_707 : memref<1x128xi32, #tpu.memory_space<vmem>> -> memref<128xi32, #tpu.memory_space<vmem>>
      %dma_wait3A_709 = arith.constant 0 : i32
      %dma_wait3A_710 = tpu.memref_slice %arg11[%dma_wait3A_709] : memref<1280064xi32, #tpu.memory_space<vmem_shared>> -> memref<1280064xi32, #tpu.memory_space<vmem_shared>>
      tpu.wait_indirect_dma semaphore(%arg13 : memref<!tpu.dma_semaphore, #tpu.memory_space<semaphore_mem>>) src(%arg8 : memref<128xi32, #tpu.memory_space<vmem>>) dst(%dma_wait3A_710 : memref<1280064xi32, #tpu.memory_space<vmem_shared>>)
      %barrier3A_711 = arith.constant 0 : index
      tpu.barrier barrier_id(%barrier3A_711)
      "tpu.region"() ({
        %run_scoped3A = tpu.sem_alloc : memref<!tpu.dma_semaphore, #tpu.memory_space<semaphore_mem>>
        %dma_start3A_763 = arith.constant 0 : i32
        %dma_start3A_764 = tpu.memref_slice %arg10[%dma_start3A_763] : memref<20000xi32, #tpu.memory_space<vmem>> -> memref<16xi32, #tpu.memory_space<vmem>>
        %dma_start3A_765 = arith.constant 0 : i32
        %dma_start3A_766 = tpu.memref_slice %arg11[%dma_start3A_765] : memref<1280064xi32, #tpu.memory_space<vmem_shared>> -> memref<16xi32, #tpu.memory_space<vmem_shared>>
        %dma_start3A_767 = arith.constant 0 : i32
        %dma_start3A_768 = tpu.memref_slice %arg10[%dma_start3A_767] : memref<20000xi32, #tpu.memory_space<vmem>> -> memref<16xi32, #tpu.memory_space<vmem>>
        %dma_start3A_769 = arith.constant 0 : i32
        %dma_start3A_770 = tpu.memref_slice %arg11[%dma_start3A_769] : memref<1280064xi32, #tpu.memory_space<vmem_shared>> -> memref<16xi32, #tpu.memory_space<vmem_shared>>
        tpu.enqueue_dma source(%dma_start3A_770 : memref<16xi32, #tpu.memory_space<vmem_shared>>) target(%dma_start3A_768 : memref<16xi32, #tpu.memory_space<vmem>>) target_semaphore(%run_scoped3A : memref<!tpu.dma_semaphore, #tpu.memory_space<semaphore_mem>>)
        %dma_wait3A_771 = arith.constant 0 : i32
        %dma_wait3A_772 = tpu.memref_slice %arg10[%dma_wait3A_771] : memref<20000xi32, #tpu.memory_space<vmem>> -> memref<16xi32, #tpu.memory_space<vmem>>
        %dma_wait3A_773 = arith.constant 0 : i32
        %dma_wait3A_774 = tpu.memref_slice %arg11[%dma_wait3A_773] : memref<1280064xi32, #tpu.memory_space<vmem_shared>> -> memref<16xi32, #tpu.memory_space<vmem_shared>>
        %dma_wait3A_775 = arith.constant 0 : i32
        %dma_wait3A_776 = tpu.memref_slice %arg10[%dma_wait3A_775] : memref<20000xi32, #tpu.memory_space<vmem>> -> memref<16xi32, #tpu.memory_space<vmem>>
        %dma_wait3A_777 = arith.constant 0 : i32
        %dma_wait3A_778 = tpu.memref_slice %arg11[%dma_wait3A_777] : memref<1280064xi32, #tpu.memory_space<vmem_shared>> -> memref<16xi32, #tpu.memory_space<vmem_shared>>
        tpu.wait_dma2 semaphore(%run_scoped3A : memref<!tpu.dma_semaphore, #tpu.memory_space<semaphore_mem>>) src(%dma_wait3A_778 : memref<16xi32, #tpu.memory_space<vmem_shared>>) dst(%dma_wait3A_776 : memref<16xi32, #tpu.memory_space<vmem>>)
        tpu.yield
      }) : () -> ()
      %barrier3A_712 = arith.constant 0 : index
      tpu.barrier barrier_id(%barrier3A_712)
      %gt3A = arith.constant 0 : i32
      %gt3A_713 = arith.cmpi sgt, %scan3A_49, %gt3A : i32
      %convert_element_type3A = arith.extui %gt3A_713 : i1 to i32
      %cond3A = arith.constant 0 : i32
      %cond3A_714 = arith.cmpi ne, %convert_element_type3A, %cond3A : i32
      scf.if %cond3A_714 {
        %dma_wait3A_763 = arith.constant 0 : i32
        %dma_wait3A_764 = tpu.memref_slice %arg4[%dma_wait3A_763] : memref<20480000xi32, #tpu.memory_space<hbm>> -> memref<20000xi32, #tpu.memory_space<hbm>>
        %dma_wait3A_765 = arith.constant 0 : i32
        %dma_wait3A_766 = tpu.memref_slice %arg4[%dma_wait3A_765] : memref<20480000xi32, #tpu.memory_space<hbm>> -> memref<20000xi32, #tpu.memory_space<hbm>>
        tpu.wait_dma2 semaphore(%arg14 : memref<!tpu.dma_semaphore, #tpu.memory_space<semaphore_mem>>) src(%arg10 : memref<20000xi32, #tpu.memory_space<vmem>>) dst(%dma_wait3A_766 : memref<20000xi32, #tpu.memory_space<hbm>>)
      } else {
      }
      %mul3A_715 = arith.constant 80000 : i32
      %mul3A_716 = arith.muli %arg1, %mul3A_715 : i32
      %add3A_717 = arith.constant 0 : i32
      %add3A_718 = arith.addi %mul3A_716, %add3A_717 : i32
      "tpu.region"() ({
        %run_scoped3A = tpu.sem_alloc : memref<!tpu.dma_semaphore, #tpu.memory_space<semaphore_mem>>
        %dma_start3A_763 = tpu.memref_slice %arg11[%add3A_718] : memref<1280064xi32, #tpu.memory_space<vmem_shared>> -> memref<20000xi32, #tpu.memory_space<vmem_shared>>
        %dma_start3A_764 = tpu.memref_slice %arg11[%add3A_718] : memref<1280064xi32, #tpu.memory_space<vmem_shared>> -> memref<20000xi32, #tpu.memory_space<vmem_shared>>
        tpu.enqueue_dma source(%dma_start3A_764 : memref<20000xi32, #tpu.memory_space<vmem_shared>>) target(%arg10 : memref<20000xi32, #tpu.memory_space<vmem>>) target_semaphore(%run_scoped3A : memref<!tpu.dma_semaphore, #tpu.memory_space<semaphore_mem>>)
        %dma_wait3A_765 = tpu.memref_slice %arg11[%add3A_718] : memref<1280064xi32, #tpu.memory_space<vmem_shared>> -> memref<20000xi32, #tpu.memory_space<vmem_shared>>
        %dma_wait3A_766 = tpu.memref_slice %arg11[%add3A_718] : memref<1280064xi32, #tpu.memory_space<vmem_shared>> -> memref<20000xi32, #tpu.memory_space<vmem_shared>>
        tpu.wait_dma2 semaphore(%run_scoped3A : memref<!tpu.dma_semaphore, #tpu.memory_space<semaphore_mem>>) src(%dma_wait3A_766 : memref<20000xi32, #tpu.memory_space<vmem_shared>>) dst(%arg10 : memref<20000xi32, #tpu.memory_space<vmem>>)
        tpu.yield
      }) : () -> ()
      %mul3A_719 = arith.constant 1280000 : i32
      %mul3A_720 = arith.muli %add3A, %mul3A_719 : i32
      %add3A_721 = arith.addi %mul3A_720, %add3A_718 : i32
      %dma_start3A_722 = tpu.memref_slice %arg4[%add3A_721] : memref<20480000xi32, #tpu.memory_space<hbm>> -> memref<20000xi32, #tpu.memory_space<hbm>>
      %dma_start3A_723 = tpu.memref_slice %arg4[%add3A_721] : memref<20480000xi32, #tpu.memory_space<hbm>> -> memref<20000xi32, #tpu.memory_space<hbm>>
      tpu.enqueue_dma source(%arg10 : memref<20000xi32, #tpu.memory_space<vmem>>) target(%dma_start3A_723 : memref<20000xi32, #tpu.memory_space<hbm>>) target_semaphore(%arg14 : memref<!tpu.dma_semaphore, #tpu.memory_space<semaphore_mem>>)
      %dma_wait3A_724 = arith.constant 0 : i32
      %dma_wait3A_725 = tpu.memref_slice %arg4[%dma_wait3A_724] : memref<20480000xi32, #tpu.memory_space<hbm>> -> memref<20000xi32, #tpu.memory_space<hbm>>
      %dma_wait3A_726 = arith.constant 0 : i32
      %dma_wait3A_727 = tpu.memref_slice %arg4[%dma_wait3A_726] : memref<20480000xi32, #tpu.memory_space<hbm>> -> memref<20000xi32, #tpu.memory_space<hbm>>
      tpu.wait_dma2 semaphore(%arg14 : memref<!tpu.dma_semaphore, #tpu.memory_space<semaphore_mem>>) src(%arg10 : memref<20000xi32, #tpu.memory_space<vmem>>) dst(%dma_wait3A_727 : memref<20000xi32, #tpu.memory_space<hbm>>)
      %mul3A_728 = arith.constant 80000 : i32
      %mul3A_729 = arith.muli %arg1, %mul3A_728 : i32
      %add3A_730 = arith.constant 20000 : i32
      %add3A_731 = arith.addi %mul3A_729, %add3A_730 : i32
      "tpu.region"() ({
        %run_scoped3A = tpu.sem_alloc : memref<!tpu.dma_semaphore, #tpu.memory_space<semaphore_mem>>
        %dma_start3A_763 = tpu.memref_slice %arg11[%add3A_731] : memref<1280064xi32, #tpu.memory_space<vmem_shared>> -> memref<20000xi32, #tpu.memory_space<vmem_shared>>
        %dma_start3A_764 = tpu.memref_slice %arg11[%add3A_731] : memref<1280064xi32, #tpu.memory_space<vmem_shared>> -> memref<20000xi32, #tpu.memory_space<vmem_shared>>
        tpu.enqueue_dma source(%dma_start3A_764 : memref<20000xi32, #tpu.memory_space<vmem_shared>>) target(%arg10 : memref<20000xi32, #tpu.memory_space<vmem>>) target_semaphore(%run_scoped3A : memref<!tpu.dma_semaphore, #tpu.memory_space<semaphore_mem>>)
        %dma_wait3A_765 = tpu.memref_slice %arg11[%add3A_731] : memref<1280064xi32, #tpu.memory_space<vmem_shared>> -> memref<20000xi32, #tpu.memory_space<vmem_shared>>
        %dma_wait3A_766 = tpu.memref_slice %arg11[%add3A_731] : memref<1280064xi32, #tpu.memory_space<vmem_shared>> -> memref<20000xi32, #tpu.memory_space<vmem_shared>>
        tpu.wait_dma2 semaphore(%run_scoped3A : memref<!tpu.dma_semaphore, #tpu.memory_space<semaphore_mem>>) src(%dma_wait3A_766 : memref<20000xi32, #tpu.memory_space<vmem_shared>>) dst(%arg10 : memref<20000xi32, #tpu.memory_space<vmem>>)
        tpu.yield
      }) : () -> ()
      %mul3A_732 = arith.constant 1280000 : i32
      %mul3A_733 = arith.muli %add3A, %mul3A_732 : i32
      %add3A_734 = arith.addi %mul3A_733, %add3A_731 : i32
      %dma_start3A_735 = tpu.memref_slice %arg4[%add3A_734] : memref<20480000xi32, #tpu.memory_space<hbm>> -> memref<20000xi32, #tpu.memory_space<hbm>>
      %dma_start3A_736 = tpu.memref_slice %arg4[%add3A_734] : memref<20480000xi32, #tpu.memory_space<hbm>> -> memref<20000xi32, #tpu.memory_space<hbm>>
      tpu.enqueue_dma source(%arg10 : memref<20000xi32, #tpu.memory_space<vmem>>) target(%dma_start3A_736 : memref<20000xi32, #tpu.memory_space<hbm>>) target_semaphore(%arg14 : memref<!tpu.dma_semaphore, #tpu.memory_space<semaphore_mem>>)
      %dma_wait3A_737 = arith.constant 0 : i32
      %dma_wait3A_738 = tpu.memref_slice %arg4[%dma_wait3A_737] : memref<20480000xi32, #tpu.memory_space<hbm>> -> memref<20000xi32, #tpu.memory_space<hbm>>
      %dma_wait3A_739 = arith.constant 0 : i32
      %dma_wait3A_740 = tpu.memref_slice %arg4[%dma_wait3A_739] : memref<20480000xi32, #tpu.memory_space<hbm>> -> memref<20000xi32, #tpu.memory_space<hbm>>
      tpu.wait_dma2 semaphore(%arg14 : memref<!tpu.dma_semaphore, #tpu.memory_space<semaphore_mem>>) src(%arg10 : memref<20000xi32, #tpu.memory_space<vmem>>) dst(%dma_wait3A_740 : memref<20000xi32, #tpu.memory_space<hbm>>)
      %mul3A_741 = arith.constant 80000 : i32
      %mul3A_742 = arith.muli %arg1, %mul3A_741 : i32
      %add3A_743 = arith.constant 40000 : i32
      %add3A_744 = arith.addi %mul3A_742, %add3A_743 : i32
      "tpu.region"() ({
        %run_scoped3A = tpu.sem_alloc : memref<!tpu.dma_semaphore, #tpu.memory_space<semaphore_mem>>
        %dma_start3A_763 = tpu.memref_slice %arg11[%add3A_744] : memref<1280064xi32, #tpu.memory_space<vmem_shared>> -> memref<20000xi32, #tpu.memory_space<vmem_shared>>
        %dma_start3A_764 = tpu.memref_slice %arg11[%add3A_744] : memref<1280064xi32, #tpu.memory_space<vmem_shared>> -> memref<20000xi32, #tpu.memory_space<vmem_shared>>
        tpu.enqueue_dma source(%dma_start3A_764 : memref<20000xi32, #tpu.memory_space<vmem_shared>>) target(%arg10 : memref<20000xi32, #tpu.memory_space<vmem>>) target_semaphore(%run_scoped3A : memref<!tpu.dma_semaphore, #tpu.memory_space<semaphore_mem>>)
        %dma_wait3A_765 = tpu.memref_slice %arg11[%add3A_744] : memref<1280064xi32, #tpu.memory_space<vmem_shared>> -> memref<20000xi32, #tpu.memory_space<vmem_shared>>
        %dma_wait3A_766 = tpu.memref_slice %arg11[%add3A_744] : memref<1280064xi32, #tpu.memory_space<vmem_shared>> -> memref<20000xi32, #tpu.memory_space<vmem_shared>>
        tpu.wait_dma2 semaphore(%run_scoped3A : memref<!tpu.dma_semaphore, #tpu.memory_space<semaphore_mem>>) src(%dma_wait3A_766 : memref<20000xi32, #tpu.memory_space<vmem_shared>>) dst(%arg10 : memref<20000xi32, #tpu.memory_space<vmem>>)
        tpu.yield
      }) : () -> ()
      %mul3A_745 = arith.constant 1280000 : i32
      %mul3A_746 = arith.muli %add3A, %mul3A_745 : i32
      %add3A_747 = arith.addi %mul3A_746, %add3A_744 : i32
      %dma_start3A_748 = tpu.memref_slice %arg4[%add3A_747] : memref<20480000xi32, #tpu.memory_space<hbm>> -> memref<20000xi32, #tpu.memory_space<hbm>>
      %dma_start3A_749 = tpu.memref_slice %arg4[%add3A_747] : memref<20480000xi32, #tpu.memory_space<hbm>> -> memref<20000xi32, #tpu.memory_space<hbm>>
      tpu.enqueue_dma source(%arg10 : memref<20000xi32, #tpu.memory_space<vmem>>) target(%dma_start3A_749 : memref<20000xi32, #tpu.memory_space<hbm>>) target_semaphore(%arg14 : memref<!tpu.dma_semaphore, #tpu.memory_space<semaphore_mem>>)
      %dma_wait3A_750 = arith.constant 0 : i32
      %dma_wait3A_751 = tpu.memref_slice %arg4[%dma_wait3A_750] : memref<20480000xi32, #tpu.memory_space<hbm>> -> memref<20000xi32, #tpu.memory_space<hbm>>
      %dma_wait3A_752 = arith.constant 0 : i32
      %dma_wait3A_753 = tpu.memref_slice %arg4[%dma_wait3A_752] : memref<20480000xi32, #tpu.memory_space<hbm>> -> memref<20000xi32, #tpu.memory_space<hbm>>
      tpu.wait_dma2 semaphore(%arg14 : memref<!tpu.dma_semaphore, #tpu.memory_space<semaphore_mem>>) src(%arg10 : memref<20000xi32, #tpu.memory_space<vmem>>) dst(%dma_wait3A_753 : memref<20000xi32, #tpu.memory_space<hbm>>)
      %mul3A_754 = arith.constant 80000 : i32
      %mul3A_755 = arith.muli %arg1, %mul3A_754 : i32
      %add3A_756 = arith.constant 60000 : i32
      %add3A_757 = arith.addi %mul3A_755, %add3A_756 : i32
      "tpu.region"() ({
        %run_scoped3A = tpu.sem_alloc : memref<!tpu.dma_semaphore, #tpu.memory_space<semaphore_mem>>
        %dma_start3A_763 = tpu.memref_slice %arg11[%add3A_757] : memref<1280064xi32, #tpu.memory_space<vmem_shared>> -> memref<20000xi32, #tpu.memory_space<vmem_shared>>
        %dma_start3A_764 = tpu.memref_slice %arg11[%add3A_757] : memref<1280064xi32, #tpu.memory_space<vmem_shared>> -> memref<20000xi32, #tpu.memory_space<vmem_shared>>
        tpu.enqueue_dma source(%dma_start3A_764 : memref<20000xi32, #tpu.memory_space<vmem_shared>>) target(%arg10 : memref<20000xi32, #tpu.memory_space<vmem>>) target_semaphore(%run_scoped3A : memref<!tpu.dma_semaphore, #tpu.memory_space<semaphore_mem>>)
        %dma_wait3A_765 = tpu.memref_slice %arg11[%add3A_757] : memref<1280064xi32, #tpu.memory_space<vmem_shared>> -> memref<20000xi32, #tpu.memory_space<vmem_shared>>
        %dma_wait3A_766 = tpu.memref_slice %arg11[%add3A_757] : memref<1280064xi32, #tpu.memory_space<vmem_shared>> -> memref<20000xi32, #tpu.memory_space<vmem_shared>>
        tpu.wait_dma2 semaphore(%run_scoped3A : memref<!tpu.dma_semaphore, #tpu.memory_space<semaphore_mem>>) src(%dma_wait3A_766 : memref<20000xi32, #tpu.memory_space<vmem_shared>>) dst(%arg10 : memref<20000xi32, #tpu.memory_space<vmem>>)
        tpu.yield
      }) : () -> ()
      %mul3A_758 = arith.constant 1280000 : i32
      %mul3A_759 = arith.muli %add3A, %mul3A_758 : i32
      %add3A_760 = arith.addi %mul3A_759, %add3A_757 : i32
      %dma_start3A_761 = tpu.memref_slice %arg4[%add3A_760] : memref<20480000xi32, #tpu.memory_space<hbm>> -> memref<20000xi32, #tpu.memory_space<hbm>>
      %dma_start3A_762 = tpu.memref_slice %arg4[%add3A_760] : memref<20480000xi32, #tpu.memory_space<hbm>> -> memref<20000xi32, #tpu.memory_space<hbm>>
      tpu.enqueue_dma source(%arg10 : memref<20000xi32, #tpu.memory_space<vmem>>) target(%dma_start3A_762 : memref<20000xi32, #tpu.memory_space<hbm>>) target_semaphore(%arg14 : memref<!tpu.dma_semaphore, #tpu.memory_space<semaphore_mem>>)
    }
    %scan3A_45 = arith.constant 8 : i32
    %dma_wait3A = arith.constant 0 : i32
    %dma_wait3A_46 = tpu.memref_slice %arg4[%dma_wait3A] : memref<20480000xi32, #tpu.memory_space<hbm>> -> memref<20000xi32, #tpu.memory_space<hbm>>
    %dma_wait3A_47 = arith.constant 0 : i32
    %dma_wait3A_48 = tpu.memref_slice %arg4[%dma_wait3A_47] : memref<20480000xi32, #tpu.memory_space<hbm>> -> memref<20000xi32, #tpu.memory_space<hbm>>
    tpu.wait_dma2 semaphore(%arg14 : memref<!tpu.dma_semaphore, #tpu.memory_space<semaphore_mem>>) src(%arg10 : memref<20000xi32, #tpu.memory_space<vmem>>) dst(%dma_wait3A_48 : memref<20000xi32, #tpu.memory_space<hbm>>)
    return
  }
}

module attributes {stable_mosaic.version = 14 : i64} {
  func.func @_v2e_body(%arg0: i32, %arg1: memref<2000x512xi32, #tpu.memory_space<vmem>>, %arg2: memref<512x640xbf16, #tpu.memory_space<vmem>>, %arg3: memref<512x512xf32, #tpu.memory_space<vmem>>, %arg4: memref<2000x1xf32, #tpu.memory_space<vmem>>, %arg5: memref<1x512xf32, #tpu.memory_space<vmem>>, %arg6: memref<2000x640xbf16, #tpu.memory_space<vmem>>, %arg7: memref<2000x512xbf16, #tpu.memory_space<vmem>>, %arg8: memref<2000x640xf32, #tpu.memory_space<vmem>>) attributes {dimension_semantics = [#tpu.dimension_semantics<arbitrary>], iteration_bounds = array<i64: 20>, scalar_prefetch = 0 : i64, scratch_operands = 1 : i64, tpu.core_type = #tpu.core_type<tc>, window_params = [{transform_indices = @transform_0, window_bounds = array<i64: 2000, 512>}, {transform_indices = @transform_1, window_bounds = array<i64: 512, 640>}, {pipeline_mode = #tpu.pipeline_mode<synchronous>, transform_indices = @transform_2, window_bounds = array<i64: 512, 512>}, {pipeline_mode = #tpu.pipeline_mode<synchronous>, transform_indices = @transform_3, window_bounds = array<i64: 2000, 1>}, {pipeline_mode = #tpu.pipeline_mode<synchronous>, transform_indices = @transform_4, window_bounds = array<i64: 1, 512>}, {pipeline_mode = #tpu.pipeline_mode<synchronous>, transform_indices = @transform_5, window_bounds = array<i64: 2000, 640>}, {transform_indices = @transform_6, window_bounds = array<i64: 2000, 512>}]} {
    %eq3A = arith.constant 0 : i32
    %eq3A_0 = arith.cmpi eq, %arg0, %eq3A : i32
    %convert_element_type3A = arith.extui %eq3A_0 : i1 to i32
    %cond3A = arith.constant 0 : i32
    %cond3A_1 = arith.cmpi ne, %convert_element_type3A, %cond3A : i32
    scf.if %cond3A_1 {
      %broadcast_in_dim3A = arith.constant 0.000000e+00 : f32
      %broadcast_in_dim3A_22 = vector.broadcast %broadcast_in_dim3A : f32 to vector<2000x640xf32>
      %swap3A_23 = arith.constant 0 : index
      %swap3A_24 = arith.constant 0 : index
      %swap3A_25 = vector.load %arg8[%swap3A_23, %swap3A_24] : memref<2000x640xf32, #tpu.memory_space<vmem>>, vector<2000x640xf32>
      tpu.vector_store %arg8[%swap3A_23, %swap3A_24], %broadcast_in_dim3A_22 {strides = array<i32>} : memref<2000x640xf32, #tpu.memory_space<vmem>>, vector<2000x640xf32>,
    } else {
    }
    %get3A = arith.constant 0 : index
    %get3A_2 = arith.constant 0 : index
    %get3A_3 = vector.load %arg1[%get3A, %get3A_2] : memref<2000x512xi32, #tpu.memory_space<vmem>>, vector<2000x512xi32>
    %convert_element_type3A_4 = arith.sitofp %get3A_3 : vector<2000x512xi32> to vector<2000x512xbf16>
    %swap3A = arith.constant 0 : index
    %swap3A_5 = arith.constant 0 : index
    %swap3A_6 = vector.load %arg7[%swap3A, %swap3A_5] : memref<2000x512xbf16, #tpu.memory_space<vmem>>, vector<2000x512xbf16>
    tpu.vector_store %arg7[%swap3A, %swap3A_5], %convert_element_type3A_4 {strides = array<i32>} : memref<2000x512xbf16, #tpu.memory_space<vmem>>, vector<2000x512xbf16>,
    %get3A_7 = arith.constant 0 : index
    %get3A_8 = arith.constant 0 : index
    %get3A_9 = vector.load %arg8[%get3A_7, %get3A_8] : memref<2000x640xf32, #tpu.memory_space<vmem>>, vector<2000x640xf32>
    %get3A_10 = arith.constant 0 : index
    %get3A_11 = arith.constant 0 : index
    %get3A_12 = vector.load %arg2[%get3A_10, %get3A_11] : memref<512x640xbf16, #tpu.memory_space<vmem>>, vector<512x640xbf16>
    %dot_general3A = arith.constant dense<0.000000e+00> : vector<2000x640xf32>
    %dot_general3A_13 = tpu.matmul %convert_element_type3A_4, %get3A_12, %dot_general3A {dimension_numbers = #tpu.dot_dimension_numbers<[1], [0], [0], [1], [0, 0, 1, 1], [], []>, transpose_lhs_hint = false} : vector<2000x512xbf16>, vector<512x640xbf16>, vector<2000x640xf32> -> vector<2000x640xf32>
    %add3A = arith.addf %get3A_9, %dot_general3A_13 : vector<2000x640xf32>
    %swap3A_14 = arith.constant 0 : index
    %swap3A_15 = arith.constant 0 : index
    %swap3A_16 = vector.load %arg8[%swap3A_14, %swap3A_15] : memref<2000x640xf32, #tpu.memory_space<vmem>>, vector<2000x640xf32>
    tpu.vector_store %arg8[%swap3A_14, %swap3A_15], %add3A {strides = array<i32>} : memref<2000x640xf32, #tpu.memory_space<vmem>>, vector<2000x640xf32>,
    %eq3A_17 = arith.constant 19 : i32
    %eq3A_18 = arith.cmpi eq, %arg0, %eq3A_17 : i32
    %convert_element_type3A_19 = arith.extui %eq3A_18 : i1 to i32
    %cond3A_20 = arith.constant 0 : i32
    %cond3A_21 = arith.cmpi ne, %convert_element_type3A_19, %cond3A_20 : i32
    scf.if %cond3A_21 {
      %get3A_22 = arith.constant 0 : index
      %get3A_23 = arith.constant 0 : index
      %get3A_24 = vector.load %arg8[%get3A_22, %get3A_23] : memref<2000x640xf32, #tpu.memory_space<vmem>>, vector<2000x640xf32>
      %slice3A = vector.extract_strided_slice %get3A_24 {offsets = [0, 512], sizes = [2000, 128], strides = [1, 1]} : vector<2000x640xf32> to vector<2000x128xf32>
      %reduce_sum3A = arith.constant dense<0.000000e+00> : vector<2000xf32>
      %reduce_sum3A_25 = vector.multi_reduction <add>, %slice3A, %reduce_sum3A [1] : vector<2000x128xf32> to vector<2000xf32>
      %broadcast_in_dim3A = vector.shape_cast %reduce_sum3A_25 : vector<2000xf32> to vector<2000x1xf32>
      %mul3A = arith.constant 7.812500e-03 : f32
      %mul3A_26 = vector.broadcast %mul3A : f32 to vector<2000x1xf32>
      %mul3A_27 = arith.mulf %broadcast_in_dim3A, %mul3A_26 : vector<2000x1xf32>
      %get3A_28 = arith.constant 0 : index
      %get3A_29 = arith.constant 0 : index
      %get3A_30 = vector.load %arg4[%get3A_28, %get3A_29] : memref<2000x1xf32, #tpu.memory_space<vmem>>, vector<2000x1xf32>
      %max3A = arith.constant 1.000000e+00 : f32
      %max3A_31 = vector.broadcast %max3A : f32 to vector<2000x1xf32>
      %max3A_32 = arith.maximumf %mul3A_27, %max3A_31 : vector<2000x1xf32>
      %div3A = arith.divf %get3A_30, %max3A_32 : vector<2000x1xf32>
      %slice3A_33 = vector.extract_strided_slice %get3A_24 {offsets = [0, 0], sizes = [2000, 512], strides = [1, 1]} : vector<2000x640xf32> to vector<2000x512xf32>
      %mul3A_34 = vector.broadcast %div3A : vector<2000x1xf32> to vector<2000x512xf32>
      %mul3A_35 = arith.mulf %slice3A_33, %mul3A_34 : vector<2000x512xf32>
      %convert_element_type3A_36 = arith.truncf %mul3A_35 : vector<2000x512xf32> to vector<2000x512xbf16>
      %get3A_37 = arith.constant 0 : index
      %get3A_38 = arith.constant 0 : index
      %get3A_39 = vector.load %arg3[%get3A_37, %get3A_38] : memref<512x512xf32, #tpu.memory_space<vmem>>, vector<512x512xf32>
      %convert_element_type3A_40 = arith.truncf %get3A_39 : vector<512x512xf32> to vector<512x512xbf16>
      %dot_general3A_41 = arith.constant dense<0.000000e+00> : vector<2000x512xf32>
      %dot_general3A_42 = tpu.matmul %convert_element_type3A_36, %convert_element_type3A_40, %dot_general3A_41 {dimension_numbers = #tpu.dot_dimension_numbers<[1], [1], [0], [0], [0, 0, 1, 0], [], []>, transpose_lhs_hint = false} : vector<2000x512xbf16>, vector<512x512xbf16>, vector<2000x512xf32> -> vector<2000x512xf32>
      %get3A_43 = arith.constant 0 : index
      %get3A_44 = arith.constant 0 : index
      %get3A_45 = vector.load %arg5[%get3A_43, %get3A_44] : memref<1x512xf32, #tpu.memory_space<vmem>>, vector<1x512xf32>
      %mul3A_46 = vector.broadcast %get3A_30 : vector<2000x1xf32> to vector<2000x512xf32>
      %mul3A_47 = vector.broadcast %get3A_45 : vector<1x512xf32> to vector<2000x512xf32>
      %mul3A_48 = arith.mulf %mul3A_46, %mul3A_47 : vector<2000x512xf32>
      %add3A_49 = arith.addf %dot_general3A_42, %mul3A_48 : vector<2000x512xf32>
      %convert_element_type3A_50 = arith.truncf %add3A_49 : vector<2000x512xf32> to vector<2000x512xbf16>
      %broadcast_in_dim3A_51 = arith.constant 1.000000e+00 : bf16
      %broadcast_in_dim3A_52 = vector.broadcast %broadcast_in_dim3A_51 : bf16 to vector<2000x128xbf16>
      %concatenate3A = tpu.concatenate %convert_element_type3A_50, %broadcast_in_dim3A_52 in 1 : vector<2000x512xbf16>, vector<2000x128xbf16> -> vector<2000x640xbf16>
      %swap3A_53 = arith.constant 0 : index
      %swap3A_54 = arith.constant 0 : index
      %swap3A_55 = vector.load %arg6[%swap3A_53, %swap3A_54] : memref<2000x640xbf16, #tpu.memory_space<vmem>>, vector<2000x640xbf16>
      tpu.vector_store %arg6[%swap3A_53, %swap3A_54], %concatenate3A {strides = array<i32>} : memref<2000x640xbf16, #tpu.memory_space<vmem>>, vector<2000x640xbf16>,
    } else {
    }
    return
  }
  func.func @transform_0(%arg0: i32) -> (i32, i32) {
    %c0_i32 = arith.constant 0 : i32
    %c0_i32_0 = arith.constant 0 : i32
    return %c0_i32, %arg0 : i32, i32
  }
  func.func @transform_1(%arg0: i32) -> (i32, i32) {
    %c0_i32 = arith.constant 0 : i32
    %c0_i32_0 = arith.constant 0 : i32
    return %arg0, %c0_i32 : i32, i32
  }
  func.func @transform_2(%arg0: i32) -> (i32, i32) {
    %c0_i32 = arith.constant 0 : i32
    %c0_i32_0 = arith.constant 0 : i32
    %c0_i32_1 = arith.constant 0 : i32
    return %c0_i32, %c0_i32_0 : i32, i32
  }
  func.func @transform_3(%arg0: i32) -> (i32, i32) {
    %c0_i32 = arith.constant 0 : i32
    %c0_i32_0 = arith.constant 0 : i32
    %c0_i32_1 = arith.constant 0 : i32
    return %c0_i32, %c0_i32_0 : i32, i32
  }
  func.func @transform_4(%arg0: i32) -> (i32, i32) {
    %c0_i32 = arith.constant 0 : i32
    %c0_i32_0 = arith.constant 0 : i32
    %c0_i32_1 = arith.constant 0 : i32
    return %c0_i32, %c0_i32_0 : i32, i32
  }
  func.func @transform_5(%arg0: i32) -> (i32, i32) {
    %c0_i32 = arith.constant 0 : i32
    %c0_i32_0 = arith.constant 0 : i32
    %c0_i32_1 = arith.constant 0 : i32
    return %c0_i32, %c0_i32_0 : i32, i32
  }
  func.func @transform_6(%arg0: i32) -> (i32, i32) {
    %c0_i32 = arith.constant 0 : i32
    %c0_i32_0 = arith.constant 0 : i32
    return %c0_i32, %arg0 : i32, i32
  }
}

module attributes {stable_mosaic.version = 14 : i64} {
  func.func @_e2v_body(%arg0: i32, %arg1: memref<2000x1024xbf16, #tpu.memory_space<vmem>>, %arg2: memref<2000x640xbf16, #tpu.memory_space<vmem>>, %arg3: memref<1024x512xf32, #tpu.memory_space<vmem>>) attributes {dimension_semantics = [#tpu.dimension_semantics<arbitrary>], iteration_bounds = array<i64: 10>, scalar_prefetch = 0 : i64, scratch_operands = 0 : i64, tpu.core_type = #tpu.core_type<tc>, window_params = [{transform_indices = @transform_0, window_bounds = array<i64: 2000, 1024>}, {pipeline_mode = #tpu.pipeline_mode<synchronous>, transform_indices = @transform_1, window_bounds = array<i64: 2000, 640>}, {transform_indices = @transform_2, window_bounds = array<i64: 1024, 512>}]} {
    %get3A = arith.constant 0 : index
    %get3A_0 = arith.constant 0 : index
    %get3A_1 = vector.load %arg1[%get3A, %get3A_0] : memref<2000x1024xbf16, #tpu.memory_space<vmem>>, vector<2000x1024xbf16>
    %get3A_2 = arith.constant 0 : index
    %get3A_3 = arith.constant 0 : index
    %get3A_4 = vector.load %arg2[%get3A_2, %get3A_3] : memref<2000x640xbf16, #tpu.memory_space<vmem>>, vector<2000x640xbf16>
    %dot_general3A = arith.constant dense<0.000000e+00> : vector<1024x640xf32>
    %dot_general3A_5 = tpu.matmul %get3A_1, %get3A_4, %dot_general3A {dimension_numbers = #tpu.dot_dimension_numbers<[0], [0], [1], [1], [0, 1, 1, 1], [], []>, transpose_lhs_hint = false} : vector<2000x1024xbf16>, vector<2000x640xbf16>, vector<1024x640xf32> -> vector<1024x640xf32>
    %slice3A = vector.extract_strided_slice %dot_general3A_5 {offsets = [0, 512], sizes = [1024, 128], strides = [1, 1]} : vector<1024x640xf32> to vector<1024x128xf32>
    %reduce_sum3A = arith.constant dense<0.000000e+00> : vector<1024xf32>
    %reduce_sum3A_6 = vector.multi_reduction <add>, %slice3A, %reduce_sum3A [1] : vector<1024x128xf32> to vector<1024xf32>
    %broadcast_in_dim3A = vector.shape_cast %reduce_sum3A_6 : vector<1024xf32> to vector<1024x1xf32>
    %mul3A = arith.constant 7.812500e-03 : f32
    %mul3A_7 = vector.broadcast %mul3A : f32 to vector<1024x1xf32>
    %mul3A_8 = arith.mulf %broadcast_in_dim3A, %mul3A_7 : vector<1024x1xf32>
    %slice3A_9 = vector.extract_strided_slice %dot_general3A_5 {offsets = [0, 0], sizes = [1024, 512], strides = [1, 1]} : vector<1024x640xf32> to vector<1024x512xf32>
    %max3A = arith.constant 0.000000e+00 : f32
    %max3A_10 = vector.broadcast %max3A : f32 to vector<1024x512xf32>
    %max3A_11 = arith.maximumf %slice3A_9, %max3A_10 : vector<1024x512xf32>
    %max3A_12 = arith.constant 1.000000e+00 : f32
    %max3A_13 = vector.broadcast %max3A_12 : f32 to vector<1024x1xf32>
    %max3A_14 = arith.maximumf %mul3A_8, %max3A_13 : vector<1024x1xf32>
    %div3A = vector.broadcast %max3A_14 : vector<1024x1xf32> to vector<1024x512xf32>
    %div3A_15 = arith.divf %max3A_11, %div3A : vector<1024x512xf32>
    %swap3A = arith.constant 0 : index
    %swap3A_16 = arith.constant 0 : index
    %swap3A_17 = vector.load %arg3[%swap3A, %swap3A_16] : memref<1024x512xf32, #tpu.memory_space<vmem>>, vector<1024x512xf32>
    tpu.vector_store %arg3[%swap3A, %swap3A_16], %div3A_15 {strides = array<i32>} : memref<1024x512xf32, #tpu.memory_space<vmem>>, vector<1024x512xf32>,
    return
  }
  func.func @transform_0(%arg0: i32) -> (i32, i32) {
    %c0_i32 = arith.constant 0 : i32
    %c0_i32_0 = arith.constant 0 : i32
    return %c0_i32, %arg0 : i32, i32
  }
  func.func @transform_1(%arg0: i32) -> (i32, i32) {
    %c0_i32 = arith.constant 0 : i32
    %c0_i32_0 = arith.constant 0 : i32
    %c0_i32_1 = arith.constant 0 : i32
    return %c0_i32, %c0_i32_0 : i32, i32
  }
  func.func @transform_2(%arg0: i32) -> (i32, i32) {
    %c0_i32 = arith.constant 0 : i32
    %c0_i32_0 = arith.constant 0 : i32
    return %arg0, %c0_i32 : i32, i32
  }
}

</mosaic_0001>

<sc_bundles>
// kernel: kernel.5.cloned.1.call-start
scs
__scs_entry_jumppad:
0x0: {  	(pc) =	sbr.rel $0x88, $3  }
0x1: {  	(tag) =	ssettag $0x0;
	lr =	simm.s32 $0x1  }
0x2: {  	[smem:$0x3F9B] =	sst lr;
	_ =	strace $0xD0000000  }
0x3: {  	_ = 	snop  }
0x4: {  	_ = 	snop  }
0x5: {  	_ = 	snop  }
0x6: {  	_ = 	snop  }
0x7: {  	_ = 	snop  }
__scs_overlays_trampoline_lowered:
0x8: {  	[smem:$0x3FAA] =	sst s0  }
0x9: {  	[smem:$0x3FAB] =	sst s1  }
0xa: {  	[smem:$0x3FAC] =	sst s2  }
0xb: {  	[smem:$0x3FAD] =	sst s3  }
0xc: {  	[smem:$0x3FAE] =	sst s4  }
0xd: {  	[smem:$0x3FAF] =	sst s5  }
0xe: {  	[smem:$0x3FB0] =	sst s6  }
0xf: {  	[smem:$0x3FB1] =	sst s7  }
0x10: {  	[smem:$0x3FB2] =	sst s8  }
0x11: {  	[smem:$0x3FB3] =	sst s9;
	s0 =	simm.s32 @!p0 $0x0  }
0x12: {  	s1 =	sld [smem:$0x3F99];
	s0 =	simm.s32 @p0 $0x1  }
0x13: {  	[smem:$0x3FB4] =	sst s0;
	s0 =	simm.s32 @!p1 $0x0  }
0x14: {  	s2 =	sld [smem:$0x3F98];
	s0 =	simm.s32 @p1 $0x1  }
0x15: {  	[smem:$0x3FB5] =	sst s0;
	s0 =	simm.s32 @!p2 $0x0  }
0x16: {  	s3 =	sld [smem:$0x3FDB];
	s0 =	simm.s32 @p2 $0x1  }
0x17: {  	s4 =	simm.s32 $0x1BF5;
	[smem:$0x3FB7] =	sst s0  }
0x18: {  	s0 =	sld [smem:$0x3F9A];
	_ =	swait.ge [sflag:s4], $0x0  }
0x19: {  	s7 =	sld [smem:$0x3F9B]  }
0x1a: {  	s8 =	sadd.s32 $0xFFFFE003, lr  }
0x1b: {  	s9 =	sadd.s32 $0xFFFFFEF7, lr;
	s5 =	simm.s32 $0xFFFFFFFF;
	p2 =	slt.u32 s8, $0xFFFFF086  }
0x1c: {  	p1 =	slt.u32 s9, $0xF7A;
	s5 =	simm.s32 @!p2 $0x0  }
0x1d: {  	s5 =	simm.s32 @p1 $0x1;
	p0 =	seq.s32 s7, s2  }
0x1e: {  	s7 =	smul.u32 @!p0 $0xF7A, s2;
	p2 =	seq.s32 @!p0 s5, $0x0  }
0x1f: {  	s9 =	smul.u32 $0xF7A, s1;
	s8 =	simm.s32 @!p0 $0x1BF5;
	p2 =	por !p2, p0  }
0x20: {  	[sflag:s8] =	ssyncset.s32 @!p0 $0xFFFFF086;
	s6 =	sadd.s32 @!p0 s3, s7;
	s7 =	simm.s32 @!p0 $0x108  }
0x21: {  	s3 =	sadd.s32 s3, s9;
	s6 =	sadd.s32 @!p0 $0x88, s6;
	s7 =	simm.s32 @p2 $0x1082  }
0x22: {  	[simem:s7], [sflag:s8] =	dma.local @!p0 [hbm:s6], $0xF7A  }
0x23: {  	s9 =	sor.u32 $0xD0000000, s2;
	s6 =	simm.s32 $0x108;
	_ =	swait.ge @!p0 [sflag:s8], $0x0  }
0x24: {  	s3 =	sadd.s32 $0x88, s3;
	s6 =	simm.s32 @!p1 $0x1082;
	[sflag:s4] =	ssyncset.s32 $0xFFFFF086  }
0x25: {  	[simem:s6], [sflag:s4] =	dma.local [hbm:s3], $0xF7A  }
0x26: {  	[smem:$0x3F9B] =	sst s1;
	(tag) =	ssettag s2;
	_ =	strace s9  }
0x27: {  	s1 =	sld [smem:$0x3FAB]  }
0x28: {  	s2 =	sld [smem:$0x3FAC]  }
0x29: {  	s4 =	sld [smem:$0x3FAE]  }
0x2a: {  	p0 =	seq.s32 s5, $0x0;
	s5 =	sld [smem:$0x3FAF]  }
0x2b: {  	s6 =	sld [smem:$0x3FB0]  }
0x2c: {  	s7 =	sld [smem:$0x3FB1]  }
0x2d: {  	s3 =	simm.s32 $0x108;
	s8 =	sld [smem:$0x3FB2]  }
0x2e: {  	s3 =	simm.s32 @!p0 $0x1082;
	s9 =	sld [smem:$0x3FB3]  }
0x2f: {  	lr =	sadd.s32 s0, s3;
	s0 =	sld [smem:$0x3FAA]  }
0x30: {  	s3 =	sld [smem:$0x3FAD]  }
0x31: {  	[smem:$0x3FB6] =	sst s10  }
0x32: {  	s10 =	sld [smem:$0x3FB4];
	_ =	sdelay $0x3  }
0x33: {  	p0 =	seq.s32 s10, $0x1;
	s10 =	sld [smem:$0x3FB6];
	_ =	sdelay $0x3  }
0x34: {  	[smem:$0x3FB6] =	sst s10  }
0x35: {  	s10 =	sld [smem:$0x3FB5];
	_ =	sdelay $0x3  }
0x36: {  	p1 =	seq.s32 s10, $0x1;
	s10 =	sld [smem:$0x3FB6];
	_ =	sdelay $0x3  }
0x37: {  	[smem:$0x3FB6] =	sst s10  }
0x38: {  	s10 =	sld [smem:$0x3FB7]  }
0x39: {  	_ = 	snop;
	(pc) =	sbr.ind lr, $3  }
0x3a: {  	_ = 	snop  }
0x3b: {  	_ = 	snop  }
0x3c: {  	p2 =	seq.s32 s10, $0x1;
	s10 =	sld [smem:$0x3FB6]  }
0x3d: {  	_ =	shalt  }
0x3e: {  	_ =	shalt  }
0x3f: {  	_ =	shalt  }
0x40: {  	_ =	shalt  }
0x41: {  	_ =	shalt  }
0x42: {  	_ =	shalt  }
0x43: {  	_ =	shalt  }
0x44: {  	_ =	shalt  }
0x45: {  	_ =	shalt  }
0x46: {  	_ =	shalt  }
0x47: {  	_ =	shalt  }
0x48: {  	_ =	shalt  }
0x49: {  	_ =	shalt  }
0x4a: {  	_ =	shalt  }
0x4b: {  	_ =	shalt  }
0x4c: {  	_ =	shalt  }
0x4d: {  	_ =	shalt  }
0x4e: {  	_ =	shalt  }
0x4f: {  	_ =	shalt  }
0x50: {  	_ =	shalt  }
0x51: {  	_ =	shalt  }
0x52: {  	_ =	shalt  }
0x53: {  	_ =	shalt  }
0x54: {  	_ =	shalt  }
0x55: {  	_ =	shalt  }
0x56: {  	_ =	shalt  }
0x57: {  	_ =	shalt  }
0x58: {  	_ =	shalt  }
0x59: {  	_ =	shalt  }
0x5a: {  	_ =	shalt  }
0x5b: {  	_ =	shalt  }
0x5c: {  	_ =	shalt  }
0x5d: {  	_ =	shalt  }
0x5e: {  	_ =	shalt  }
0x5f: {  	_ =	shalt  }
0x60: {  	_ =	shalt  }
0x61: {  	_ =	shalt  }
0x62: {  	_ =	shalt  }
0x63: {  	_ =	shalt  }
0x64: {  	_ =	shalt  }
0x65: {  	_ =	shalt  }
0x66: {  	_ =	shalt  }
0x67: {  	_ =	shalt  }
0x68: {  	_ =	shalt  }
0x69: {  	_ =	shalt  }
0x6a: {  	_ =	shalt  }
0x6b: {  	_ =	shalt  }
0x6c: {  	_ =	shalt  }
0x6d: {  	_ =	shalt  }
0x6e: {  	_ =	shalt  }
0x6f: {  	_ =	shalt  }
0x70: {  	_ =	shalt  }
0x71: {  	_ =	shalt  }
0x72: {  	_ =	shalt  }
0x73: {  	_ =	shalt  }
0x74: {  	_ =	shalt  }
0x75: {  	_ =	shalt  }
0x76: {  	_ =	shalt  }
0x77: {  	_ =	shalt  }
0x78: {  	_ =	shalt  }
0x79: {  	_ =	shalt  }
0x7a: {  	_ =	shalt  }
0x7b: {  	_ =	shalt  }
0x7c: {  	_ =	shalt  }
0x7d: {  	_ =	shalt  }
0x7e: {  	_ =	shalt  }
0x7f: {  	_ =	shalt  }
0x80: {  	_ =	shalt  }
0x81: {  	_ =	shalt  }
0x82: {  	_ =	shalt  }
0x83: {  	_ =	shalt  }
0x84: {  	_ =	shalt  }
0x85: {  	_ =	shalt  }
0x86: {  	_ =	shalt  }
0x87: {  	_ =	shalt  }
.Lfunc_end0:
.L_simem_size_0:
called_computation_lowered:
.L_overlay_start_0:
0x88: {  	s2 =	sld [smem:$0x3FD9]  }
0x89: {  	s3 =	sld [smem:$0x3FFE];
	_ =	sdelay $0x1  }
0x8a: {  	s1 =	srdreg.scid  }
0x8b: {  	s0 =	sand.u32 $0x1, s1  }
0x8c: {  	s17 =	sshll.u32 s0, $0xA;
	s2 =	sadd.s32 s3, s2  }
0x8d: {  	s2 =	sadd.s32 s2, s17  }
0x8e: {  	[smem:$0x3FC2] =	sst s2  }
0x8f: {  	_ = 	snop  }
0x90: {  	s2 =	sld [smem:$0x3FD0];
	(tm) =	ssettm $0x1  }
0x91: {  	s18 =	sld [smem:$0x3FFB];
	_ =	sdelay $0x3  }
0x92: {  	_ =	strace s18  }
0x93: {  	s3 =	sld [smem:$0x3FFC];
	_ =	sdelay $0x3  }
0x94: {  	_ =	strace s3  }
0x95: {  	s3 =	sld [smem:$0x3FFD];
	_ =	sdelay $0x3  }
0x96: {  	_ =	strace s3  }
0x97: {  	_ =	strace $0x8FFFFFFF  }
0x98: {  	s19 =	sld [smem:$0x3FDB];
	_ =	sdelay $0x1  }
0x99: {  	s4 =	simm.s32 $_scs_section_size  }
0x9a: {  	s5 =	simm.s32 $_size__tile_overlayer_lowered;
	s6 =	simm.s32 $_tile_overlayer_lowered  }
0x9b: {  	s22 =	simm.s32 $0x1BFF;
	s21 =	sshll.u32 s6, $0x1;
	s3 =	sadd.s32 s4, s19  }
0x9c: {  	s7 =	simm.s32 $0x0;
	s20 =	sshll.u32 s5, $0x1;
	s5 =	sadd.s32 s21, s3  }
0x9d: {  	[timem:s7], [sflag:s22] =	dma.local [hbm:s5], s20  }
0x9e: {  	_ =	swait.ge [sflag:s22], s20  }
0x9f: {  	s4 =	ssub.s32 $0x0, s20;
	[sflag:s22] =	ssyncset.done $0x0  }
0xa0: {  	[sflag:s22] =	ssyncadd.s32 s4;
	_ =	sdelay $0x1  }
0xa1: {  	s23 =	simm.s32 $0x1B8B  }
0xa2: {  	_ =	swait.ge [sflag:s23], $0x1  }
0xa3: {  	[sflag:s23] =	ssyncset.done $0x0  }
0xa4: {  	s25 =	simm.s32 $0x1B8E;
	s24 =	sld [smem:$0x3FFE];
	[sflag:s23] =	ssyncadd.s32 $0xFFFFFFFF  }
0xa5: {  	s26 =	simm.s32 $execute0_lowered;
	[smem:$0x3FD2] =	sst s25  }
0xa6: {  	s5 =	sshll.u32 s26, $0x1;
	_ =	strace $0x80000046;
	[dreg:$0x1] =	wrdreg $0xFFFFFFFF  }
0xa7: {  	s28 =	simm.s32 $_size_execute0_lowered;
	s3 =	sadd.s32 s3, s5;
	[dreg:$0x0] =	wrdreg $0x0  }
0xa8: {  	s5 =	sshll.u32 s28, $0x1;
	[dreg:$0x2] =	wrdreg s3  }
0xa9: {  	[dreg:$0x3] =	wrdreg s5  }
0xaa: {  	[dreg:$0x4] =	wrdreg $0xC0  }
0xab: {  	_ =	task [dreg:s7], $0x5FFFF  }
0xac: {  	[dreg:$0x1] =	wrdreg $0xFFFFFFFF  }
0xad: {  	[dreg:$0x0] =	wrdreg $0x60  }
0xae: {  	[dreg:$0x2] =	wrdreg s2  }
0xaf: {  	[dreg:$0x3] =	wrdreg s24  }
0xb0: {  	[dreg:$0x4] =	wrdreg $0xC3800  }
0xb1: {  	[dreg:$0x5] =	wrdreg $0x9  }
0xb2: {  	_ =	task.clear_ibuf [dreg:s7], $0x6FFFF;
	_ =	strace $0x90000046  }
0xb3: {  	s29 =	simm.s32 $0x9;
	_ =	strace $0x80000048  }
0xb4: {  	_ =	swait.ge [sflag:s29], $0x1  }
0xb5: {  	[sflag:s29] =	ssyncadd.s32 $0xFFFFFFFF  }
0xb6: {  	_ =	strace $0x90000048  }
0xb7: {  	_ =	sfence  }
0xb8: {  	s30 =	sld [smem:$0x0];
	_ =	sdelay $0x2  }
0xb9: {  	s31 =	sshll.u32 s1, $0xD;
	s1 =	sshrl.u32 s1, $0x2  }
0xba: {  	s3 =	sand.u32 $0x4000, s31;
	s1 =	sadd.s32 s1, s30  }
0xbb: {  	s0 =	sor.u32 s3, s0;
	s1 =	sshll.u32 s1, $0x11  }
0xbc: {  	s0 =	sor.u32 s1, s0  }
0xbd: {  	s0 =	sadd.s32 $0x8F2B, s0  }
0xbe: {  	[sflag:s0] =	ssyncadd.remote.s32 $0x1  }
0xbf: {  	_ =	sfence.sel $0xFFFF  }
0xc0: {  	[dreg:$0x0] =	wrdreg $0xFFFFFFFF;
	(pc) =	sbr.abs _section_cstart, $3  }
0xc1: {  	[dreg:$0x1] =	wrdreg $0xFFFFFFFF  }
0xc2: {  	_ =	task.clear_ibuf [dreg:s7], $0x2FFFF;
	_ =	strace $0x9FFFFFFF  }
0xc3: {  	(tm) =	ssettm $0x7FFFFFFF  }
tec
execute0_lowered:
.L_overlay_start_1:
0x0: {  	(tag) =	ssettag $0x1  }
0x1: {  	s0 =	rddreg [dreg:$0x0]  }
0x2: {  	s1 =	rddreg [dreg:$0x1]  }
0x3: {  	s2 =	rddreg [dreg:$0x2];
	s3 =	simm.s32 $0x0;
	s5 =	stileid.u32  }
0x4: {  	s4 =	srdreg.scid;
	s21 =	simm.s32 $0x4;
	s23 =	simm.s32 $0x4D80  }
0x5: {  	s24 =	simm.s32 $0x1;
	s25 =	simm.s32 $0x80;
	s28 =	simm.s32 $0x4D00  }
0x6: {  	s20 =	simm.s32 $0x2;
	s29 =	simm.s32 $0x3;
	s7 =	smul.u32 $0x310, s5  }
0x7: {  	[smem:$0x7FF] =	sst s3;
	s4 =	sand.u32 $0x1, s4;
	s5 =	smul.u32 $0x13880, s5  }
0x8: {  	s6 =	sadd.s32 $0x3E00, s1;
	_ =	strace $0x80000047;
	s8 =	ssub.s32 $0x2, s4  }
0x9: {  	s9 =	sadd.s32 s7, s1;
	s10 =	sshrl.u32 s8, $0x1;
	s0 =	sadd.s32 s0, s7  }
0xa: {  	s13 =	sadd.s32 $0x9C40, s5;
	s16 =	sadd.s32 $0xEA60, s5;
	s7 =	simm.s32 $0x4880  }
0xb: {  	s1 =	simm.s32 $0x0;
	s26 =	ssub.s32 s8, s10;
	[dreg:$0x4] =	wrdreg s0  }
0xc: {  	s30 =	sadd.s32 $0xC00, s9;
	s9 =	sadd.s32 s5, s2;
	s10 =	sadd.s32 $0x4E20, s5  }
0xd: {  	s15 =	sadd.s32 s13, s2;
	s18 =	sadd.s32 s16, s2;
	s8 =	simm.s32 $0x4900  }
0xe: {  	[dreg:$0x5] =	wrdreg s30;
	s11 =	sadd.s32 $0x2710, s9;
	s12 =	sadd.s32 s10, s2  }
0xf: {  	s14 =	sadd.s32 $0x7530, s9;
	s17 =	sadd.s32 $0xC350, s9;
	s31 =	smax.u32 s26, $0x1  }
0x10: {  	v0 =	vimm.s32 $0x1;
	v1 =	vimm.s32 $0x0;
	s19 =	sadd.s32 $0x11170, s9;
	s26 =	simm.s32 $0x7500;
	[dreg:$0x6] =	wrdreg s31  }
.LBB2_1:
0x11: {  	[tilespmem:$0x4D00] =	vst v0  }
0x12: {  	[tilespmem:$0x4D10] =	vst v0  }
0x13: {  	[tilespmem:$0x4D20] =	vst v0  }
0x14: {  	[tilespmem:$0x4D30] =	vst v0  }
0x15: {  	[tilespmem:$0x4D40] =	vst v0  }
0x16: {  	[tilespmem:$0x4D50] =	vst v0  }
0x17: {  	[tilespmem:$0x4D60] =	vst v0  }
0x18: {  	[dreg:$0x7] =	wrdreg s1;
	[tilespmem:$0x4D70] =	vst v0;
	s0 =	simm.s32 $0x40;
	s1 =	simm.s32 $0x0  }
.LBB2_2:
0x19: {  	p0 =	sne.s32 s0, $0x9C00;
	[tilespmem:s1+$0x4D80] =	vst v1;
	s1 =	smov.u32 s0;
	s0 =	sadd.s32 $0x40, s0  }
.Ltmp0:
0x1a: {  	(pc) =	sbr.rel @p0 .LBB2_2-.Ltmp0, $2  }
0x1b: {  	_ =	sdelay $0x2  }
0x1c: {  	s1 =	sshra.s32 s1, $0x2  }
0x1d: {  	[tilespmem:s1+$0x4D80] =	vst v1;
	s30 =	simm.s32 $0x0;
	s0 =	rddreg [dreg:$0x4]  }
0x1e: {  	[tilespmem:s30], [sflag:$0x4] =	stream.linear.gather [hbm4b:s0+s30], $0x1880, $0x38;
	[tilespmem:$0x1FC08] =	vst v63  }
0x1f: {  	_ =	swait.ge [sflag:s21], $0x1880  }
0x20: {  	[sflag:s21] =	ssyncset.done $0x0  }
0x21: {  	s31 =	simm.s32 $0x1880;
	s22 =	rddreg [dreg:$0x5];
	[sflag:s21] =	ssyncadd.s32 $0xFFFFE780  }
0x22: {  	[tilespmem:s31], [sflag:$0x4] =	stream.linear.gather [hbm4b:s22+s30], $0x1880, $0x38;
	[tilespmem:$0x1FC08] =	vst v63  }
0x23: {  	_ =	swait.ge [sflag:s21], $0x1880  }
0x24: {  	[sflag:s21] =	ssyncset.done $0x0  }
0x25: {  	[sflag:s21] =	ssyncadd.s32 $0xFFFFE780  }
.LBB2_4:
0x26: {  	[spmem:s9] =	stream.linear.scatter [tilespmem:s23], [sflag:$0x1], $0x2710, $0x38;
	[tilespmem:$0x1FC08] =	vst v63  }
0x27: {  	_ = 	snop  }
0x28: {  	[spmem:s11] =	stream.linear.scatter [tilespmem:s23], [sflag:$0x1], $0x2710, $0x38;
	[tilespmem:$0x1FC08] =	vst v63  }
0x29: {  	_ = 	snop  }
0x2a: {  	[spmem:s12] =	stream.linear.scatter [tilespmem:s23], [sflag:$0x1], $0x2710, $0x38;
	[tilespmem:$0x1FC08] =	vst v63  }
0x2b: {  	_ = 	snop  }
0x2c: {  	[spmem:s14] =	stream.linear.scatter [tilespmem:s23], [sflag:$0x1], $0x2710, $0x38;
	[tilespmem:$0x1FC08] =	vst v63  }
0x2d: {  	_ = 	snop  }
0x2e: {  	[spmem:s15] =	stream.linear.scatter [tilespmem:s23], [sflag:$0x1], $0x2710, $0x38;
	[tilespmem:$0x1FC08] =	vst v63  }
0x2f: {  	_ = 	snop  }
0x30: {  	[spmem:s17] =	stream.linear.scatter [tilespmem:s23], [sflag:$0x1], $0x2710, $0x38;
	[tilespmem:$0x1FC08] =	vst v63  }
0x31: {  	_ = 	snop  }
0x32: {  	[spmem:s18] =	stream.linear.scatter [tilespmem:s23], [sflag:$0x1], $0x2710, $0x38;
	[tilespmem:$0x1FC08] =	vst v63  }
0x33: {  	s0 =	simm.s32 $0x0  }
0x34: {  	[spmem:s19] =	stream.linear.scatter [tilespmem:s23], [sflag:$0x1], $0x2710, $0x38;
	[tilespmem:$0x1FC08] =	vst v63  }
0x35: {  	v3 =	vld [tilespmem:s0+$0x18F0]  }
0x36: {  	v4 =	vld [tilespmem:s0+$0x1880]  }
0x37: {  	s1 =	sshll.u32 s30, $0x1;
	v5 =	vld [tilespmem:s0+$0x1890]  }
0x38: {  	s31 =	sor.u32 s4, s1;
	v6 =	vld [tilespmem:s0+$0x70]  }
0x39: {  	s1 =	smul.u32 $0x7D, s31;
	v7 =	vld [tilespmem:s0+$0x18A0]  }
0x3a: {  	v13 =	vld [tilespmem:s0+$0x18E0]  }
0x3b: {  	v2 =	vmov s1;
	v8 =	vld [tilespmem:s0+$0x18B0]  }
0x3c: {  	v9 =	vld [tilespmem:s0+$0x18C0];
	v3 =	vsub.s32 v3, v2;
	v4 =	vsub.s32 v4, v2  }
0x3d: {  	v11 =	vld [tilespmem:s0+$0x18D0];
	v10 =	vmul.u32 $0x2800, v3;
	vm6 =	vlt.u32 v4, $0x7D;
	v12 =	vmul.u32 $0x2800, v4  }
0x3e: {  	v14 =	vld [tilespmem:s0+$0x0];
	v4 =	vsub.s32 v5, v2;
	vm0 =	vlt.u32 v3, $0x7D;
	v5 =	vsub.s32 v7, v2  }
0x3f: {  	v7 =	vsub.s32 v13, v2;
	v15 =	vmul.u32 $0x2800, v4;
	vm4 =	vlt.u32 v4, $0x7D  }
0x40: {  	v16 =	vld [tilespmem:s0+$0x10];
	v4 =	vsub.s32 v8, v2;
	vm5 =	vlt.u32 v7, $0x7D;
	v3 =	vadd.s32 v6, v10  }
0x41: {  	v8 =	vld [tilespmem:s0+$0x20];
	v7 =	vmul.u32 $0x2800, v7;
	vm1 =	vlt.u32 v4, $0x7D;
	v3 =	vnsel vm0, $0x138800, v3  }
0x42: {  	vm0 =	vlt.u32 v5, $0x7D;
	[tilespmem:s0+$0x3170] =	vst v3;
	v3 =	vmul.u32 $0x2800, v5;
	v5 =	vsub.s32 v9, v2;
	v9 =	vld [tilespmem:s0+$0x30]  }
0x43: {  	v4 =	vmul.u32 $0x2800, v4;
	v6 =	vsub.s32 v11, v2;
	v10 =	vld [tilespmem:s0+$0x40];
	v12 =	vadd.s32 v14, v12  }
0x44: {  	v11 =	vld [tilespmem:s0+$0x50];
	vm3 =	vlt.u32 v6, $0x7D;
	v6 =	vmul.u32 $0x2800, v6;
	v13 =	vnsel vm6, $0x138800, v12  }
0x45: {  	s22 =	simm.s32 $0x400;
	s1 =	simm.s32 $0x80;
	v14 =	vadd.s32 v16, v15;
	v12 =	vld [tilespmem:s0+$0x60];
	vm2 =	vlt.u32 v5, $0x7D;
	v5 =	vmul.u32 $0x2800, v5  }
.LBB2_5:
0x46: {  	p0 =	sne.s32 s22, $0x6000;
	v15 =	vld [tilespmem:s1+$0x18F0];
	[tilespmem:s0+$0x3100] =	vst v13;
	v13 =	vnsel vm4, $0x138800, v14;
	v3 =	vadd.s32 v8, v3  }
0x47: {  	v8 =	vld [tilespmem:s1+$0x1880];
	[tilespmem:s0+$0x3110] =	vst v13;
	v3 =	vnsel vm0, $0x138800, v3;
	v4 =	vadd.s32 v9, v4  }
0x48: {  	v9 =	vld [tilespmem:s1+$0x1890];
	[tilespmem:s0+$0x3120] =	vst v3;
	v3 =	vnsel vm1, $0x138800, v4;
	v4 =	vadd.s32 v10, v5  }
0x49: {  	v5 =	vld [tilespmem:s1+$0x70];
	[tilespmem:s0+$0x3130] =	vst v3;
	v3 =	vnsel vm2, $0x138800, v4;
	v4 =	vadd.s32 v11, v6  }
0x4a: {  	v6 =	vld [tilespmem:s1+$0x18A0];
	[tilespmem:s0+$0x3140] =	vst v3;
	v3 =	vnsel vm3, $0x138800, v4;
	v4 =	vadd.s32 v12, v7  }
0x4b: {  	v7 =	vld [tilespmem:s1+$0x18B0];
	v10 =	vsub.s32 v15, v2;
	[tilespmem:s0+$0x3150] =	vst v3;
	v3 =	vnsel vm5, $0x138800, v4  }
0x4c: {  	v4 =	vsub.s32 v8, v2;
	v11 =	vld [tilespmem:s1+$0x18C0];
	v8 =	vmul.u32 $0x2800, v10;
	[tilespmem:s0+$0x3160] =	vst v3;
	s0 =	smov.u32 s1  }
0x4d: {  	vm6 =	vlt.u32 v4, $0x7D;
	v12 =	vmul.u32 $0x2800, v4;
	v3 =	vsub.s32 v9, v2;
	v13 =	vld [tilespmem:s0+$0x18D0]  }
0x4e: {  	vm0 =	vlt.u32 v10, $0x7D;
	v14 =	vmul.u32 $0x2800, v3;
	v15 =	vld [tilespmem:s0+$0x18E0];
	v4 =	vadd.s32 v5, v8  }
0x4f: {  	vm4 =	vlt.u32 v3, $0x7D;
	v16 =	vld [tilespmem:s0+$0x0];
	v3 =	vsub.s32 v6, v2;
	v4 =	vnsel vm0, $0x138800, v4  }
0x50: {  	v17 =	vld [tilespmem:s0+$0x10];
	vm0 =	vlt.u32 v3, $0x7D;
	v3 =	vmul.u32 $0x2800, v3;
	v5 =	vsub.s32 v7, v2;
	[tilespmem:s0+$0x3170] =	vst v4  }
.Ltmp1:
0x51: {  	v8 =	vld [tilespmem:s0+$0x20];
	vm1 =	vlt.u32 v5, $0x7D;
	v4 =	vmul.u32 $0x2800, v5;
	v5 =	vsub.s32 v11, v2;
	(pc) =	sbr.rel @p0 .LBB2_5-.Ltmp1, $4  }
0x52: {  	v9 =	vld [tilespmem:s0+$0x30];
	vm2 =	vlt.u32 v5, $0x7D;
	v5 =	vmul.u32 $0x2800, v5;
	v6 =	vsub.s32 v13, v2  }
0x53: {  	v10 =	vld [tilespmem:s0+$0x40];
	vm3 =	vlt.u32 v6, $0x7D;
	v6 =	vmul.u32 $0x2800, v6;
	v7 =	vsub.s32 v15, v2  }
0x54: {  	v12 =	vadd.s32 v16, v12;
	v11 =	vld [tilespmem:s0+$0x50];
	vm5 =	vlt.u32 v7, $0x7D;
	v7 =	vmul.u32 $0x2800, v7  }
0x55: {  	s1 =	sshra.s32 s22, $0x2;
	s22 =	sadd.s32 $0x200, s22;
	v13 =	vnsel vm6, $0x138800, v12;
	v14 =	vadd.s32 v17, v14;
	v12 =	vld [tilespmem:s0+$0x60]  }
0x56: {  	v15 =	vld [tilespmem:s1+$0x18F0];
	[tilespmem:s0+$0x3100] =	vst v13;
	v41 =	vnsel vm4, $0x138800, v14;
	v3 =	vadd.s32 v8, v3  }
0x57: {  	v42 =	vld [tilespmem:s1+$0x1880];
	[tilespmem:s0+$0x3110] =	vst v41;
	v3 =	vnsel vm0, $0x138800, v3;
	v4 =	vadd.s32 v9, v4  }
0x58: {  	v43 =	vld [tilespmem:s1+$0x1890];
	[tilespmem:s0+$0x3120] =	vst v3;
	v3 =	vnsel vm1, $0x138800, v4;
	v5 =	vadd.s32 v10, v5  }
0x59: {  	v44 =	vld [tilespmem:s1+$0x70];
	[tilespmem:s0+$0x3130] =	vst v3;
	v3 =	vnsel vm2, $0x138800, v5;
	v6 =	vadd.s32 v11, v6  }
0x5a: {  	v45 =	vld [tilespmem:s1+$0x18A0];
	[tilespmem:s0+$0x3140] =	vst v3;
	v3 =	vnsel vm3, $0x138800, v6;
	v7 =	vadd.s32 v12, v7  }
0x5b: {  	v46 =	vld [tilespmem:s1+$0x18B0];
	[tilespmem:s0+$0x3150] =	vst v3;
	v3 =	vnsel vm5, $0x138800, v7  }
0x5c: {  	v47 =	vld [tilespmem:s1+$0x18C0];
	[tilespmem:s0+$0x3160] =	vst v3  }
0x5d: {  	v3 =	vsub.s32 v15, v2;
	v49 =	vld [tilespmem:s1+$0x18D0]  }
0x5e: {  	v52 =	vsub.s32 v42, v2;
	v48 =	vmul.u32 $0x2800, v3;
	v50 =	vld [tilespmem:s1+$0x18E0]  }
0x5f: {  	vm8 =	vlt.u32 v3, $0x7D;
	v51 =	vld [tilespmem:s1+$0x0];
	vm9 =	vlt.u32 v52, $0x7D;
	v9 =	vmul.u32 $0x2800, v52  }
0x60: {  	v53 =	vld [tilespmem:s1+$0x10];
	v8 =	vsub.s32 v43, v2;
	v3 =	vadd.s32 v44, v48;
	v5 =	vsub.s32 v45, v2  }
0x61: {  	v54 =	vld [tilespmem:s1+$0x20];
	vm10 =	vlt.u32 v8, $0x7D;
	v3 =	vnsel vm8, $0x138800, v3;
	vm11 =	vlt.u32 v5, $0x7D  }
0x62: {  	v13 =	vld [tilespmem:s1+$0x30];
	v5 =	vmul.u32 $0x2800, v5;
	v6 =	vsub.s32 v46, v2;
	[tilespmem:s1+$0x3170] =	vst v3;
	v3 =	vmul.u32 $0x2800, v8  }
0x63: {  	v55 =	vld [tilespmem:s1+$0x40];
	vm12 =	vlt.u32 v6, $0x7D;
	v6 =	vmul.u32 $0x2800, v6;
	v7 =	vsub.s32 v47, v2  }
0x64: {  	v56 =	vld [tilespmem:s1+$0x50];
	vm13 =	vlt.u32 v7, $0x7D;
	v7 =	vmul.u32 $0x2800, v7;
	v4 =	vadd.s32 v51, v9  }
0x65: {  	v57 =	vld [tilespmem:s1+$0x60];
	v10 =	vsub.s32 v49, v2;
	v4 =	vnsel vm9, $0x138800, v4;
	v3 =	vadd.s32 v53, v3  }
0x66: {  	v59 =	vadd.s32 v54, v5;
	v2 =	vsub.s32 v50, v2;
	[tilespmem:s1+$0x3100] =	vst v4;
	v3 =	vnsel vm10, $0x138800, v3  }
0x67: {  	v58 =	vmul.u32 $0x2800, v10;
	v60 =	vadd.s32 v13, v6;
	[tilespmem:s1+$0x3110] =	vst v3;
	v3 =	vnsel vm11, $0x138800, v59  }
0x68: {  	v61 =	vmul.u32 $0x2800, v2;
	v62 =	vadd.s32 v55, v7;
	[tilespmem:s1+$0x3120] =	vst v3;
	v3 =	vnsel vm12, $0x138800, v60  }
0x69: {  	vm14 =	vlt.u32 v10, $0x7D;
	v63 =	vadd.s32 v56, v58;
	[tilespmem:s1+$0x3130] =	vst v3;
	v3 =	vnsel vm13, $0x138800, v62  }
0x6a: {  	vm15 =	vlt.u32 v2, $0x7D;
	v2 =	vnsel vm14, $0x138800, v63;
	[tilespmem:s1+$0x3140] =	vst v3;
	v3 =	vadd.s32 v57, v61  }
0x6b: {  	[tilespmem:s1+$0x3150] =	vst v2;
	v2 =	vnsel vm15, $0x138800, v3  }
0x6c: {  	[tilespmem:s1+$0x3160] =	vst v2  }
0x6d: {  	_ =	swait.ge [sflag:s24], $0x2710  }
0x6e: {  	[sflag:s24] =	ssyncset.done $0x0  }
0x6f: {  	[sflag:s24] =	ssyncadd.s32 $0xFFFFD8F0  }
0x70: {  	_ =	swait.ge [sflag:s24], $0x2710  }
0x71: {  	[sflag:s24] =	ssyncset.done $0x0  }
0x72: {  	[sflag:s24] =	ssyncadd.s32 $0xFFFFD8F0  }
0x73: {  	_ =	swait.ge [sflag:s24], $0x2710  }
0x74: {  	[sflag:s24] =	ssyncset.done $0x0  }
0x75: {  	[sflag:s24] =	ssyncadd.s32 $0xFFFFD8F0  }
0x76: {  	_ =	swait.ge [sflag:s24], $0x2710  }
0x77: {  	[sflag:s24] =	ssyncset.done $0x0  }
0x78: {  	[sflag:s24] =	ssyncadd.s32 $0xFFFFD8F0  }
0x79: {  	_ =	swait.ge [sflag:s24], $0x2710  }
0x7a: {  	[sflag:s24] =	ssyncset.done $0x0  }
0x7b: {  	[sflag:s24] =	ssyncadd.s32 $0xFFFFD8F0  }
0x7c: {  	_ =	swait.ge [sflag:s24], $0x2710  }
0x7d: {  	[sflag:s24] =	ssyncset.done $0x0  }
0x7e: {  	[sflag:s24] =	ssyncadd.s32 $0xFFFFD8F0  }
0x7f: {  	_ =	swait.ge [sflag:s24], $0x2710  }
0x80: {  	[sflag:s24] =	ssyncset.done $0x0  }
0x81: {  	[sflag:s24] =	ssyncadd.s32 $0xFFFFD8F0  }
0x82: {  	_ =	swait.ge [sflag:s24], $0x2710  }
0x83: {  	[sflag:s24] =	ssyncset.done $0x0  }
0x84: {  	[sflag:s24] =	ssyncadd.s32 $0xFFFFD8F0  }
0x85: {  	s22 =	simm.s32 $0x3100;
	[bflag:$0x0] =	sbarrier.arrive $0xFFFF  }
0x86: {  	[spmem:s2] =	stream.indirect.scatter.add.s32 [tilespmem:s28], [sflag:$0x2], $0x1, s22, s25, $0xb8;
	[tilespmem:$0x1FC08] =	vst v63  }
0x87: {  	s1 =	simm.s32 $0x3180  }
0x88: {  	[spmem:s2] =	stream.indirect.scatter.add.s32 [tilespmem:s28], [sflag:$0x2], $0x1, s1, s25, $0xb8;
	[tilespmem:$0x1FC08] =	vst v63  }
0x89: {  	s22 =	simm.s32 $0x3200  }
0x8a: {  	[spmem:s2] =	stream.indirect.scatter.add.s32 [tilespmem:s28], [sflag:$0x2], $0x1, s22, s25, $0xb8;
	[tilespmem:$0x1FC08] =	vst v63  }
0x8b: {  	s1 =	simm.s32 $0x3280  }
0x8c: {  	[spmem:s2] =	stream.indirect.scatter.add.s32 [tilespmem:s28], [sflag:$0x2], $0x1, s1, s25, $0xb8;
	[tilespmem:$0x1FC08] =	vst v63  }
0x8d: {  	s22 =	simm.s32 $0x3300  }
0x8e: {  	[spmem:s2] =	stream.indirect.scatter.add.s32 [tilespmem:s28], [sflag:$0x2], $0x1, s22, s25, $0xb8;
	[tilespmem:$0x1FC08] =	vst v63  }
0x8f: {  	s1 =	simm.s32 $0x3380  }
0x90: {  	[spmem:s2] =	stream.indirect.scatter.add.s32 [tilespmem:s28], [sflag:$0x2], $0x1, s1, s25, $0xb8;
	[tilespmem:$0x1FC08] =	vst v63  }
0x91: {  	s22 =	simm.s32 $0x3400  }
0x92: {  	[spmem:s2] =	stream.indirect.scatter.add.s32 [tilespmem:s28], [sflag:$0x2], $0x1, s22, s25, $0xb8;
	[tilespmem:$0x1FC08] =	vst v63  }
0x93: {  	s1 =	simm.s32 $0x3480  }
0x94: {  	[spmem:s2] =	stream.indirect.scatter.add.s32 [tilespmem:s28], [sflag:$0x2], $0x1, s1, s25, $0xb8;
	[tilespmem:$0x1FC08] =	vst v63  }
0x95: {  	s22 =	simm.s32 $0x3500  }
0x96: {  	[spmem:s2] =	stream.indirect.scatter.add.s32 [tilespmem:s28], [sflag:$0x2], $0x1, s22, s25, $0xb8;
	[tilespmem:$0x1FC08] =	vst v63  }
0x97: {  	s1 =	simm.s32 $0x3580  }
0x98: {  	[spmem:s2] =	stream.indirect.scatter.add.s32 [tilespmem:s28], [sflag:$0x2], $0x1, s1, s25, $0xb8;
	[tilespmem:$0x1FC08] =	vst v63  }
0x99: {  	s22 =	simm.s32 $0x3600  }
0x9a: {  	[spmem:s2] =	stream.indirect.scatter.add.s32 [tilespmem:s28], [sflag:$0x2], $0x1, s22, s25, $0xb8;
	[tilespmem:$0x1FC08] =	vst v63  }
0x9b: {  	s1 =	simm.s32 $0x3680  }
0x9c: {  	[spmem:s2] =	stream.indirect.scatter.add.s32 [tilespmem:s28], [sflag:$0x2], $0x1, s1, s25, $0xb8;
	[tilespmem:$0x1FC08] =	vst v63  }
0x9d: {  	s22 =	simm.s32 $0x3700  }
0x9e: {  	[spmem:s2] =	stream.indirect.scatter.add.s32 [tilespmem:s28], [sflag:$0x2], $0x1, s22, s25, $0xb8;
	[tilespmem:$0x1FC08] =	vst v63  }
0x9f: {  	s1 =	simm.s32 $0x3780  }
0xa0: {  	[spmem:s2] =	stream.indirect.scatter.add.s32 [tilespmem:s28], [sflag:$0x2], $0x1, s1, s25, $0xb8;
	[tilespmem:$0x1FC08] =	vst v63  }
0xa1: {  	s22 =	simm.s32 $0x3800  }
0xa2: {  	[spmem:s2] =	stream.indirect.scatter.add.s32 [tilespmem:s28], [sflag:$0x2], $0x1, s22, s25, $0xb8;
	[tilespmem:$0x1FC08] =	vst v63  }
0xa3: {  	s1 =	simm.s32 $0x3880  }
0xa4: {  	[spmem:s2] =	stream.indirect.scatter.add.s32 [tilespmem:s28], [sflag:$0x2], $0x1, s1, s25, $0xb8;
	[tilespmem:$0x1FC08] =	vst v63  }
0xa5: {  	s22 =	simm.s32 $0x3900  }
0xa6: {  	[spmem:s2] =	stream.indirect.scatter.add.s32 [tilespmem:s28], [sflag:$0x2], $0x1, s22, s25, $0xb8;
	[tilespmem:$0x1FC08] =	vst v63  }
0xa7: {  	s1 =	simm.s32 $0x3980  }
0xa8: {  	[spmem:s2] =	stream.indirect.scatter.add.s32 [tilespmem:s28], [sflag:$0x2], $0x1, s1, s25, $0xb8;
	[tilespmem:$0x1FC08] =	vst v63  }
0xa9: {  	s22 =	simm.s32 $0x3A00  }
0xaa: {  	[spmem:s2] =	stream.indirect.scatter.add.s32 [tilespmem:s28], [sflag:$0x2], $0x1, s22, s25, $0xb8;
	[tilespmem:$0x1FC08] =	vst v63  }
0xab: {  	s1 =	simm.s32 $0x3A80  }
0xac: {  	[spmem:s2] =	stream.indirect.scatter.add.s32 [tilespmem:s28], [sflag:$0x2], $0x1, s1, s25, $0xb8;
	[tilespmem:$0x1FC08] =	vst v63  }
0xad: {  	s22 =	simm.s32 $0x3B00  }
0xae: {  	[spmem:s2] =	stream.indirect.scatter.add.s32 [tilespmem:s28], [sflag:$0x2], $0x1, s22, s25, $0xb8;
	[tilespmem:$0x1FC08] =	vst v63  }
0xaf: {  	s1 =	simm.s32 $0x3B80  }
0xb0: {  	[spmem:s2] =	stream.indirect.scatter.add.s32 [tilespmem:s28], [sflag:$0x2], $0x1, s1, s25, $0xb8;
	[tilespmem:$0x1FC08] =	vst v63  }
0xb1: {  	s22 =	simm.s32 $0x3C00  }
0xb2: {  	[spmem:s2] =	stream.indirect.scatter.add.s32 [tilespmem:s28], [sflag:$0x2], $0x1, s22, s25, $0xb8;
	[tilespmem:$0x1FC08] =	vst v63  }
0xb3: {  	s1 =	simm.s32 $0x3C80  }
0xb4: {  	[spmem:s2] =	stream.indirect.scatter.add.s32 [tilespmem:s28], [sflag:$0x2], $0x1, s1, s25, $0xb8;
	[tilespmem:$0x1FC08] =	vst v63  }
0xb5: {  	s22 =	simm.s32 $0x3D00  }
0xb6: {  	[spmem:s2] =	stream.indirect.scatter.add.s32 [tilespmem:s28], [sflag:$0x2], $0x1, s22, s25, $0xb8;
	[tilespmem:$0x1FC08] =	vst v63  }
0xb7: {  	s1 =	simm.s32 $0x3D80  }
0xb8: {  	[spmem:s2] =	stream.indirect.scatter.add.s32 [tilespmem:s28], [sflag:$0x2], $0x1, s1, s25, $0xb8;
	[tilespmem:$0x1FC08] =	vst v63  }
0xb9: {  	s22 =	simm.s32 $0x3E00  }
0xba: {  	[spmem:s2] =	stream.indirect.scatter.add.s32 [tilespmem:s28], [sflag:$0x2], $0x1, s22, s25, $0xb8;
	[tilespmem:$0x1FC08] =	vst v63  }
0xbb: {  	s1 =	simm.s32 $0x3E80  }
0xbc: {  	[spmem:s2] =	stream.indirect.scatter.add.s32 [tilespmem:s28], [sflag:$0x2], $0x1, s1, s25, $0xb8;
	[tilespmem:$0x1FC08] =	vst v63  }
0xbd: {  	s22 =	simm.s32 $0x3F00  }
0xbe: {  	[spmem:s2] =	stream.indirect.scatter.add.s32 [tilespmem:s28], [sflag:$0x2], $0x1, s22, s25, $0xb8;
	[tilespmem:$0x1FC08] =	vst v63  }
0xbf: {  	s1 =	simm.s32 $0x3F80  }
0xc0: {  	[spmem:s2] =	stream.indirect.scatter.add.s32 [tilespmem:s28], [sflag:$0x2], $0x1, s1, s25, $0xb8;
	[tilespmem:$0x1FC08] =	vst v63  }
0xc1: {  	s22 =	simm.s32 $0x4000  }
0xc2: {  	[spmem:s2] =	stream.indirect.scatter.add.s32 [tilespmem:s28], [sflag:$0x2], $0x1, s22, s25, $0xb8;
	[tilespmem:$0x1FC08] =	vst v63  }
0xc3: {  	s1 =	simm.s32 $0x4080  }
0xc4: {  	[spmem:s2] =	stream.indirect.scatter.add.s32 [tilespmem:s28], [sflag:$0x2], $0x1, s1, s25, $0xb8;
	[tilespmem:$0x1FC08] =	vst v63  }
0xc5: {  	s22 =	simm.s32 $0x4100  }
0xc6: {  	[spmem:s2] =	stream.indirect.scatter.add.s32 [tilespmem:s28], [sflag:$0x2], $0x1, s22, s25, $0xb8;
	[tilespmem:$0x1FC08] =	vst v63  }
0xc7: {  	s1 =	simm.s32 $0x4180  }
0xc8: {  	[spmem:s2] =	stream.indirect.scatter.add.s32 [tilespmem:s28], [sflag:$0x2], $0x1, s1, s25, $0xb8;
	[tilespmem:$0x1FC08] =	vst v63  }
0xc9: {  	s22 =	simm.s32 $0x4200  }
0xca: {  	[spmem:s2] =	stream.indirect.scatter.add.s32 [tilespmem:s28], [sflag:$0x2], $0x1, s22, s25, $0xb8;
	[tilespmem:$0x1FC08] =	vst v63  }
0xcb: {  	s1 =	simm.s32 $0x4280  }
0xcc: {  	[spmem:s2] =	stream.indirect.scatter.add.s32 [tilespmem:s28], [sflag:$0x2], $0x1, s1, s25, $0xb8;
	[tilespmem:$0x1FC08] =	vst v63  }
0xcd: {  	s22 =	simm.s32 $0x4300  }
0xce: {  	[spmem:s2] =	stream.indirect.scatter.add.s32 [tilespmem:s28], [sflag:$0x2], $0x1, s22, s25, $0xb8;
	[tilespmem:$0x1FC08] =	vst v63  }
0xcf: {  	s1 =	simm.s32 $0x4380  }
0xd0: {  	[spmem:s2] =	stream.indirect.scatter.add.s32 [tilespmem:s28], [sflag:$0x2], $0x1, s1, s25, $0xb8;
	[tilespmem:$0x1FC08] =	vst v63  }
0xd1: {  	s22 =	simm.s32 $0x4400  }
0xd2: {  	[spmem:s2] =	stream.indirect.scatter.add.s32 [tilespmem:s28], [sflag:$0x2], $0x1, s22, s25, $0xb8;
	[tilespmem:$0x1FC08] =	vst v63  }
0xd3: {  	s1 =	simm.s32 $0x4480  }
0xd4: {  	[spmem:s2] =	stream.indirect.scatter.add.s32 [tilespmem:s28], [sflag:$0x2], $0x1, s1, s25, $0xb8;
	[tilespmem:$0x1FC08] =	vst v63  }
0xd5: {  	s22 =	simm.s32 $0x4500  }
0xd6: {  	[spmem:s2] =	stream.indirect.scatter.add.s32 [tilespmem:s28], [sflag:$0x2], $0x1, s22, s25, $0xb8;
	[tilespmem:$0x1FC08] =	vst v63  }
0xd7: {  	s1 =	simm.s32 $0x4580  }
0xd8: {  	[spmem:s2] =	stream.indirect.scatter.add.s32 [tilespmem:s28], [sflag:$0x2], $0x1, s1, s25, $0xb8;
	[tilespmem:$0x1FC08] =	vst v63  }
0xd9: {  	s22 =	simm.s32 $0x4600  }
0xda: {  	[spmem:s2] =	stream.indirect.scatter.add.s32 [tilespmem:s28], [sflag:$0x2], $0x1, s22, s25, $0xb8;
	[tilespmem:$0x1FC08] =	vst v63  }
0xdb: {  	s1 =	simm.s32 $0x4680  }
0xdc: {  	[spmem:s2] =	stream.indirect.scatter.add.s32 [tilespmem:s28], [sflag:$0x2], $0x1, s1, s25, $0xb8;
	[tilespmem:$0x1FC08] =	vst v63  }
0xdd: {  	s22 =	simm.s32 $0x4700  }
0xde: {  	[spmem:s2] =	stream.indirect.scatter.add.s32 [tilespmem:s28], [sflag:$0x2], $0x1, s22, s25, $0xb8;
	[tilespmem:$0x1FC08] =	vst v63  }
0xdf: {  	s1 =	simm.s32 $0x4780  }
0xe0: {  	[spmem:s2] =	stream.indirect.scatter.add.s32 [tilespmem:s28], [sflag:$0x2], $0x1, s1, s25, $0xb8;
	[tilespmem:$0x1FC08] =	vst v63  }
0xe1: {  	s22 =	simm.s32 $0x4800  }
0xe2: {  	[spmem:s2] =	stream.indirect.scatter.add.s32 [tilespmem:s28], [sflag:$0x2], $0x1, s22, s25, $0xb8;
	[tilespmem:$0x1FC08] =	vst v63  }
0xe3: {  	_ = 	snop  }
0xe4: {  	[spmem:s2] =	stream.indirect.scatter.add.s32 [tilespmem:s28], [sflag:$0x2], $0x1, s7, s25, $0xb8;
	[tilespmem:$0x1FC08] =	vst v63  }
0xe5: {  	_ = 	snop  }
0xe6: {  	[spmem:s2] =	stream.indirect.scatter.add.s32 [tilespmem:s28], [sflag:$0x2], $0x1, s8, s25, $0xb8;
	[tilespmem:$0x1FC08] =	vst v63  }
0xe7: {  	_ =	swait.ge [sflag:s20], $0x80  }
0xe8: {  	[sflag:s20] =	ssyncset.done $0x0  }
0xe9: {  	[sflag:s20] =	ssyncadd.s32 $0xFFFFFF80  }
0xea: {  	_ =	swait.ge [sflag:s20], $0x80  }
0xeb: {  	[sflag:s20] =	ssyncset.done $0x0  }
0xec: {  	[sflag:s20] =	ssyncadd.s32 $0xFFFFFF80  }
0xed: {  	_ =	swait.ge [sflag:s20], $0x80  }
0xee: {  	[sflag:s20] =	ssyncset.done $0x0  }
0xef: {  	[sflag:s20] =	ssyncadd.s32 $0xFFFFFF80  }
0xf0: {  	_ =	swait.ge [sflag:s20], $0x80  }
0xf1: {  	[sflag:s20] =	ssyncset.done $0x0  }
0xf2: {  	[sflag:s20] =	ssyncadd.s32 $0xFFFFFF80  }
0xf3: {  	_ =	swait.ge [sflag:s20], $0x80  }
0xf4: {  	[sflag:s20] =	ssyncset.done $0x0  }
0xf5: {  	[sflag:s20] =	ssyncadd.s32 $0xFFFFFF80  }
0xf6: {  	_ =	swait.ge [sflag:s20], $0x80  }
0xf7: {  	[sflag:s20] =	ssyncset.done $0x0  }
0xf8: {  	[sflag:s20] =	ssyncadd.s32 $0xFFFFFF80  }
0xf9: {  	_ =	swait.ge [sflag:s20], $0x80  }
0xfa: {  	[sflag:s20] =	ssyncset.done $0x0  }
0xfb: {  	[sflag:s20] =	ssyncadd.s32 $0xFFFFFF80  }
0xfc: {  	_ =	swait.ge [sflag:s20], $0x80  }
0xfd: {  	[sflag:s20] =	ssyncset.done $0x0  }
0xfe: {  	[sflag:s20] =	ssyncadd.s32 $0xFFFFFF80  }
0xff: {  	_ =	swait.ge [sflag:s20], $0x80  }
0x100: {  	[sflag:s20] =	ssyncset.done $0x0  }
0x101: {  	[sflag:s20] =	ssyncadd.s32 $0xFFFFFF80  }
0x102: {  	_ =	swait.ge [sflag:s20], $0x80  }
0x103: {  	[sflag:s20] =	ssyncset.done $0x0  }
0x104: {  	[sflag:s20] =	ssyncadd.s32 $0xFFFFFF80  }
0x105: {  	_ =	swait.ge [sflag:s20], $0x80  }
0x106: {  	[sflag:s20] =	ssyncset.done $0x0  }
0x107: {  	[sflag:s20] =	ssyncadd.s32 $0xFFFFFF80  }
0x108: {  	_ =	swait.ge [sflag:s20], $0x80  }
0x109: {  	[sflag:s20] =	ssyncset.done $0x0  }
0x10a: {  	[sflag:s20] =	ssyncadd.s32 $0xFFFFFF80  }
0x10b: {  	_ =	swait.ge [sflag:s20], $0x80  }
0x10c: {  	[sflag:s20] =	ssyncset.done $0x0  }
0x10d: {  	[sflag:s20] =	ssyncadd.s32 $0xFFFFFF80  }
0x10e: {  	_ =	swait.ge [sflag:s20], $0x80  }
0x10f: {  	[sflag:s20] =	ssyncset.done $0x0  }
0x110: {  	[sflag:s20] =	ssyncadd.s32 $0xFFFFFF80  }
0x111: {  	_ =	swait.ge [sflag:s20], $0x80  }
0x112: {  	[sflag:s20] =	ssyncset.done $0x0  }
0x113: {  	[sflag:s20] =	ssyncadd.s32 $0xFFFFFF80  }
0x114: {  	_ =	swait.ge [sflag:s20], $0x80  }
0x115: {  	[sflag:s20] =	ssyncset.done $0x0  }
0x116: {  	[sflag:s20] =	ssyncadd.s32 $0xFFFFFF80  }
0x117: {  	_ =	swait.ge [sflag:s20], $0x80  }
0x118: {  	[sflag:s20] =	ssyncset.done $0x0  }
0x119: {  	[sflag:s20] =	ssyncadd.s32 $0xFFFFFF80  }
0x11a: {  	_ =	swait.ge [sflag:s20], $0x80  }
0x11b: {  	[sflag:s20] =	ssyncset.done $0x0  }
0x11c: {  	[sflag:s20] =	ssyncadd.s32 $0xFFFFFF80  }
0x11d: {  	_ =	swait.ge [sflag:s20], $0x80  }
0x11e: {  	[sflag:s20] =	ssyncset.done $0x0  }
0x11f: {  	[sflag:s20] =	ssyncadd.s32 $0xFFFFFF80  }
0x120: {  	_ =	swait.ge [sflag:s20], $0x80  }
0x121: {  	[sflag:s20] =	ssyncset.done $0x0  }
0x122: {  	[sflag:s20] =	ssyncadd.s32 $0xFFFFFF80  }
0x123: {  	_ =	swait.ge [sflag:s20], $0x80  }
0x124: {  	[sflag:s20] =	ssyncset.done $0x0  }
0x125: {  	[sflag:s20] =	ssyncadd.s32 $0xFFFFFF80  }
0x126: {  	_ =	swait.ge [sflag:s20], $0x80  }
0x127: {  	[sflag:s20] =	ssyncset.done $0x0  }
0x128: {  	[sflag:s20] =	ssyncadd.s32 $0xFFFFFF80  }
0x129: {  	_ =	swait.ge [sflag:s20], $0x80  }
0x12a: {  	[sflag:s20] =	ssyncset.done $0x0  }
0x12b: {  	[sflag:s20] =	ssyncadd.s32 $0xFFFFFF80  }
0x12c: {  	_ =	swait.ge [sflag:s20], $0x80  }
0x12d: {  	[sflag:s20] =	ssyncset.done $0x0  }
0x12e: {  	[sflag:s20] =	ssyncadd.s32 $0xFFFFFF80  }
0x12f: {  	_ =	swait.ge [sflag:s20], $0x80  }
0x130: {  	[sflag:s20] =	ssyncset.done $0x0  }
0x131: {  	[sflag:s20] =	ssyncadd.s32 $0xFFFFFF80  }
0x132: {  	_ =	swait.ge [sflag:s20], $0x80  }
0x133: {  	[sflag:s20] =	ssyncset.done $0x0  }
0x134: {  	[sflag:s20] =	ssyncadd.s32 $0xFFFFFF80  }
0x135: {  	_ =	swait.ge [sflag:s20], $0x80  }
0x136: {  	[sflag:s20] =	ssyncset.done $0x0  }
0x137: {  	[sflag:s20] =	ssyncadd.s32 $0xFFFFFF80  }
0x138: {  	_ =	swait.ge [sflag:s20], $0x80  }
0x139: {  	[sflag:s20] =	ssyncset.done $0x0  }
0x13a: {  	[sflag:s20] =	ssyncadd.s32 $0xFFFFFF80  }
0x13b: {  	_ =	swait.ge [sflag:s20], $0x80  }
0x13c: {  	[sflag:s20] =	ssyncset.done $0x0  }
0x13d: {  	[sflag:s20] =	ssyncadd.s32 $0xFFFFFF80  }
0x13e: {  	_ =	swait.ge [sflag:s20], $0x80  }
0x13f: {  	[sflag:s20] =	ssyncset.done $0x0  }
0x140: {  	[sflag:s20] =	ssyncadd.s32 $0xFFFFFF80  }
0x141: {  	_ =	swait.ge [sflag:s20], $0x80  }
0x142: {  	[sflag:s20] =	ssyncset.done $0x0  }
0x143: {  	[sflag:s20] =	ssyncadd.s32 $0xFFFFFF80  }
0x144: {  	_ =	swait.ge [sflag:s20], $0x80  }
0x145: {  	[sflag:s20] =	ssyncset.done $0x0  }
0x146: {  	[sflag:s20] =	ssyncadd.s32 $0xFFFFFF80  }
0x147: {  	_ =	swait.ge [sflag:s20], $0x80  }
0x148: {  	[sflag:s20] =	ssyncset.done $0x0  }
0x149: {  	[sflag:s20] =	ssyncadd.s32 $0xFFFFFF80  }
0x14a: {  	_ =	swait.ge [sflag:s20], $0x80  }
0x14b: {  	[sflag:s20] =	ssyncset.done $0x0  }
0x14c: {  	[sflag:s20] =	ssyncadd.s32 $0xFFFFFF80  }
0x14d: {  	_ =	swait.ge [sflag:s20], $0x80  }
0x14e: {  	[sflag:s20] =	ssyncset.done $0x0  }
0x14f: {  	[sflag:s20] =	ssyncadd.s32 $0xFFFFFF80  }
0x150: {  	_ =	swait.ge [sflag:s20], $0x80  }
0x151: {  	[sflag:s20] =	ssyncset.done $0x0  }
0x152: {  	[sflag:s20] =	ssyncadd.s32 $0xFFFFFF80  }
0x153: {  	_ =	swait.ge [sflag:s20], $0x80  }
0x154: {  	[sflag:s20] =	ssyncset.done $0x0  }
0x155: {  	[sflag:s20] =	ssyncadd.s32 $0xFFFFFF80  }
0x156: {  	_ =	swait.ge [sflag:s20], $0x80  }
0x157: {  	[sflag:s20] =	ssyncset.done $0x0  }
0x158: {  	[sflag:s20] =	ssyncadd.s32 $0xFFFFFF80  }
0x159: {  	_ =	swait.ge [sflag:s20], $0x80  }
0x15a: {  	[sflag:s20] =	ssyncset.done $0x0  }
0x15b: {  	[sflag:s20] =	ssyncadd.s32 $0xFFFFFF80  }
0x15c: {  	_ =	swait.ge [sflag:s20], $0x80  }
0x15d: {  	[sflag:s20] =	ssyncset.done $0x0  }
0x15e: {  	[sflag:s20] =	ssyncadd.s32 $0xFFFFFF80  }
0x15f: {  	_ =	swait.ge [sflag:s20], $0x80  }
0x160: {  	[sflag:s20] =	ssyncset.done $0x0  }
0x161: {  	[sflag:s20] =	ssyncadd.s32 $0xFFFFFF80  }
0x162: {  	_ =	swait.ge [sflag:s20], $0x80  }
0x163: {  	[sflag:s20] =	ssyncset.done $0x0  }
0x164: {  	[sflag:s20] =	ssyncadd.s32 $0xFFFFFF80  }
0x165: {  	_ =	swait.ge [sflag:s20], $0x80  }
0x166: {  	[sflag:s20] =	ssyncset.done $0x0  }
0x167: {  	[sflag:s20] =	ssyncadd.s32 $0xFFFFFF80  }
0x168: {  	_ =	swait.ge [sflag:s20], $0x80  }
0x169: {  	[sflag:s20] =	ssyncset.done $0x0  }
0x16a: {  	[sflag:s20] =	ssyncadd.s32 $0xFFFFFF80  }
0x16b: {  	_ =	swait.ge [sflag:s20], $0x80  }
0x16c: {  	[sflag:s20] =	ssyncset.done $0x0  }
0x16d: {  	[sflag:s20] =	ssyncadd.s32 $0xFFFFFF80  }
0x16e: {  	_ =	swait.ge [sflag:s20], $0x80  }
0x16f: {  	[sflag:s20] =	ssyncset.done $0x0  }
0x170: {  	[sflag:s20] =	ssyncadd.s32 $0xFFFFFF80  }
0x171: {  	_ =	swait.ge [sflag:s20], $0x80  }
0x172: {  	[sflag:s20] =	ssyncset.done $0x0  }
0x173: {  	[sflag:s20] =	ssyncadd.s32 $0xFFFFFF80  }
0x174: {  	_ =	swait.ge [sflag:s20], $0x80  }
0x175: {  	[sflag:s20] =	ssyncset.done $0x0  }
0x176: {  	[sflag:s20] =	ssyncadd.s32 $0xFFFFFF80  }
0x177: {  	_ =	swait.ge [sflag:s20], $0x80  }
0x178: {  	[sflag:s20] =	ssyncset.done $0x0  }
0x179: {  	[sflag:s20] =	ssyncadd.s32 $0xFFFFFF80  }
0x17a: {  	[bflag:$0x0] =	sbarrier.arrive $0xFFFF  }
0x17b: {  	[tilespmem:s26], [sflag:$0x4] =	stream.linear.gather [spmem:s2], $0x10, $0x38;
	[tilespmem:$0x1FC08] =	vst v63  }
0x17c: {  	_ =	swait.ge [sflag:s21], $0x10  }
0x17d: {  	[sflag:s21] =	ssyncset.done $0x0  }
0x17e: {  	p0 =	seq.s32 s30, $0x0;
	[sflag:s21] =	ssyncadd.s32 $0xFFFFFFF0  }
0x17f: {  	s0 =	simm.s32 @!p0 $0x3;
	[bflag:$0x0] =	sbarrier.arrive $0xFFFF  }
0x180: {  	_ =	swait.ge @!p0 [sflag:s0], $0x4E20  }
0x181: {  	[sflag:s0] =	ssyncset.done @!p0 $0x0  }
0x182: {  	[sflag:s0] =	ssyncadd.s32 @!p0 $0xFFFFB1E0;
	s0 =	smul.u32 $0x138800, s31  }
0x183: {  	[tilespmem:s26], [sflag:$0x4] =	stream.linear.gather [spmem:s9], $0x4E20, $0x38;
	[tilespmem:$0x1FC08] =	vst v63  }
0x184: {  	_ =	swait.ge [sflag:s21], $0x4E20;
	s31 =	sadd.s32 s5, s0  }
0x185: {  	[sflag:s21] =	ssyncset.done $0x0;
	s1 =	sshrl.u32 s31, $0x3  }
0x186: {  	[sflag:s21] =	ssyncadd.s32 $0xFFFFB1E0;
	s1 =	sadd.s32 s6, s1  }
0x187: {  	[hbm4b:s1+s3] =	stream.linear.scatter [tilespmem:s26], [sflag:$0x3], $0x4E20, $0x38;
	[tilespmem:$0x1FC08] =	vst v63  }
0x188: {  	_ =	swait.ge [sflag:s29], $0x4E20  }
0x189: {  	[sflag:s29] =	ssyncset.done $0x0  }
0x18a: {  	[sflag:s29] =	ssyncadd.s32 $0xFFFFB1E0  }
0x18b: {  	[tilespmem:s26], [sflag:$0x4] =	stream.linear.gather [spmem:s12], $0x4E20, $0x38;
	[tilespmem:$0x1FC08] =	vst v63  }
0x18c: {  	s22 =	sadd.s32 s10, s0;
	_ =	swait.ge [sflag:s21], $0x4E20  }
0x18d: {  	s1 =	sshrl.u32 s22, $0x3;
	[sflag:s21] =	ssyncset.done $0x0  }
0x18e: {  	s1 =	sadd.s32 s6, s1;
	[sflag:s21] =	ssyncadd.s32 $0xFFFFB1E0  }
0x18f: {  	[hbm4b:s1+s3] =	stream.linear.scatter [tilespmem:s26], [sflag:$0x3], $0x4E20, $0x38;
	[tilespmem:$0x1FC08] =	vst v63  }
0x190: {  	_ =	swait.ge [sflag:s29], $0x4E20  }
0x191: {  	[sflag:s29] =	ssyncset.done $0x0  }
0x192: {  	[sflag:s29] =	ssyncadd.s32 $0xFFFFB1E0  }
0x193: {  	[tilespmem:s26], [sflag:$0x4] =	stream.linear.gather [spmem:s15], $0x4E20, $0x38;
	[tilespmem:$0x1FC08] =	vst v63  }
0x194: {  	s31 =	sadd.s32 s13, s0;
	_ =	swait.ge [sflag:s21], $0x4E20  }
0x195: {  	s1 =	sshrl.u32 s31, $0x3;
	[sflag:s21] =	ssyncset.done $0x0  }
0x196: {  	s1 =	sadd.s32 s6, s1;
	[sflag:s21] =	ssyncadd.s32 $0xFFFFB1E0  }
0x197: {  	[hbm4b:s1+s3] =	stream.linear.scatter [tilespmem:s26], [sflag:$0x3], $0x4E20, $0x38;
	[tilespmem:$0x1FC08] =	vst v63  }
0x198: {  	_ =	swait.ge [sflag:s29], $0x4E20  }
0x199: {  	s30 =	sadd.s32 $0x1, s30;
	[sflag:s29] =	ssyncset.done $0x0  }
0x19a: {  	p0 =	sne.s32 s30, $0x8;
	[sflag:s29] =	ssyncadd.s32 $0xFFFFB1E0  }
0x19b: {  	[tilespmem:s26], [sflag:$0x4] =	stream.linear.gather [spmem:s18], $0x4E20, $0x38;
	[tilespmem:$0x1FC08] =	vst v63  }
.Ltmp2:
0x19c: {  	_ = 	snop;
	(pc) =	sbr.rel @p0 .LBB2_4-.Ltmp2, $4  }
0x19d: {  	s0 =	sadd.s32 s16, s0;
	_ =	swait.ge [sflag:s21], $0x4E20  }
0x19e: {  	s0 =	sshrl.u32 s0, $0x3;
	[sflag:s21] =	ssyncset.done $0x0  }
0x19f: {  	s0 =	sadd.s32 s6, s0;
	[sflag:s21] =	ssyncadd.s32 $0xFFFFB1E0  }
0x1a0: {  	[hbm4b:s0+s3] =	stream.linear.scatter [tilespmem:s26], [sflag:$0x3], $0x4E20, $0x38;
	[tilespmem:$0x1FC08] =	vst v63  }
0x1a1: {  	_ =	swait.ge [sflag:s29], $0x4E20  }
0x1a2: {  	s1 =	rddreg [dreg:$0x7]  }
0x1a3: {  	s0 =	rddreg [dreg:$0x6];
	s1 =	sadd.s32 $0x1, s1  }
0x1a4: {  	p0 =	sne.s32 s1, s0  }
.Ltmp3:
0x1a5: {  	_ = 	snop;
	(pc) =	sbr.rel @p0 .LBB2_1-.Ltmp3, $3  }
0x1a6: {  	_ =	sdelay $0x1  }
0x1a7: {  	[sflag:s29] =	ssyncset.done $0x0  }
0x1a8: {  	[sflag:s29] =	ssyncadd.s32 $0xFFFFB1E0  }
0x1a9: {  	_ =	sfence.sel $0x180000  }
0x1aa: {  	[bflag:$0x0] =	sbarrier.arrive $0xFFFF  }
0x1ab: {  	_ =	strace $0x90000047  }
0x1ac: {  	s0 =	stileid.u32;
	[bflag:$0x2] =	sbarrier.arrive $0xFFFF  }
0x1ad: {  	p0 =	sne.s32 s0, $0x0;
	s0 =	rddreg [dreg:$0x3]  }
0x1ae: {  	s0 =	sadd.s32 @!p0 $0x100000, s0  }
0x1af: {  	[sflag:s0] =	ssyncadd.tile.s32 @!p0 $0x1;
	_ =	shalt  }
.Lfunc_end2:
_tile_overlayer_lowered:
.L_overlay_start_2:
0x1b0: {  	(tag) =	ssettag $0x2  }
0x1b1: {  	s0 =	rddreg [dreg:$0x0];
	s2 =	stileid.u32  }
0x1b2: {  	s1 =	rddreg [dreg:$0x1];
	p0 =	sne.s32 s2, $0x0  }
0x1b3: {  	s3 =	rddreg [dreg:$0x2];
	[bflag:$0x3] =	sbarrier.arrive $0xFFFF;
	s2 =	simm.s32 @!p0 $0x1C04  }
0x1b4: {  	[timem:s3], [sflag:s2] =	dma.local @!p0 [hbm:s0], s1  }
0x1b5: {  	s0 =	simm.s32 @!p0 $0x4  }
0x1b6: {  	_ =	swait.ge @!p0 [sflag:s0], s1  }
0x1b7: {  	s1 =	ssub.s32 @!p0 $0x0, s1;
	[sflag:s0] =	ssyncset.done @!p0 $0x0  }
0x1b8: {  	[sflag:s0] =	ssyncadd.s32 @!p0 s1  }
0x1b9: {  	[bflag:$0x3] =	sbarrier.arrive $0xFFFF  }
0x1ba: {  	_ =	shalt  }

</sc_bundles>
